<compile_context>
chip_gen: v7x
topology: tpu7x:2x2x1
jax: 0.10.2.dev20260603
libtpu: 0.0.44.dev20260713+nightly
codegen_flags: <defaults>
</compile_context>

<pallas_src>
import functools

import jax
import jax.numpy as jnp
from jax import lax
from jax.experimental import pallas as pl
from jax.experimental.pallas import tpu as pltpu
from jax.experimental.pallas import tpu_sc as plsc

N = 10000
E = 160000
NT = 16
NC = 2
INIT_TILES = 10
INIT_ROWS = N // INIT_TILES


def _sc_mesh():
    return plsc.VectorSubcoreMesh(core_axis_name="c", subcore_axis_name="s",
                                  num_cores=NC, num_subcores=NT)




_DEG_E_TILE = E // (NC * NT)
_DEG_STAGE = _DEG_E_TILE + 16
_DEG_VREGS = -(-_DEG_E_TILE // 16)


_DEG_ROWS = 80


@functools.cache
def _make_deg_kernel():
    return functools.partial(
        pl.kernel,
        out_type=jax.ShapeDtypeStruct((NC * NT, _DEG_ROWS, 128), jnp.float32),
        mesh=_sc_mesh(),
        scratch_types=[
            pltpu.VMEM((_DEG_STAGE,), jnp.int32),
            pltpu.VMEM((_DEG_ROWS, 128), jnp.float32),
        ],
        compiler_params=pltpu.CompilerParams(needs_layout_passes=False),
    )(_deg_body)


def _deg_body(dstp_hbm, zeros_hbm, out_hbm, ebuf, dloc):
    c = lax.axis_index("c")
    s = lax.axis_index("s")
    wid = c * NT + s
    lane = lax.iota(jnp.int32, 16)

    pltpu.sync_copy(zeros_hbm.at[pl.ds(0, _DEG_ROWS)], dloc)
    tile_base = pl.multiple_of(wid * _DEG_E_TILE, 8)
    pltpu.sync_copy(dstp_hbm.at[pl.ds(tile_base, _DEG_STAGE)], ebuf)

    def body(j, carry):
        idx = ebuf[pl.ds(j * 16, 16)]
        valid = lane < jnp.minimum(_DEG_E_TILE - j * 16, 16)
        cnt, last = plsc.scan_count(idx, mask=valid)
        plsc.addupdate_scatter(
            dloc,
            (lax.shift_right_logical(idx, 7), lax.bitwise_and(idx, 127)),
            cnt.astype(jnp.float32), mask=last)
        return carry

    lax.fori_loop(0, _DEG_VREGS, body, 0)
    pltpu.sync_copy(dloc, out_hbm.at[wid])


E_PAD = 163840
N_PAD = N + 128


def _prop_tile_loop(g_hbm, src_hbm, dst_hbm, acc, idxb, rowsb,
                    tile_base, nb, eb):
    rows, semg = rowsb

    def issue_idx(i, j):
        src_v, dst_v, semi = idxb[j]
        base = pl.multiple_of(tile_base + i * eb, 8)
        pltpu.async_copy(src_hbm.at[pl.ds(base, eb)], src_v, semi)
        pltpu.async_copy(dst_hbm.at[pl.ds(base, eb)], dst_v, semi)

    def launch(i, j, r):
        src_v, dst_v, semi = idxb[j]
        base = pl.multiple_of(tile_base + i * eb, 8)
        pltpu.make_async_copy(src_hbm.at[pl.ds(base, eb)], src_v, semi).wait()
        pltpu.make_async_copy(dst_hbm.at[pl.ds(base, eb)], dst_v, semi).wait()
        pltpu.async_copy(g_hbm.at[src_v], rows[r], semg[r])

    def finish(i, j, r):
        src_v, dst_v, semi = idxb[j]
        pltpu.make_async_copy(g_hbm.at[src_v], rows[r], semg[r]).wait()
        pltpu.sync_copy(rows[r], acc.at[dst_v], add=True)

    def guarded(cond, fn, *a):
        @pl.when(cond)
        def _():
            fn(*a)

    for j in range(4):
        if j < nb:
            issue_idx(j, j)
    for j in range(2):
        if j < nb:
            launch(j, j, j % 2)

    def body(k, carry):
        for u in range(4):
            i = 4 * k + u
            guarded(i < nb, finish, i, u, u % 2)
            guarded(i + 4 < nb, issue_idx, i + 4, u)
            guarded(i + 2 < nb, launch, i + 2, (u + 2) % 4, u % 2)
        return carry

    lax.fori_loop(0, -(-nb // 4), body, 0)


def _spmem_init(src_hbm_rows, acc, s):
    @pl.when(s < INIT_TILES)
    def _():
        row0 = s * INIT_ROWS
        pltpu.sync_copy(src_hbm_rows.at[pl.ds(row0, INIT_ROWS)],
                        acc.at[pl.ds(row0, INIT_ROWS)])


def _spmem_writeout(acc, out_hbm, s):
    @pl.when(s < INIT_TILES)
    def _():
        row0 = s * INIT_ROWS
        pltpu.sync_copy(acc.at[pl.ds(row0, INIT_ROWS)],
                        out_hbm.at[pl.ds(row0, INIT_ROWS)])


EB = 128


def _prop_scratch(dh):
    ring = []
    for _ in range(4):
        ring += [
            pltpu.VMEM((EB,), jnp.int32),
            pltpu.VMEM((EB,), jnp.int32),
            pltpu.SemaphoreType.DMA,
        ]
    for _ in range(2):
        ring += [
            pltpu.VMEM((EB, dh), jnp.float32),
            pltpu.SemaphoreType.DMA,
        ]
    return ring + [pltpu.VMEM_SHARED((N, dh), jnp.float32)]


@functools.cache
def _make_prop_edge(dh):
    e_tile = E_PAD // (NC * NT)
    nb = e_tile // EB

    @functools.partial(
        pl.kernel,
        out_type=(
            jax.ShapeDtypeStruct((N, dh), jnp.float32),
            jax.ShapeDtypeStruct((N, dh), jnp.float32),
        ),
        mesh=_sc_mesh(),
        scratch_types=_prop_scratch(dh),
        compiler_params=pltpu.CompilerParams(needs_layout_passes=False),
    )
    def prop(g_hbm, zeros_hbm, src_hbm, dst_hbm, out0, out1,
             *scr):
        idxb = [tuple(scr[3 * j:3 * j + 3]) for j in range(4)]
        rowsb = ((scr[12], scr[14]), (scr[13], scr[15]))
        acc = scr[16]
        c = lax.axis_index("c")
        s = lax.axis_index("s")

        def run(init_hbm, out_hbm, core_base):
            _spmem_init(init_hbm, acc, s)
            plsc.subcore_barrier()
            _prop_tile_loop(g_hbm, src_hbm, dst_hbm, acc, idxb, rowsb,
                            core_base + s * e_tile, nb, EB)
            plsc.subcore_barrier()
            _spmem_writeout(acc, out_hbm, s)

        @pl.when(c == 0)
        def _():
            run(g_hbm, out0, 0)

        @pl.when(c == 1)
        def _():
            run(zeros_hbm, out1, E_PAD // 2)

    return prop


@functools.cache
def _make_prop_feat(dh):
    e_tile = E_PAD // NT
    nb = e_tile // EB

    @functools.partial(
        pl.kernel,
        out_type=(
            jax.ShapeDtypeStruct((N, dh), jnp.float32),
            jax.ShapeDtypeStruct((N, dh), jnp.float32),
        ),
        mesh=_sc_mesh(),
        scratch_types=_prop_scratch(dh),
        compiler_params=pltpu.CompilerParams(needs_layout_passes=False),
    )
    def prop(g0_hbm, g1_hbm, src_hbm, dst_hbm, out0, out1,
             *scr):
        idxb = [tuple(scr[3 * j:3 * j + 3]) for j in range(4)]
        rowsb = ((scr[12], scr[14]), (scr[13], scr[15]))
        acc = scr[16]
        c = lax.axis_index("c")
        s = lax.axis_index("s")

        def run(g_hbm, out_hbm):
            _spmem_init(g_hbm, acc, s)
            plsc.subcore_barrier()
            _prop_tile_loop(g_hbm, src_hbm, dst_hbm, acc, idxb, rowsb,
                            s * e_tile, nb, EB)
            plsc.subcore_barrier()
            _spmem_writeout(acc, out_hbm, s)

        @pl.when(c == 0)
        def _():
            run(g0_hbm, out0)

        @pl.when(c == 1)
        def _():
            run(g1_hbm, out1)

    return prop



_RB = 1024


def _k1_body(degp_ref, x_ref, w1_ref, g_ref, dinvb_ref):
    deg2d = 1.0 + jnp.sum(degp_ref[:, :, :], axis=0)
    dv = lax.rsqrt(deg2d)
    dv3 = jnp.broadcast_to(dv[:, None, :], (8, 128, 128)).reshape(_RB, 128)
    rowm = lax.broadcasted_iota(jnp.int32, (_RB, 128), 0)
    lanem = lax.broadcasted_iota(jnp.int32, (_RB, 128), 1)
    sel = (lanem == (rowm & 127)).astype(jnp.float32)
    dinv_col = jnp.sum(dv3 * sel, axis=1, keepdims=True)
    hw = jnp.dot(x_ref[:, :], w1_ref[:, :], preferred_element_type=jnp.float32)
    valid = rowm + pl.program_id(0) * _RB < N
    g_ref[:, :] = jnp.where(valid, hw * dinv_col, 0.0)
    dinvb_ref[:, :] = jnp.broadcast_to(dinv_col, (_RB, hw.shape[1]))


def _k2_body(dinvb_ref, sa_ref, sb_ref, b1_ref, w2_ref,
             g0_ref, g1_ref):
    dinvb = dinvb_ref[:, :]
    sfull = sa_ref[:, :] + sb_ref[:, :]
    h1 = jax.nn.relu(sfull * dinvb + b1_ref[0, :][None, :])
    g = jnp.dot(h1, w2_ref[:, :], preferred_element_type=jnp.float32)
    h = g.shape[1] // 2
    rowm = lax.broadcasted_iota(jnp.int32, (_RB, h), 0)
    valid = rowm + pl.program_id(0) * _RB < N
    g0_ref[:, :] = jnp.where(valid, g[:, :h] * dinvb, 0.0)
    g1_ref[:, :] = jnp.where(valid, g[:, h:] * dinvb, 0.0)


def _k3_body(dinvb_ref, s0_ref, s1_ref, b2_ref, out_ref):
    dinvb = dinvb_ref[:, :]
    sfull = jnp.concatenate([s0_ref[:, :] * dinvb, s1_ref[:, :] * dinvb],
                            axis=1)
    out_ref[:, :] = sfull + b2_ref[0, :][None, :]


def _row_spec(w):
    return pl.BlockSpec((_RB, w), lambda i: (i, 0))


def _degp_spec():
    return pl.BlockSpec((NC * NT, _RB // 128, 128), lambda i: (0, i, 0))


def _full_spec(shape):
    return pl.BlockSpec(shape, lambda i: tuple(0 for _ in shape))




def kernel(x, edge_index, cache_name, W1, b1, W2, b2):
    del cache_name
    n, d_in = x.shape
    d_hid = W1.shape[1]
    d_out = W2.shape[1]
    assert n == N and edge_index.shape == (2, E)
    grid = (-(-n // _RB),)

    src = edge_index[0].astype(jnp.int32)
    dst = edge_index[1].astype(jnp.int32)
    pad_n = jnp.arange(E_PAD - E, dtype=jnp.int32)
    srcp = jnp.concatenate([src, N + (pad_n & 127)])
    dstp = jnp.concatenate([dst, pad_n % N])
    zeros_nh = jnp.zeros((N_PAD, d_hid), jnp.float32)
    zeros_acc = jnp.zeros((N, d_hid), jnp.float32)

    degp = _make_deg_kernel()(dstp, zeros_nh)

    g1, dinvb = pl.pallas_call(
        _k1_body,
        grid=grid,
        in_specs=[_degp_spec(), _row_spec(d_in), _full_spec(W1.shape)],
        out_specs=[_row_spec(d_hid), _row_spec(d_hid)],
        out_shape=[jax.ShapeDtypeStruct((N_PAD, d_hid), jnp.float32)] * 2,
    )(degp, x, W1)

    s1a, s1b = _make_prop_edge(d_hid)(g1, zeros_acc, srcp, dstp)

    g20, g21 = pl.pallas_call(
        _k2_body,
        grid=grid,
        in_specs=[_row_spec(d_hid), _row_spec(d_hid), _row_spec(d_hid),
                  _full_spec((1, d_hid)), _full_spec(W2.shape)],
        out_specs=[_row_spec(d_out // 2), _row_spec(d_out // 2)],
        out_shape=[jax.ShapeDtypeStruct((N_PAD, d_out // 2), jnp.float32)] * 2,
    )(dinvb, s1a, s1b, b1.reshape(1, d_hid), W2)

    s20, s21 = _make_prop_feat(d_out // 2)(g20, g21, srcp, dstp)

    out = pl.pallas_call(
        _k3_body,
        grid=grid,
        in_specs=[_row_spec(d_out // 2), _row_spec(d_out // 2),
                  _row_spec(d_out // 2), _full_spec((1, d_out))],
        out_specs=_row_spec(d_out),
        out_shape=jax.ShapeDtypeStruct((n, d_out), jnp.float32),
    )(dinvb, s20, s21, b2.reshape(1, d_out))

    return out

# --- scband reference (transcript-rebuilt; emitter-appended) ---
"""Pipeline reference for scband-gnn-609885356304 (READ-ONLY COPY).

The authoritative reference and input builder live on the scoring server;
editing this copy changes nothing except your own understanding.
"""

import jax, jax.numpy as jnp
import numpy as np

N = 10000
E = 160000
D_IN = 512
D_HID = 128
D_OUT = 256


def setup_inputs(seed: int = 0) -> dict:
    key = jax.random.key(seed)
    k1, k2, k3, k4, k5, k6 = jax.random.split(key, 6)
    x = jax.random.normal(k1, (N, D_IN), dtype=jnp.float32)
    edge_index = jax.random.randint(k2, (2, E), 0, N)
    W1 = jax.random.normal(k3, (D_IN, D_HID), dtype=jnp.float32) * (1.0 / np.sqrt(D_IN))
    b1 = jnp.zeros((D_HID,), dtype=jnp.float32)
    W2 = jax.random.normal(k4, (D_HID, D_OUT), dtype=jnp.float32) * (1.0 / np.sqrt(D_HID))
    b2 = jnp.zeros((D_OUT,), dtype=jnp.float32)
    return {"x": x, "edge_index": edge_index, "cache_name": 0, "W1": W1, "b1": b1, "W2": W2, "b2": b2}


def reference(x, edge_index, cache_name, W1, b1, W2, b2):
    # CachedGCNConv: symmetric gcn normalization with self-loops (cached across calls;
    # cache_name is just a cache key and does not affect math). Dropout is identity in eval.
    n = x.shape[0]
    loop = jnp.arange(n, dtype=edge_index.dtype)
    src = jnp.concatenate([edge_index[0], loop])
    dst = jnp.concatenate([edge_index[1], loop])
    ones = jnp.ones(src.shape[0], dtype=x.dtype)
    deg = jnp.zeros((n,), dtype=x.dtype).at[dst].add(ones)
    dinv = jnp.where(deg > 0, jax.lax.rsqrt(deg), 0.0)
    norm = dinv[src] * dinv[dst]

    def conv(h, W, b):
        hw = h @ W
        msg = jnp.take(hw, src, axis=0) * norm[:, None]
        out = jnp.zeros((n, W.shape[1]), dtype=h.dtype).at[dst].add(msg)
        return out + b

    h1 = jax.nn.relu(conv(x, W1, b1))
    out = conv(h1, W2, b2)
    return out

if __name__ == "__main__":
    import jax
    _d = setup_inputs()
    print(jax.jit(kernel)(*tuple(_d.values())))

</pallas_src>

<mosaic_0001>
#map = affine_map<(d0, d1) -> (0)>
#map1 = affine_map<(d0, d1) -> (0, 0)>
#map2 = affine_map<(d0, d1) -> (0, 0, 0)>
module attributes {stable_mosaic.version = 14 : i64} {
  func.func @_deg_body(%arg0: i32, %arg1: i32, %arg2: memref<163840xi32, #tpu.memory_space<hbm>>, %arg3: memref<10128x128xf32, #tpu.memory_space<hbm>>, %arg4: memref<32x80x128xf32, #tpu.memory_space<hbm>>, %arg5: memref<5016xi32, #tpu.memory_space<vmem>>, %arg6: memref<80x128xf32, #tpu.memory_space<vmem>>) attributes {dimension_semantics = [#tpu.dimension_semantics<core_parallel>, #tpu.dimension_semantics<subcore_parallel>], iteration_bounds = array<i64: 2, 16>, scalar_prefetch = 0 : i64, scratch_operands = 2 : i64, tpu.core_type = #tpu.core_type<sc_vector_subcore>, window_params = [{transform_indices = #map}, {transform_indices = #map1}, {transform_indices = #map2}]} {
    %mul3A = arith.constant 16 : i32
    %mul3A_0 = arith.muli %arg0, %mul3A : i32
    %add3A = arith.addi %mul3A_0, %arg1 : i32
    %iota3A = tpu.iota {dimensions = array<i32: 0>} : vector<16xi32>
    "tpu.region"() ({
      %run_scoped3A = tpu.sem_alloc : memref<!tpu.dma_semaphore, #tpu.memory_space<semaphore_mem>>
      %dma_start3A = arith.constant 0 : i32
      %dma_start3A_8 = arith.constant 0 : i32
      %dma_start3A_9 = tpu.memref_slice %arg3[%dma_start3A, %dma_start3A_8] : memref<10128x128xf32, #tpu.memory_space<hbm>> -> memref<80x128xf32, #tpu.memory_space<hbm>>
      %dma_start3A_10 = arith.constant 0 : i32
      %dma_start3A_11 = arith.constant 0 : i32
      %dma_start3A_12 = tpu.memref_slice %arg3[%dma_start3A_10, %dma_start3A_11] : memref<10128x128xf32, #tpu.memory_space<hbm>> -> memref<80x128xf32, #tpu.memory_space<hbm>>
      tpu.enqueue_dma source(%dma_start3A_12 : memref<80x128xf32, #tpu.memory_space<hbm>>) target(%arg6 : memref<80x128xf32, #tpu.memory_space<vmem>>) target_semaphore(%run_scoped3A : memref<!tpu.dma_semaphore, #tpu.memory_space<semaphore_mem>>)
      %dma_wait3A = arith.constant 0 : i32
      %dma_wait3A_13 = arith.constant 0 : i32
      %dma_wait3A_14 = tpu.memref_slice %arg3[%dma_wait3A, %dma_wait3A_13] : memref<10128x128xf32, #tpu.memory_space<hbm>> -> memref<80x128xf32, #tpu.memory_space<hbm>>
      %dma_wait3A_15 = arith.constant 0 : i32
      %dma_wait3A_16 = arith.constant 0 : i32
      %dma_wait3A_17 = tpu.memref_slice %arg3[%dma_wait3A_15, %dma_wait3A_16] : memref<10128x128xf32, #tpu.memory_space<hbm>> -> memref<80x128xf32, #tpu.memory_space<hbm>>
      tpu.wait_dma2 semaphore(%run_scoped3A : memref<!tpu.dma_semaphore, #tpu.memory_space<semaphore_mem>>) src(%dma_wait3A_17 : memref<80x128xf32, #tpu.memory_space<hbm>>) dst(%arg6 : memref<80x128xf32, #tpu.memory_space<vmem>>)
      tpu.yield
    }) : () -> ()
    %mul3A_1 = arith.constant 5000 : i32
    %mul3A_2 = arith.muli %add3A, %mul3A_1 : i32
    %multiple_of3A = tpu.assume_multiple %mul3A_2, 8 : i32
    "tpu.region"() ({
      %run_scoped3A = tpu.sem_alloc : memref<!tpu.dma_semaphore, #tpu.memory_space<semaphore_mem>>
      %dma_start3A = tpu.memref_slice %arg2[%multiple_of3A] : memref<163840xi32, #tpu.memory_space<hbm>> -> memref<5016xi32, #tpu.memory_space<hbm>>
      %dma_start3A_8 = tpu.memref_slice %arg2[%multiple_of3A] : memref<163840xi32, #tpu.memory_space<hbm>> -> memref<5016xi32, #tpu.memory_space<hbm>>
      tpu.enqueue_dma source(%dma_start3A_8 : memref<5016xi32, #tpu.memory_space<hbm>>) target(%arg5 : memref<5016xi32, #tpu.memory_space<vmem>>) target_semaphore(%run_scoped3A : memref<!tpu.dma_semaphore, #tpu.memory_space<semaphore_mem>>)
      %dma_wait3A = tpu.memref_slice %arg2[%multiple_of3A] : memref<163840xi32, #tpu.memory_space<hbm>> -> memref<5016xi32, #tpu.memory_space<hbm>>
      %dma_wait3A_9 = tpu.memref_slice %arg2[%multiple_of3A] : memref<163840xi32, #tpu.memory_space<hbm>> -> memref<5016xi32, #tpu.memory_space<hbm>>
      tpu.wait_dma2 semaphore(%run_scoped3A : memref<!tpu.dma_semaphore, #tpu.memory_space<semaphore_mem>>) src(%dma_wait3A_9 : memref<5016xi32, #tpu.memory_space<hbm>>) dst(%arg5 : memref<5016xi32, #tpu.memory_space<vmem>>)
      tpu.yield
    }) : () -> ()
    %scan3A = arith.constant 0 : i32
    %scan3A_3 = arith.constant 0 : i32
    %scan3A_4 = arith.constant 313 : i32
    %scan3A_5 = arith.addi %scan3A_3, %scan3A_4 : i32
    %scan3A_6 = arith.constant 1 : i32
    scf.for %scan3A_8 = %scan3A_3 to %scan3A_5 step %scan3A_6  : i32 {
      %mul3A_9 = arith.constant 16 : i32
      %mul3A_10 = arith.muli %scan3A_8, %mul3A_9 : i32
      %get3A = arith.index_cast %mul3A_10 : i32 to index
      %get3A_11 = tpu.vector_load %arg5[%get3A] {strides = array<i32>} : memref<5016xi32, #tpu.memory_space<vmem>>, vector<16xi32>,
      %mul3A_12 = arith.constant 16 : i32
      %mul3A_13 = arith.muli %scan3A_8, %mul3A_12 : i32
      %sub3A = arith.constant 5000 : i32
      %sub3A_14 = arith.subi %sub3A, %mul3A_13 : i32
      %min3A = arith.constant 16 : i32
      %min3A_15 = arith.minsi %sub3A_14, %min3A : i32
      %lt3A = vector.broadcast %min3A_15 : i32 to vector<16xi32>
      %lt3A_16 = arith.cmpi slt, %iota3A, %lt3A : vector<16xi32>
      %unique3A, %unique3A_17 = tpu.scan_count mask(%lt3A_16 : vector<16xi1>) value(%get3A_11 : vector<16xi32>) : vector<16xi1>, vector<16xi32>
      %shift_right_logical3A = arith.constant 7 : i32
      %shift_right_logical3A_18 = vector.broadcast %shift_right_logical3A : i32 to vector<16xi32>
      %shift_right_logical3A_19 = arith.shrui %get3A_11, %shift_right_logical3A_18 : vector<16xi32>
      %and3A = arith.constant 127 : i32
      %and3A_20 = vector.broadcast %and3A : i32 to vector<16xi32>
      %and3A_21 = arith.andi %get3A_11, %and3A_20 : vector<16xi32>
      %convert_element_type3A = arith.sitofp %unique3A_17 : vector<16xi32> to vector<16xf32>
      tpu.vector_store_idx %arg6[%shift_right_logical3A_19, %and3A_21], %convert_element_type3A masked %unique3A {add = true} : memref<80x128xf32, #tpu.memory_space<vmem>>[vector<16xi32>, vector<16xi32>], vector<16xf32>, vector<16xi1>
    }
    %scan3A_7 = arith.constant 313 : i32
    "tpu.region"() ({
      %run_scoped3A = tpu.sem_alloc : memref<!tpu.dma_semaphore, #tpu.memory_space<semaphore_mem>>
      %dma_start3A = arith.constant 0 : i32
      %dma_start3A_8 = arith.constant 0 : i32
      %dma_start3A_9 = tpu.memref_slice %arg4[%add3A, %dma_start3A, %dma_start3A_8] : memref<32x80x128xf32, #tpu.memory_space<hbm>> -> memref<1x80x128xf32, #tpu.memory_space<hbm>>
      %dma_start3A_10 = tpu.memref_squeeze %dma_start3A_9 : memref<1x80x128xf32, #tpu.memory_space<hbm>> -> memref<80x128xf32, #tpu.memory_space<hbm>>
      %dma_start3A_11 = arith.constant 0 : i32
      %dma_start3A_12 = arith.constant 0 : i32
      %dma_start3A_13 = tpu.memref_slice %arg4[%add3A, %dma_start3A_11, %dma_start3A_12] : memref<32x80x128xf32, #tpu.memory_space<hbm>> -> memref<1x80x128xf32, #tpu.memory_space<hbm>>
      %dma_start3A_14 = tpu.memref_squeeze %dma_start3A_13 : memref<1x80x128xf32, #tpu.memory_space<hbm>> -> memref<80x128xf32, #tpu.memory_space<hbm>>
      tpu.enqueue_dma source(%arg6 : memref<80x128xf32, #tpu.memory_space<vmem>>) target(%dma_start3A_14 : memref<80x128xf32, #tpu.memory_space<hbm>>) target_semaphore(%run_scoped3A : memref<!tpu.dma_semaphore, #tpu.memory_space<semaphore_mem>>)
      %dma_wait3A = arith.constant 0 : i32
      %dma_wait3A_15 = arith.constant 0 : i32
      %dma_wait3A_16 = tpu.memref_slice %arg4[%add3A, %dma_wait3A, %dma_wait3A_15] : memref<32x80x128xf32, #tpu.memory_space<hbm>> -> memref<1x80x128xf32, #tpu.memory_space<hbm>>
      %dma_wait3A_17 = tpu.memref_squeeze %dma_wait3A_16 : memref<1x80x128xf32, #tpu.memory_space<hbm>> -> memref<80x128xf32, #tpu.memory_space<hbm>>
      %dma_wait3A_18 = arith.constant 0 : i32
      %dma_wait3A_19 = arith.constant 0 : i32
      %dma_wait3A_20 = tpu.memref_slice %arg4[%add3A, %dma_wait3A_18, %dma_wait3A_19] : memref<32x80x128xf32, #tpu.memory_space<hbm>> -> memref<1x80x128xf32, #tpu.memory_space<hbm>>
      %dma_wait3A_21 = tpu.memref_squeeze %dma_wait3A_20 : memref<1x80x128xf32, #tpu.memory_space<hbm>> -> memref<80x128xf32, #tpu.memory_space<hbm>>
      tpu.wait_dma2 semaphore(%run_scoped3A : memref<!tpu.dma_semaphore, #tpu.memory_space<semaphore_mem>>) src(%arg6 : memref<80x128xf32, #tpu.memory_space<vmem>>) dst(%dma_wait3A_21 : memref<80x128xf32, #tpu.memory_space<hbm>>)
      tpu.yield
    }) : () -> ()
    return
  }
}

#map = affine_map<(d0, d1) -> (0, 0)>
#map1 = affine_map<(d0, d1) -> (0)>
module attributes {stable_mosaic.version = 14 : i64} {
  func.func @prop(%arg0: i32, %arg1: i32, %arg2: memref<10128x128xf32, #tpu.memory_space<hbm>>, %arg3: memref<10000x128xf32, #tpu.memory_space<hbm>>, %arg4: memref<163840xi32, #tpu.memory_space<hbm>>, %arg5: memref<163840xi32, #tpu.memory_space<hbm>>, %arg6: memref<10000x128xf32, #tpu.memory_space<hbm>>, %arg7: memref<10000x128xf32, #tpu.memory_space<hbm>>, %arg8: memref<128xi32, #tpu.memory_space<vmem>>, %arg9: memref<128xi32, #tpu.memory_space<vmem>>, %arg10: memref<!tpu.dma_semaphore, #tpu.memory_space<semaphore_mem>>, %arg11: memref<128xi32, #tpu.memory_space<vmem>>, %arg12: memref<128xi32, #tpu.memory_space<vmem>>, %arg13: memref<!tpu.dma_semaphore, #tpu.memory_space<semaphore_mem>>, %arg14: memref<128xi32, #tpu.memory_space<vmem>>, %arg15: memref<128xi32, #tpu.memory_space<vmem>>, %arg16: memref<!tpu.dma_semaphore, #tpu.memory_space<semaphore_mem>>, %arg17: memref<128xi32, #tpu.memory_space<vmem>>, %arg18: memref<128xi32, #tpu.memory_space<vmem>>, %arg19: memref<!tpu.dma_semaphore, #tpu.memory_space<semaphore_mem>>, %arg20: memref<128x128xf32, #tpu.memory_space<vmem>>, %arg21: memref<!tpu.dma_semaphore, #tpu.memory_space<semaphore_mem>>, %arg22: memref<128x128xf32, #tpu.memory_space<vmem>>, %arg23: memref<!tpu.dma_semaphore, #tpu.memory_space<semaphore_mem>>, %arg24: memref<10000x128xf32, #tpu.memory_space<vmem_shared>>) attributes {dimension_semantics = [#tpu.dimension_semantics<core_parallel>, #tpu.dimension_semantics<subcore_parallel>], iteration_bounds = array<i64: 2, 16>, scalar_prefetch = 0 : i64, scratch_operands = 17 : i64, tpu.core_type = #tpu.core_type<sc_vector_subcore>, window_params = [{transform_indices = #map}, {transform_indices = #map}, {transform_indices = #map1}, {transform_indices = #map1}, {transform_indices = #map}, {transform_indices = #map}]} {
    %eq3A = arith.constant 0 : i32
    %eq3A_0 = arith.cmpi eq, %arg0, %eq3A : i32
    %convert_element_type3A = arith.extui %eq3A_0 : i1 to i32
    %cond3A = arith.constant 0 : i32
    %cond3A_1 = arith.cmpi ne, %convert_element_type3A, %cond3A : i32
    scf.if %cond3A_1 {
      %lt3A = arith.constant 10 : i32
      %lt3A_7 = arith.cmpi slt, %arg1, %lt3A : i32
      %convert_element_type3A_8 = arith.extui %lt3A_7 : i1 to i32
      %cond3A_9 = arith.constant 0 : i32
      %cond3A_10 = arith.cmpi ne, %convert_element_type3A_8, %cond3A_9 : i32
      scf.if %cond3A_10 {
        %mul3A_69 = arith.constant 1000 : i32
        %mul3A_70 = arith.muli %arg1, %mul3A_69 : i32
        "tpu.region"() ({
          %run_scoped3A = tpu.sem_alloc : memref<!tpu.dma_semaphore, #tpu.memory_space<semaphore_mem>>
          %dma_start3A_71 = arith.constant 0 : i32
          %dma_start3A_72 = tpu.memref_slice %arg24[%mul3A_70, %dma_start3A_71] : memref<10000x128xf32, #tpu.memory_space<vmem_shared>> -> memref<1000x128xf32, #tpu.memory_space<vmem_shared>>
          %dma_start3A_73 = arith.constant 0 : i32
          %dma_start3A_74 = tpu.memref_slice %arg2[%mul3A_70, %dma_start3A_73] : memref<10128x128xf32, #tpu.memory_space<hbm>> -> memref<1000x128xf32, #tpu.memory_space<hbm>>
          tpu.enqueue_dma source(%dma_start3A_74 : memref<1000x128xf32, #tpu.memory_space<hbm>>) target(%dma_start3A_72 : memref<1000x128xf32, #tpu.memory_space<vmem_shared>>) target_semaphore(%run_scoped3A : memref<!tpu.dma_semaphore, #tpu.memory_space<semaphore_mem>>)
          %dma_wait3A_75 = arith.constant 0 : i32
          %dma_wait3A_76 = tpu.memref_slice %arg24[%mul3A_70, %dma_wait3A_75] : memref<10000x128xf32, #tpu.memory_space<vmem_shared>> -> memref<1000x128xf32, #tpu.memory_space<vmem_shared>>
          %dma_wait3A_77 = arith.constant 0 : i32
          %dma_wait3A_78 = tpu.memref_slice %arg2[%mul3A_70, %dma_wait3A_77] : memref<10128x128xf32, #tpu.memory_space<hbm>> -> memref<1000x128xf32, #tpu.memory_space<hbm>>
          tpu.wait_dma2 semaphore(%run_scoped3A : memref<!tpu.dma_semaphore, #tpu.memory_space<semaphore_mem>>) src(%dma_wait3A_78 : memref<1000x128xf32, #tpu.memory_space<hbm>>) dst(%dma_wait3A_76 : memref<1000x128xf32, #tpu.memory_space<vmem_shared>>)
          tpu.yield
        }) : () -> ()
      } else {
      }
      %barrier3A = arith.constant 0 : index
      tpu.barrier barrier_id(%barrier3A)
      %mul3A = arith.constant 5120 : i32
      %mul3A_11 = arith.muli %arg1, %mul3A : i32
      %add3A = arith.constant 0 : i32
      %add3A_12 = arith.addi %add3A, %mul3A_11 : i32
      %add3A_13 = arith.constant 0 : i32
      %add3A_14 = arith.addi %add3A_12, %add3A_13 : i32
      %multiple_of3A = tpu.assume_multiple %add3A_14, 8 : i32
      %dma_start3A = tpu.memref_slice %arg4[%multiple_of3A] : memref<163840xi32, #tpu.memory_space<hbm>> -> memref<128xi32, #tpu.memory_space<hbm>>
      %dma_start3A_15 = tpu.memref_slice %arg4[%multiple_of3A] : memref<163840xi32, #tpu.memory_space<hbm>> -> memref<128xi32, #tpu.memory_space<hbm>>
      tpu.enqueue_dma source(%dma_start3A_15 : memref<128xi32, #tpu.memory_space<hbm>>) target(%arg8 : memref<128xi32, #tpu.memory_space<vmem>>) target_semaphore(%arg10 : memref<!tpu.dma_semaphore, #tpu.memory_space<semaphore_mem>>)
      %dma_start3A_16 = tpu.memref_slice %arg5[%multiple_of3A] : memref<163840xi32, #tpu.memory_space<hbm>> -> memref<128xi32, #tpu.memory_space<hbm>>
      %dma_start3A_17 = tpu.memref_slice %arg5[%multiple_of3A] : memref<163840xi32, #tpu.memory_space<hbm>> -> memref<128xi32, #tpu.memory_space<hbm>>
      tpu.enqueue_dma source(%dma_start3A_17 : memref<128xi32, #tpu.memory_space<hbm>>) target(%arg9 : memref<128xi32, #tpu.memory_space<vmem>>) target_semaphore(%arg10 : memref<!tpu.dma_semaphore, #tpu.memory_space<semaphore_mem>>)
      %add3A_18 = arith.constant 128 : i32
      %add3A_19 = arith.addi %add3A_12, %add3A_18 : i32
      %multiple_of3A_20 = tpu.assume_multiple %add3A_19, 8 : i32
      %dma_start3A_21 = tpu.memref_slice %arg4[%multiple_of3A_20] : memref<163840xi32, #tpu.memory_space<hbm>> -> memref<128xi32, #tpu.memory_space<hbm>>
      %dma_start3A_22 = tpu.memref_slice %arg4[%multiple_of3A_20] : memref<163840xi32, #tpu.memory_space<hbm>> -> memref<128xi32, #tpu.memory_space<hbm>>
      tpu.enqueue_dma source(%dma_start3A_22 : memref<128xi32, #tpu.memory_space<hbm>>) target(%arg11 : memref<128xi32, #tpu.memory_space<vmem>>) target_semaphore(%arg13 : memref<!tpu.dma_semaphore, #tpu.memory_space<semaphore_mem>>)
      %dma_start3A_23 = tpu.memref_slice %arg5[%multiple_of3A_20] : memref<163840xi32, #tpu.memory_space<hbm>> -> memref<128xi32, #tpu.memory_space<hbm>>
      %dma_start3A_24 = tpu.memref_slice %arg5[%multiple_of3A_20] : memref<163840xi32, #tpu.memory_space<hbm>> -> memref<128xi32, #tpu.memory_space<hbm>>
      tpu.enqueue_dma source(%dma_start3A_24 : memref<128xi32, #tpu.memory_space<hbm>>) target(%arg12 : memref<128xi32, #tpu.memory_space<vmem>>) target_semaphore(%arg13 : memref<!tpu.dma_semaphore, #tpu.memory_space<semaphore_mem>>)
      %add3A_25 = arith.constant 256 : i32
      %add3A_26 = arith.addi %add3A_12, %add3A_25 : i32
      %multiple_of3A_27 = tpu.assume_multiple %add3A_26, 8 : i32
      %dma_start3A_28 = tpu.memref_slice %arg4[%multiple_of3A_27] : memref<163840xi32, #tpu.memory_space<hbm>> -> memref<128xi32, #tpu.memory_space<hbm>>
      %dma_start3A_29 = tpu.memref_slice %arg4[%multiple_of3A_27] : memref<163840xi32, #tpu.memory_space<hbm>> -> memref<128xi32, #tpu.memory_space<hbm>>
      tpu.enqueue_dma source(%dma_start3A_29 : memref<128xi32, #tpu.memory_space<hbm>>) target(%arg14 : memref<128xi32, #tpu.memory_space<vmem>>) target_semaphore(%arg16 : memref<!tpu.dma_semaphore, #tpu.memory_space<semaphore_mem>>)
      %dma_start3A_30 = tpu.memref_slice %arg5[%multiple_of3A_27] : memref<163840xi32, #tpu.memory_space<hbm>> -> memref<128xi32, #tpu.memory_space<hbm>>
      %dma_start3A_31 = tpu.memref_slice %arg5[%multiple_of3A_27] : memref<163840xi32, #tpu.memory_space<hbm>> -> memref<128xi32, #tpu.memory_space<hbm>>
      tpu.enqueue_dma source(%dma_start3A_31 : memref<128xi32, #tpu.memory_space<hbm>>) target(%arg15 : memref<128xi32, #tpu.memory_space<vmem>>) target_semaphore(%arg16 : memref<!tpu.dma_semaphore, #tpu.memory_space<semaphore_mem>>)
      %add3A_32 = arith.constant 384 : i32
      %add3A_33 = arith.addi %add3A_12, %add3A_32 : i32
      %multiple_of3A_34 = tpu.assume_multiple %add3A_33, 8 : i32
      %dma_start3A_35 = tpu.memref_slice %arg4[%multiple_of3A_34] : memref<163840xi32, #tpu.memory_space<hbm>> -> memref<128xi32, #tpu.memory_space<hbm>>
      %dma_start3A_36 = tpu.memref_slice %arg4[%multiple_of3A_34] : memref<163840xi32, #tpu.memory_space<hbm>> -> memref<128xi32, #tpu.memory_space<hbm>>
      tpu.enqueue_dma source(%dma_start3A_36 : memref<128xi32, #tpu.memory_space<hbm>>) target(%arg17 : memref<128xi32, #tpu.memory_space<vmem>>) target_semaphore(%arg19 : memref<!tpu.dma_semaphore, #tpu.memory_space<semaphore_mem>>)
      %dma_start3A_37 = tpu.memref_slice %arg5[%multiple_of3A_34] : memref<163840xi32, #tpu.memory_space<hbm>> -> memref<128xi32, #tpu.memory_space<hbm>>
      %dma_start3A_38 = tpu.memref_slice %arg5[%multiple_of3A_34] : memref<163840xi32, #tpu.memory_space<hbm>> -> memref<128xi32, #tpu.memory_space<hbm>>
      tpu.enqueue_dma source(%dma_start3A_38 : memref<128xi32, #tpu.memory_space<hbm>>) target(%arg18 : memref<128xi32, #tpu.memory_space<vmem>>) target_semaphore(%arg19 : memref<!tpu.dma_semaphore, #tpu.memory_space<semaphore_mem>>)
      %add3A_39 = arith.constant 0 : i32
      %add3A_40 = arith.addi %add3A_12, %add3A_39 : i32
      %multiple_of3A_41 = tpu.assume_multiple %add3A_40, 8 : i32
      %dma_wait3A = tpu.memref_slice %arg4[%multiple_of3A_41] : memref<163840xi32, #tpu.memory_space<hbm>> -> memref<128xi32, #tpu.memory_space<hbm>>
      %dma_wait3A_42 = tpu.memref_slice %arg4[%multiple_of3A_41] : memref<163840xi32, #tpu.memory_space<hbm>> -> memref<128xi32, #tpu.memory_space<hbm>>
      tpu.wait_dma2 semaphore(%arg10 : memref<!tpu.dma_semaphore, #tpu.memory_space<semaphore_mem>>) src(%dma_wait3A_42 : memref<128xi32, #tpu.memory_space<hbm>>) dst(%arg8 : memref<128xi32, #tpu.memory_space<vmem>>)
      %dma_wait3A_43 = tpu.memref_slice %arg5[%multiple_of3A_41] : memref<163840xi32, #tpu.memory_space<hbm>> -> memref<128xi32, #tpu.memory_space<hbm>>
      %dma_wait3A_44 = tpu.memref_slice %arg5[%multiple_of3A_41] : memref<163840xi32, #tpu.memory_space<hbm>> -> memref<128xi32, #tpu.memory_space<hbm>>
      tpu.wait_dma2 semaphore(%arg10 : memref<!tpu.dma_semaphore, #tpu.memory_space<semaphore_mem>>) src(%dma_wait3A_44 : memref<128xi32, #tpu.memory_space<hbm>>) dst(%arg9 : memref<128xi32, #tpu.memory_space<vmem>>)
      %dma_start3A_45 = arith.constant 0 : i32
      %dma_start3A_46 = arith.constant 0 : i32
      %dma_start3A_47 = tpu.memref_slice %arg2[%dma_start3A_45, %dma_start3A_46] : memref<10128x128xf32, #tpu.memory_space<hbm>> -> memref<10128x128xf32, #tpu.memory_space<hbm>>
      tpu.enqueue_indirect_dma source(%dma_start3A_47 : memref<10128x128xf32, #tpu.memory_space<hbm>>) target(%arg20 : memref<128x128xf32, #tpu.memory_space<vmem>>) offsets(%arg8 : memref<128xi32, #tpu.memory_space<vmem>>) semaphore(%arg21 : memref<!tpu.dma_semaphore, #tpu.memory_space<semaphore_mem>>)
      %add3A_48 = arith.constant 128 : i32
      %add3A_49 = arith.addi %add3A_12, %add3A_48 : i32
      %multiple_of3A_50 = tpu.assume_multiple %add3A_49, 8 : i32
      %dma_wait3A_51 = tpu.memref_slice %arg4[%multiple_of3A_50] : memref<163840xi32, #tpu.memory_space<hbm>> -> memref<128xi32, #tpu.memory_space<hbm>>
      %dma_wait3A_52 = tpu.memref_slice %arg4[%multiple_of3A_50] : memref<163840xi32, #tpu.memory_space<hbm>> -> memref<128xi32, #tpu.memory_space<hbm>>
      tpu.wait_dma2 semaphore(%arg13 : memref<!tpu.dma_semaphore, #tpu.memory_space<semaphore_mem>>) src(%dma_wait3A_52 : memref<128xi32, #tpu.memory_space<hbm>>) dst(%arg11 : memref<128xi32, #tpu.memory_space<vmem>>)
      %dma_wait3A_53 = tpu.memref_slice %arg5[%multiple_of3A_50] : memref<163840xi32, #tpu.memory_space<hbm>> -> memref<128xi32, #tpu.memory_space<hbm>>
      %dma_wait3A_54 = tpu.memref_slice %arg5[%multiple_of3A_50] : memref<163840xi32, #tpu.memory_space<hbm>> -> memref<128xi32, #tpu.memory_space<hbm>>
      tpu.wait_dma2 semaphore(%arg13 : memref<!tpu.dma_semaphore, #tpu.memory_space<semaphore_mem>>) src(%dma_wait3A_54 : memref<128xi32, #tpu.memory_space<hbm>>) dst(%arg12 : memref<128xi32, #tpu.memory_space<vmem>>)
      %dma_start3A_55 = arith.constant 0 : i32
      %dma_start3A_56 = arith.constant 0 : i32
      %dma_start3A_57 = tpu.memref_slice %arg2[%dma_start3A_55, %dma_start3A_56] : memref<10128x128xf32, #tpu.memory_space<hbm>> -> memref<10128x128xf32, #tpu.memory_space<hbm>>
      tpu.enqueue_indirect_dma source(%dma_start3A_57 : memref<10128x128xf32, #tpu.memory_space<hbm>>) target(%arg22 : memref<128x128xf32, #tpu.memory_space<vmem>>) offsets(%arg11 : memref<128xi32, #tpu.memory_space<vmem>>) semaphore(%arg23 : memref<!tpu.dma_semaphore, #tpu.memory_space<semaphore_mem>>)
      %scan3A = arith.constant 0 : i32
      %scan3A_58 = arith.constant 0 : i32
      %scan3A_59 = arith.constant 10 : i32
      %scan3A_60 = arith.addi %scan3A_58, %scan3A_59 : i32
      %scan3A_61 = arith.constant 1 : i32
      scf.for %scan3A_69 = %scan3A_58 to %scan3A_60 step %scan3A_61  : i32 {
        %mul3A_70 = arith.constant 4 : i32
        %mul3A_71 = arith.muli %mul3A_70, %scan3A_69 : i32
        %add3A_72 = arith.constant 0 : i32
        %add3A_73 = arith.addi %mul3A_71, %add3A_72 : i32
        %lt3A_74 = arith.constant 40 : i32
        %lt3A_75 = arith.cmpi slt, %add3A_73, %lt3A_74 : i32
        %convert_element_type3A_76 = arith.extui %lt3A_75 : i1 to i32
        %cond3A_77 = arith.constant 0 : i32
        %cond3A_78 = arith.cmpi ne, %convert_element_type3A_76, %cond3A_77 : i32
        scf.if %cond3A_78 {
          %dma_wait3A_178 = arith.constant 0 : i32
          %dma_wait3A_179 = arith.constant 0 : i32
          %dma_wait3A_180 = tpu.memref_slice %arg2[%dma_wait3A_178, %dma_wait3A_179] : memref<10128x128xf32, #tpu.memory_space<hbm>> -> memref<10128x128xf32, #tpu.memory_space<hbm>>
          tpu.wait_indirect_dma semaphore(%arg21 : memref<!tpu.dma_semaphore, #tpu.memory_space<semaphore_mem>>) src(%dma_wait3A_180 : memref<10128x128xf32, #tpu.memory_space<hbm>>) dst(%arg20 : memref<128x128xf32, #tpu.memory_space<vmem>>)
          "tpu.region"() ({
            %run_scoped3A = tpu.sem_alloc : memref<!tpu.dma_semaphore, #tpu.memory_space<semaphore_mem>>
            %dma_start3A_181 = arith.constant 0 : i32
            %dma_start3A_182 = arith.constant 0 : i32
            %dma_start3A_183 = tpu.memref_slice %arg24[%dma_start3A_181, %dma_start3A_182] : memref<10000x128xf32, #tpu.memory_space<vmem_shared>> -> memref<10000x128xf32, #tpu.memory_space<vmem_shared>>
            tpu.enqueue_indirect_dma source(%arg20 : memref<128x128xf32, #tpu.memory_space<vmem>>) target(%dma_start3A_183 : memref<10000x128xf32, #tpu.memory_space<vmem_shared>>) offsets(%arg9 : memref<128xi32, #tpu.memory_space<vmem>>) semaphore(%run_scoped3A : memref<!tpu.dma_semaphore, #tpu.memory_space<semaphore_mem>>) {add = true}
            %dma_wait3A_184 = arith.constant 0 : i32
            %dma_wait3A_185 = arith.constant 0 : i32
            %dma_wait3A_186 = tpu.memref_slice %arg24[%dma_wait3A_184, %dma_wait3A_185] : memref<10000x128xf32, #tpu.memory_space<vmem_shared>> -> memref<10000x128xf32, #tpu.memory_space<vmem_shared>>
            tpu.wait_indirect_dma semaphore(%run_scoped3A : memref<!tpu.dma_semaphore, #tpu.memory_space<semaphore_mem>>) src(%arg20 : memref<128x128xf32, #tpu.memory_space<vmem>>) dst(%dma_wait3A_186 : memref<10000x128xf32, #tpu.memory_space<vmem_shared>>)
            tpu.yield
          }) : () -> ()
        } else {
        }
        %add3A_79 = arith.constant 4 : i32
        %add3A_80 = arith.addi %add3A_73, %add3A_79 : i32
        %lt3A_81 = arith.constant 40 : i32
        %lt3A_82 = arith.cmpi slt, %add3A_80, %lt3A_81 : i32
        %add3A_83 = arith.constant 4 : i32
        %add3A_84 = arith.addi %add3A_73, %add3A_83 : i32
        %convert_element_type3A_85 = arith.extui %lt3A_82 : i1 to i32
        %cond3A_86 = arith.constant 0 : i32
        %cond3A_87 = arith.cmpi ne, %convert_element_type3A_85, %cond3A_86 : i32
        scf.if %cond3A_87 {
          %mul3A_178 = arith.constant 128 : i32
          %mul3A_179 = arith.muli %add3A_84, %mul3A_178 : i32
          %add3A_180 = arith.addi %add3A_12, %mul3A_179 : i32
          %multiple_of3A_181 = tpu.assume_multiple %add3A_180, 8 : i32
          %dma_start3A_182 = tpu.memref_slice %arg4[%multiple_of3A_181] : memref<163840xi32, #tpu.memory_space<hbm>> -> memref<128xi32, #tpu.memory_space<hbm>>
          %dma_start3A_183 = tpu.memref_slice %arg4[%multiple_of3A_181] : memref<163840xi32, #tpu.memory_space<hbm>> -> memref<128xi32, #tpu.memory_space<hbm>>
          tpu.enqueue_dma source(%dma_start3A_183 : memref<128xi32, #tpu.memory_space<hbm>>) target(%arg8 : memref<128xi32, #tpu.memory_space<vmem>>) target_semaphore(%arg10 : memref<!tpu.dma_semaphore, #tpu.memory_space<semaphore_mem>>)
          %dma_start3A_184 = tpu.memref_slice %arg5[%multiple_of3A_181] : memref<163840xi32, #tpu.memory_space<hbm>> -> memref<128xi32, #tpu.memory_space<hbm>>
          %dma_start3A_185 = tpu.memref_slice %arg5[%multiple_of3A_181] : memref<163840xi32, #tpu.memory_space<hbm>> -> memref<128xi32, #tpu.memory_space<hbm>>
          tpu.enqueue_dma source(%dma_start3A_185 : memref<128xi32, #tpu.memory_space<hbm>>) target(%arg9 : memref<128xi32, #tpu.memory_space<vmem>>) target_semaphore(%arg10 : memref<!tpu.dma_semaphore, #tpu.memory_space<semaphore_mem>>)
        } else {
        }
        %add3A_88 = arith.constant 2 : i32
        %add3A_89 = arith.addi %add3A_73, %add3A_88 : i32
        %lt3A_90 = arith.constant 40 : i32
        %lt3A_91 = arith.cmpi slt, %add3A_89, %lt3A_90 : i32
        %add3A_92 = arith.constant 2 : i32
        %add3A_93 = arith.addi %add3A_73, %add3A_92 : i32
        %convert_element_type3A_94 = arith.extui %lt3A_91 : i1 to i32
        %cond3A_95 = arith.constant 0 : i32
        %cond3A_96 = arith.cmpi ne, %convert_element_type3A_94, %cond3A_95 : i32
        scf.if %cond3A_96 {
          %mul3A_178 = arith.constant 128 : i32
          %mul3A_179 = arith.muli %add3A_93, %mul3A_178 : i32
          %add3A_180 = arith.addi %add3A_12, %mul3A_179 : i32
          %multiple_of3A_181 = tpu.assume_multiple %add3A_180, 8 : i32
          %dma_wait3A_182 = tpu.memref_slice %arg4[%multiple_of3A_181] : memref<163840xi32, #tpu.memory_space<hbm>> -> memref<128xi32, #tpu.memory_space<hbm>>
          %dma_wait3A_183 = tpu.memref_slice %arg4[%multiple_of3A_181] : memref<163840xi32, #tpu.memory_space<hbm>> -> memref<128xi32, #tpu.memory_space<hbm>>
          tpu.wait_dma2 semaphore(%arg16 : memref<!tpu.dma_semaphore, #tpu.memory_space<semaphore_mem>>) src(%dma_wait3A_183 : memref<128xi32, #tpu.memory_space<hbm>>) dst(%arg14 : memref<128xi32, #tpu.memory_space<vmem>>)
          %dma_wait3A_184 = tpu.memref_slice %arg5[%multiple_of3A_181] : memref<163840xi32, #tpu.memory_space<hbm>> -> memref<128xi32, #tpu.memory_space<hbm>>
          %dma_wait3A_185 = tpu.memref_slice %arg5[%multiple_of3A_181] : memref<163840xi32, #tpu.memory_space<hbm>> -> memref<128xi32, #tpu.memory_space<hbm>>
          tpu.wait_dma2 semaphore(%arg16 : memref<!tpu.dma_semaphore, #tpu.memory_space<semaphore_mem>>) src(%dma_wait3A_185 : memref<128xi32, #tpu.memory_space<hbm>>) dst(%arg15 : memref<128xi32, #tpu.memory_space<vmem>>)
          %dma_start3A_186 = arith.constant 0 : i32
          %dma_start3A_187 = arith.constant 0 : i32
          %dma_start3A_188 = tpu.memref_slice %arg2[%dma_start3A_186, %dma_start3A_187] : memref<10128x128xf32, #tpu.memory_space<hbm>> -> memref<10128x128xf32, #tpu.memory_space<hbm>>
          tpu.enqueue_indirect_dma source(%dma_start3A_188 : memref<10128x128xf32, #tpu.memory_space<hbm>>) target(%arg20 : memref<128x128xf32, #tpu.memory_space<vmem>>) offsets(%arg14 : memref<128xi32, #tpu.memory_space<vmem>>) semaphore(%arg21 : memref<!tpu.dma_semaphore, #tpu.memory_space<semaphore_mem>>)
        } else {
        }
        %mul3A_97 = arith.constant 4 : i32
        %mul3A_98 = arith.muli %mul3A_97, %scan3A_69 : i32
        %add3A_99 = arith.constant 1 : i32
        %add3A_100 = arith.addi %mul3A_98, %add3A_99 : i32
        %lt3A_101 = arith.constant 40 : i32
        %lt3A_102 = arith.cmpi slt, %add3A_100, %lt3A_101 : i32
        %convert_element_type3A_103 = arith.extui %lt3A_102 : i1 to i32
        %cond3A_104 = arith.constant 0 : i32
        %cond3A_105 = arith.cmpi ne, %convert_element_type3A_103, %cond3A_104 : i32
        scf.if %cond3A_105 {
          %dma_wait3A_178 = arith.constant 0 : i32
          %dma_wait3A_179 = arith.constant 0 : i32
          %dma_wait3A_180 = tpu.memref_slice %arg2[%dma_wait3A_178, %dma_wait3A_179] : memref<10128x128xf32, #tpu.memory_space<hbm>> -> memref<10128x128xf32, #tpu.memory_space<hbm>>
          tpu.wait_indirect_dma semaphore(%arg23 : memref<!tpu.dma_semaphore, #tpu.memory_space<semaphore_mem>>) src(%dma_wait3A_180 : memref<10128x128xf32, #tpu.memory_space<hbm>>) dst(%arg22 : memref<128x128xf32, #tpu.memory_space<vmem>>)
          "tpu.region"() ({
            %run_scoped3A = tpu.sem_alloc : memref<!tpu.dma_semaphore, #tpu.memory_space<semaphore_mem>>
            %dma_start3A_181 = arith.constant 0 : i32
            %dma_start3A_182 = arith.constant 0 : i32
            %dma_start3A_183 = tpu.memref_slice %arg24[%dma_start3A_181, %dma_start3A_182] : memref<10000x128xf32, #tpu.memory_space<vmem_shared>> -> memref<10000x128xf32, #tpu.memory_space<vmem_shared>>
            tpu.enqueue_indirect_dma source(%arg22 : memref<128x128xf32, #tpu.memory_space<vmem>>) target(%dma_start3A_183 : memref<10000x128xf32, #tpu.memory_space<vmem_shared>>) offsets(%arg12 : memref<128xi32, #tpu.memory_space<vmem>>) semaphore(%run_scoped3A : memref<!tpu.dma_semaphore, #tpu.memory_space<semaphore_mem>>) {add = true}
            %dma_wait3A_184 = arith.constant 0 : i32
            %dma_wait3A_185 = arith.constant 0 : i32
            %dma_wait3A_186 = tpu.memref_slice %arg24[%dma_wait3A_184, %dma_wait3A_185] : memref<10000x128xf32, #tpu.memory_space<vmem_shared>> -> memref<10000x128xf32, #tpu.memory_space<vmem_shared>>
            tpu.wait_indirect_dma semaphore(%run_scoped3A : memref<!tpu.dma_semaphore, #tpu.memory_space<semaphore_mem>>) src(%arg22 : memref<128x128xf32, #tpu.memory_space<vmem>>) dst(%dma_wait3A_186 : memref<10000x128xf32, #tpu.memory_space<vmem_shared>>)
            tpu.yield
          }) : () -> ()
        } else {
        }
        %add3A_106 = arith.constant 4 : i32
        %add3A_107 = arith.addi %add3A_100, %add3A_106 : i32
        %lt3A_108 = arith.constant 40 : i32
        %lt3A_109 = arith.cmpi slt, %add3A_107, %lt3A_108 : i32
        %add3A_110 = arith.constant 4 : i32
        %add3A_111 = arith.addi %add3A_100, %add3A_110 : i32
        %convert_element_type3A_112 = arith.extui %lt3A_109 : i1 to i32
        %cond3A_113 = arith.constant 0 : i32
        %cond3A_114 = arith.cmpi ne, %convert_element_type3A_112, %cond3A_113 : i32
        scf.if %cond3A_114 {
          %mul3A_178 = arith.constant 128 : i32
          %mul3A_179 = arith.muli %add3A_111, %mul3A_178 : i32
          %add3A_180 = arith.addi %add3A_12, %mul3A_179 : i32
          %multiple_of3A_181 = tpu.assume_multiple %add3A_180, 8 : i32
          %dma_start3A_182 = tpu.memref_slice %arg4[%multiple_of3A_181] : memref<163840xi32, #tpu.memory_space<hbm>> -> memref<128xi32, #tpu.memory_space<hbm>>
          %dma_start3A_183 = tpu.memref_slice %arg4[%multiple_of3A_181] : memref<163840xi32, #tpu.memory_space<hbm>> -> memref<128xi32, #tpu.memory_space<hbm>>
          tpu.enqueue_dma source(%dma_start3A_183 : memref<128xi32, #tpu.memory_space<hbm>>) target(%arg11 : memref<128xi32, #tpu.memory_space<vmem>>) target_semaphore(%arg13 : memref<!tpu.dma_semaphore, #tpu.memory_space<semaphore_mem>>)
          %dma_start3A_184 = tpu.memref_slice %arg5[%multiple_of3A_181] : memref<163840xi32, #tpu.memory_space<hbm>> -> memref<128xi32, #tpu.memory_space<hbm>>
          %dma_start3A_185 = tpu.memref_slice %arg5[%multiple_of3A_181] : memref<163840xi32, #tpu.memory_space<hbm>> -> memref<128xi32, #tpu.memory_space<hbm>>
          tpu.enqueue_dma source(%dma_start3A_185 : memref<128xi32, #tpu.memory_space<hbm>>) target(%arg12 : memref<128xi32, #tpu.memory_space<vmem>>) target_semaphore(%arg13 : memref<!tpu.dma_semaphore, #tpu.memory_space<semaphore_mem>>)
        } else {
        }
        %add3A_115 = arith.constant 2 : i32
        %add3A_116 = arith.addi %add3A_100, %add3A_115 : i32
        %lt3A_117 = arith.constant 40 : i32
        %lt3A_118 = arith.cmpi slt, %add3A_116, %lt3A_117 : i32
        %add3A_119 = arith.constant 2 : i32
        %add3A_120 = arith.addi %add3A_100, %add3A_119 : i32
        %convert_element_type3A_121 = arith.extui %lt3A_118 : i1 to i32
        %cond3A_122 = arith.constant 0 : i32
        %cond3A_123 = arith.cmpi ne, %convert_element_type3A_121, %cond3A_122 : i32
        scf.if %cond3A_123 {
          %mul3A_178 = arith.constant 128 : i32
          %mul3A_179 = arith.muli %add3A_120, %mul3A_178 : i32
          %add3A_180 = arith.addi %add3A_12, %mul3A_179 : i32
          %multiple_of3A_181 = tpu.assume_multiple %add3A_180, 8 : i32
          %dma_wait3A_182 = tpu.memref_slice %arg4[%multiple_of3A_181] : memref<163840xi32, #tpu.memory_space<hbm>> -> memref<128xi32, #tpu.memory_space<hbm>>
          %dma_wait3A_183 = tpu.memref_slice %arg4[%multiple_of3A_181] : memref<163840xi32, #tpu.memory_space<hbm>> -> memref<128xi32, #tpu.memory_space<hbm>>
          tpu.wait_dma2 semaphore(%arg19 : memref<!tpu.dma_semaphore, #tpu.memory_space<semaphore_mem>>) src(%dma_wait3A_183 : memref<128xi32, #tpu.memory_space<hbm>>) dst(%arg17 : memref<128xi32, #tpu.memory_space<vmem>>)
          %dma_wait3A_184 = tpu.memref_slice %arg5[%multiple_of3A_181] : memref<163840xi32, #tpu.memory_space<hbm>> -> memref<128xi32, #tpu.memory_space<hbm>>
          %dma_wait3A_185 = tpu.memref_slice %arg5[%multiple_of3A_181] : memref<163840xi32, #tpu.memory_space<hbm>> -> memref<128xi32, #tpu.memory_space<hbm>>
          tpu.wait_dma2 semaphore(%arg19 : memref<!tpu.dma_semaphore, #tpu.memory_space<semaphore_mem>>) src(%dma_wait3A_185 : memref<128xi32, #tpu.memory_space<hbm>>) dst(%arg18 : memref<128xi32, #tpu.memory_space<vmem>>)
          %dma_start3A_186 = arith.constant 0 : i32
          %dma_start3A_187 = arith.constant 0 : i32
          %dma_start3A_188 = tpu.memref_slice %arg2[%dma_start3A_186, %dma_start3A_187] : memref<10128x128xf32, #tpu.memory_space<hbm>> -> memref<10128x128xf32, #tpu.memory_space<hbm>>
          tpu.enqueue_indirect_dma source(%dma_start3A_188 : memref<10128x128xf32, #tpu.memory_space<hbm>>) target(%arg22 : memref<128x128xf32, #tpu.memory_space<vmem>>) offsets(%arg17 : memref<128xi32, #tpu.memory_space<vmem>>) semaphore(%arg23 : memref<!tpu.dma_semaphore, #tpu.memory_space<semaphore_mem>>)
        } else {
        }
        %mul3A_124 = arith.constant 4 : i32
        %mul3A_125 = arith.muli %mul3A_124, %scan3A_69 : i32
        %add3A_126 = arith.constant 2 : i32
        %add3A_127 = arith.addi %mul3A_125, %add3A_126 : i32
        %lt3A_128 = arith.constant 40 : i32
        %lt3A_129 = arith.cmpi slt, %add3A_127, %lt3A_128 : i32
        %convert_element_type3A_130 = arith.extui %lt3A_129 : i1 to i32
        %cond3A_131 = arith.constant 0 : i32
        %cond3A_132 = arith.cmpi ne, %convert_element_type3A_130, %cond3A_131 : i32
        scf.if %cond3A_132 {
          %dma_wait3A_178 = arith.constant 0 : i32
          %dma_wait3A_179 = arith.constant 0 : i32
          %dma_wait3A_180 = tpu.memref_slice %arg2[%dma_wait3A_178, %dma_wait3A_179] : memref<10128x128xf32, #tpu.memory_space<hbm>> -> memref<10128x128xf32, #tpu.memory_space<hbm>>
          tpu.wait_indirect_dma semaphore(%arg21 : memref<!tpu.dma_semaphore, #tpu.memory_space<semaphore_mem>>) src(%dma_wait3A_180 : memref<10128x128xf32, #tpu.memory_space<hbm>>) dst(%arg20 : memref<128x128xf32, #tpu.memory_space<vmem>>)
          "tpu.region"() ({
            %run_scoped3A = tpu.sem_alloc : memref<!tpu.dma_semaphore, #tpu.memory_space<semaphore_mem>>
            %dma_start3A_181 = arith.constant 0 : i32
            %dma_start3A_182 = arith.constant 0 : i32
            %dma_start3A_183 = tpu.memref_slice %arg24[%dma_start3A_181, %dma_start3A_182] : memref<10000x128xf32, #tpu.memory_space<vmem_shared>> -> memref<10000x128xf32, #tpu.memory_space<vmem_shared>>
            tpu.enqueue_indirect_dma source(%arg20 : memref<128x128xf32, #tpu.memory_space<vmem>>) target(%dma_start3A_183 : memref<10000x128xf32, #tpu.memory_space<vmem_shared>>) offsets(%arg15 : memref<128xi32, #tpu.memory_space<vmem>>) semaphore(%run_scoped3A : memref<!tpu.dma_semaphore, #tpu.memory_space<semaphore_mem>>) {add = true}
            %dma_wait3A_184 = arith.constant 0 : i32
            %dma_wait3A_185 = arith.constant 0 : i32
            %dma_wait3A_186 = tpu.memref_slice %arg24[%dma_wait3A_184, %dma_wait3A_185] : memref<10000x128xf32, #tpu.memory_space<vmem_shared>> -> memref<10000x128xf32, #tpu.memory_space<vmem_shared>>
            tpu.wait_indirect_dma semaphore(%run_scoped3A : memref<!tpu.dma_semaphore, #tpu.memory_space<semaphore_mem>>) src(%arg20 : memref<128x128xf32, #tpu.memory_space<vmem>>) dst(%dma_wait3A_186 : memref<10000x128xf32, #tpu.memory_space<vmem_shared>>)
            tpu.yield
          }) : () -> ()
        } else {
        }
        %add3A_133 = arith.constant 4 : i32
        %add3A_134 = arith.addi %add3A_127, %add3A_133 : i32
        %lt3A_135 = arith.constant 40 : i32
        %lt3A_136 = arith.cmpi slt, %add3A_134, %lt3A_135 : i32
        %add3A_137 = arith.constant 4 : i32
        %add3A_138 = arith.addi %add3A_127, %add3A_137 : i32
        %convert_element_type3A_139 = arith.extui %lt3A_136 : i1 to i32
        %cond3A_140 = arith.constant 0 : i32
        %cond3A_141 = arith.cmpi ne, %convert_element_type3A_139, %cond3A_140 : i32
        scf.if %cond3A_141 {
          %mul3A_178 = arith.constant 128 : i32
          %mul3A_179 = arith.muli %add3A_138, %mul3A_178 : i32
          %add3A_180 = arith.addi %add3A_12, %mul3A_179 : i32
          %multiple_of3A_181 = tpu.assume_multiple %add3A_180, 8 : i32
          %dma_start3A_182 = tpu.memref_slice %arg4[%multiple_of3A_181] : memref<163840xi32, #tpu.memory_space<hbm>> -> memref<128xi32, #tpu.memory_space<hbm>>
          %dma_start3A_183 = tpu.memref_slice %arg4[%multiple_of3A_181] : memref<163840xi32, #tpu.memory_space<hbm>> -> memref<128xi32, #tpu.memory_space<hbm>>
          tpu.enqueue_dma source(%dma_start3A_183 : memref<128xi32, #tpu.memory_space<hbm>>) target(%arg14 : memref<128xi32, #tpu.memory_space<vmem>>) target_semaphore(%arg16 : memref<!tpu.dma_semaphore, #tpu.memory_space<semaphore_mem>>)
          %dma_start3A_184 = tpu.memref_slice %arg5[%multiple_of3A_181] : memref<163840xi32, #tpu.memory_space<hbm>> -> memref<128xi32, #tpu.memory_space<hbm>>
          %dma_start3A_185 = tpu.memref_slice %arg5[%multiple_of3A_181] : memref<163840xi32, #tpu.memory_space<hbm>> -> memref<128xi32, #tpu.memory_space<hbm>>
          tpu.enqueue_dma source(%dma_start3A_185 : memref<128xi32, #tpu.memory_space<hbm>>) target(%arg15 : memref<128xi32, #tpu.memory_space<vmem>>) target_semaphore(%arg16 : memref<!tpu.dma_semaphore, #tpu.memory_space<semaphore_mem>>)
        } else {
        }
        %add3A_142 = arith.constant 2 : i32
        %add3A_143 = arith.addi %add3A_127, %add3A_142 : i32
        %lt3A_144 = arith.constant 40 : i32
        %lt3A_145 = arith.cmpi slt, %add3A_143, %lt3A_144 : i32
        %add3A_146 = arith.constant 2 : i32
        %add3A_147 = arith.addi %add3A_127, %add3A_146 : i32
        %convert_element_type3A_148 = arith.extui %lt3A_145 : i1 to i32
        %cond3A_149 = arith.constant 0 : i32
        %cond3A_150 = arith.cmpi ne, %convert_element_type3A_148, %cond3A_149 : i32
        scf.if %cond3A_150 {
          %mul3A_178 = arith.constant 128 : i32
          %mul3A_179 = arith.muli %add3A_147, %mul3A_178 : i32
          %add3A_180 = arith.addi %add3A_12, %mul3A_179 : i32
          %multiple_of3A_181 = tpu.assume_multiple %add3A_180, 8 : i32
          %dma_wait3A_182 = tpu.memref_slice %arg4[%multiple_of3A_181] : memref<163840xi32, #tpu.memory_space<hbm>> -> memref<128xi32, #tpu.memory_space<hbm>>
          %dma_wait3A_183 = tpu.memref_slice %arg4[%multiple_of3A_181] : memref<163840xi32, #tpu.memory_space<hbm>> -> memref<128xi32, #tpu.memory_space<hbm>>
          tpu.wait_dma2 semaphore(%arg10 : memref<!tpu.dma_semaphore, #tpu.memory_space<semaphore_mem>>) src(%dma_wait3A_183 : memref<128xi32, #tpu.memory_space<hbm>>) dst(%arg8 : memref<128xi32, #tpu.memory_space<vmem>>)
          %dma_wait3A_184 = tpu.memref_slice %arg5[%multiple_of3A_181] : memref<163840xi32, #tpu.memory_space<hbm>> -> memref<128xi32, #tpu.memory_space<hbm>>
          %dma_wait3A_185 = tpu.memref_slice %arg5[%multiple_of3A_181] : memref<163840xi32, #tpu.memory_space<hbm>> -> memref<128xi32, #tpu.memory_space<hbm>>
          tpu.wait_dma2 semaphore(%arg10 : memref<!tpu.dma_semaphore, #tpu.memory_space<semaphore_mem>>) src(%dma_wait3A_185 : memref<128xi32, #tpu.memory_space<hbm>>) dst(%arg9 : memref<128xi32, #tpu.memory_space<vmem>>)
          %dma_start3A_186 = arith.constant 0 : i32
          %dma_start3A_187 = arith.constant 0 : i32
          %dma_start3A_188 = tpu.memref_slice %arg2[%dma_start3A_186, %dma_start3A_187] : memref<10128x128xf32, #tpu.memory_space<hbm>> -> memref<10128x128xf32, #tpu.memory_space<hbm>>
          tpu.enqueue_indirect_dma source(%dma_start3A_188 : memref<10128x128xf32, #tpu.memory_space<hbm>>) target(%arg20 : memref<128x128xf32, #tpu.memory_space<vmem>>) offsets(%arg8 : memref<128xi32, #tpu.memory_space<vmem>>) semaphore(%arg21 : memref<!tpu.dma_semaphore, #tpu.memory_space<semaphore_mem>>)
        } else {
        }
        %mul3A_151 = arith.constant 4 : i32
        %mul3A_152 = arith.muli %mul3A_151, %scan3A_69 : i32
        %add3A_153 = arith.constant 3 : i32
        %add3A_154 = arith.addi %mul3A_152, %add3A_153 : i32
        %lt3A_155 = arith.constant 40 : i32
        %lt3A_156 = arith.cmpi slt, %add3A_154, %lt3A_155 : i32
        %convert_element_type3A_157 = arith.extui %lt3A_156 : i1 to i32
        %cond3A_158 = arith.constant 0 : i32
        %cond3A_159 = arith.cmpi ne, %convert_element_type3A_157, %cond3A_158 : i32
        scf.if %cond3A_159 {
          %dma_wait3A_178 = arith.constant 0 : i32
          %dma_wait3A_179 = arith.constant 0 : i32
          %dma_wait3A_180 = tpu.memref_slice %arg2[%dma_wait3A_178, %dma_wait3A_179] : memref<10128x128xf32, #tpu.memory_space<hbm>> -> memref<10128x128xf32, #tpu.memory_space<hbm>>
          tpu.wait_indirect_dma semaphore(%arg23 : memref<!tpu.dma_semaphore, #tpu.memory_space<semaphore_mem>>) src(%dma_wait3A_180 : memref<10128x128xf32, #tpu.memory_space<hbm>>) dst(%arg22 : memref<128x128xf32, #tpu.memory_space<vmem>>)
          "tpu.region"() ({
            %run_scoped3A = tpu.sem_alloc : memref<!tpu.dma_semaphore, #tpu.memory_space<semaphore_mem>>
            %dma_start3A_181 = arith.constant 0 : i32
            %dma_start3A_182 = arith.constant 0 : i32
            %dma_start3A_183 = tpu.memref_slice %arg24[%dma_start3A_181, %dma_start3A_182] : memref<10000x128xf32, #tpu.memory_space<vmem_shared>> -> memref<10000x128xf32, #tpu.memory_space<vmem_shared>>
            tpu.enqueue_indirect_dma source(%arg22 : memref<128x128xf32, #tpu.memory_space<vmem>>) target(%dma_start3A_183 : memref<10000x128xf32, #tpu.memory_space<vmem_shared>>) offsets(%arg18 : memref<128xi32, #tpu.memory_space<vmem>>) semaphore(%run_scoped3A : memref<!tpu.dma_semaphore, #tpu.memory_space<semaphore_mem>>) {add = true}
            %dma_wait3A_184 = arith.constant 0 : i32
            %dma_wait3A_185 = arith.constant 0 : i32
            %dma_wait3A_186 = tpu.memref_slice %arg24[%dma_wait3A_184, %dma_wait3A_185] : memref<10000x128xf32, #tpu.memory_space<vmem_shared>> -> memref<10000x128xf32, #tpu.memory_space<vmem_shared>>
            tpu.wait_indirect_dma semaphore(%run_scoped3A : memref<!tpu.dma_semaphore, #tpu.memory_space<semaphore_mem>>) src(%arg22 : memref<128x128xf32, #tpu.memory_space<vmem>>) dst(%dma_wait3A_186 : memref<10000x128xf32, #tpu.memory_space<vmem_shared>>)
            tpu.yield
          }) : () -> ()
        } else {
        }
        %add3A_160 = arith.constant 4 : i32
        %add3A_161 = arith.addi %add3A_154, %add3A_160 : i32
        %lt3A_162 = arith.constant 40 : i32
        %lt3A_163 = arith.cmpi slt, %add3A_161, %lt3A_162 : i32
        %add3A_164 = arith.constant 4 : i32
        %add3A_165 = arith.addi %add3A_154, %add3A_164 : i32
        %convert_element_type3A_166 = arith.extui %lt3A_163 : i1 to i32
        %cond3A_167 = arith.constant 0 : i32
        %cond3A_168 = arith.cmpi ne, %convert_element_type3A_166, %cond3A_167 : i32
        scf.if %cond3A_168 {
          %mul3A_178 = arith.constant 128 : i32
          %mul3A_179 = arith.muli %add3A_165, %mul3A_178 : i32
          %add3A_180 = arith.addi %add3A_12, %mul3A_179 : i32
          %multiple_of3A_181 = tpu.assume_multiple %add3A_180, 8 : i32
          %dma_start3A_182 = tpu.memref_slice %arg4[%multiple_of3A_181] : memref<163840xi32, #tpu.memory_space<hbm>> -> memref<128xi32, #tpu.memory_space<hbm>>
          %dma_start3A_183 = tpu.memref_slice %arg4[%multiple_of3A_181] : memref<163840xi32, #tpu.memory_space<hbm>> -> memref<128xi32, #tpu.memory_space<hbm>>
          tpu.enqueue_dma source(%dma_start3A_183 : memref<128xi32, #tpu.memory_space<hbm>>) target(%arg17 : memref<128xi32, #tpu.memory_space<vmem>>) target_semaphore(%arg19 : memref<!tpu.dma_semaphore, #tpu.memory_space<semaphore_mem>>)
          %dma_start3A_184 = tpu.memref_slice %arg5[%multiple_of3A_181] : memref<163840xi32, #tpu.memory_space<hbm>> -> memref<128xi32, #tpu.memory_space<hbm>>
          %dma_start3A_185 = tpu.memref_slice %arg5[%multiple_of3A_181] : memref<163840xi32, #tpu.memory_space<hbm>> -> memref<128xi32, #tpu.memory_space<hbm>>
          tpu.enqueue_dma source(%dma_start3A_185 : memref<128xi32, #tpu.memory_space<hbm>>) target(%arg18 : memref<128xi32, #tpu.memory_space<vmem>>) target_semaphore(%arg19 : memref<!tpu.dma_semaphore, #tpu.memory_space<semaphore_mem>>)
        } else {
        }
        %add3A_169 = arith.constant 2 : i32
        %add3A_170 = arith.addi %add3A_154, %add3A_169 : i32
        %lt3A_171 = arith.constant 40 : i32
        %lt3A_172 = arith.cmpi slt, %add3A_170, %lt3A_171 : i32
        %add3A_173 = arith.constant 2 : i32
        %add3A_174 = arith.addi %add3A_154, %add3A_173 : i32
        %convert_element_type3A_175 = arith.extui %lt3A_172 : i1 to i32
        %cond3A_176 = arith.constant 0 : i32
        %cond3A_177 = arith.cmpi ne, %convert_element_type3A_175, %cond3A_176 : i32
        scf.if %cond3A_177 {
          %mul3A_178 = arith.constant 128 : i32
          %mul3A_179 = arith.muli %add3A_174, %mul3A_178 : i32
          %add3A_180 = arith.addi %add3A_12, %mul3A_179 : i32
          %multiple_of3A_181 = tpu.assume_multiple %add3A_180, 8 : i32
          %dma_wait3A_182 = tpu.memref_slice %arg4[%multiple_of3A_181] : memref<163840xi32, #tpu.memory_space<hbm>> -> memref<128xi32, #tpu.memory_space<hbm>>
          %dma_wait3A_183 = tpu.memref_slice %arg4[%multiple_of3A_181] : memref<163840xi32, #tpu.memory_space<hbm>> -> memref<128xi32, #tpu.memory_space<hbm>>
          tpu.wait_dma2 semaphore(%arg13 : memref<!tpu.dma_semaphore, #tpu.memory_space<semaphore_mem>>) src(%dma_wait3A_183 : memref<128xi32, #tpu.memory_space<hbm>>) dst(%arg11 : memref<128xi32, #tpu.memory_space<vmem>>)
          %dma_wait3A_184 = tpu.memref_slice %arg5[%multiple_of3A_181] : memref<163840xi32, #tpu.memory_space<hbm>> -> memref<128xi32, #tpu.memory_space<hbm>>
          %dma_wait3A_185 = tpu.memref_slice %arg5[%multiple_of3A_181] : memref<163840xi32, #tpu.memory_space<hbm>> -> memref<128xi32, #tpu.memory_space<hbm>>
          tpu.wait_dma2 semaphore(%arg13 : memref<!tpu.dma_semaphore, #tpu.memory_space<semaphore_mem>>) src(%dma_wait3A_185 : memref<128xi32, #tpu.memory_space<hbm>>) dst(%arg12 : memref<128xi32, #tpu.memory_space<vmem>>)
          %dma_start3A_186 = arith.constant 0 : i32
          %dma_start3A_187 = arith.constant 0 : i32
          %dma_start3A_188 = tpu.memref_slice %arg2[%dma_start3A_186, %dma_start3A_187] : memref<10128x128xf32, #tpu.memory_space<hbm>> -> memref<10128x128xf32, #tpu.memory_space<hbm>>
          tpu.enqueue_indirect_dma source(%dma_start3A_188 : memref<10128x128xf32, #tpu.memory_space<hbm>>) target(%arg22 : memref<128x128xf32, #tpu.memory_space<vmem>>) offsets(%arg11 : memref<128xi32, #tpu.memory_space<vmem>>) semaphore(%arg23 : memref<!tpu.dma_semaphore, #tpu.memory_space<semaphore_mem>>)
        } else {
        }
      }
      %scan3A_62 = arith.constant 10 : i32
      %barrier3A_63 = arith.constant 0 : index
      tpu.barrier barrier_id(%barrier3A_63)
      %lt3A_64 = arith.constant 10 : i32
      %lt3A_65 = arith.cmpi slt, %arg1, %lt3A_64 : i32
      %convert_element_type3A_66 = arith.extui %lt3A_65 : i1 to i32
      %cond3A_67 = arith.constant 0 : i32
      %cond3A_68 = arith.cmpi ne, %convert_element_type3A_66, %cond3A_67 : i32
      scf.if %cond3A_68 {
        %mul3A_69 = arith.constant 1000 : i32
        %mul3A_70 = arith.muli %arg1, %mul3A_69 : i32
        "tpu.region"() ({
          %run_scoped3A = tpu.sem_alloc : memref<!tpu.dma_semaphore, #tpu.memory_space<semaphore_mem>>
          %dma_start3A_71 = arith.constant 0 : i32
          %dma_start3A_72 = tpu.memref_slice %arg6[%mul3A_70, %dma_start3A_71] : memref<10000x128xf32, #tpu.memory_space<hbm>> -> memref<1000x128xf32, #tpu.memory_space<hbm>>
          %dma_start3A_73 = arith.constant 0 : i32
          %dma_start3A_74 = tpu.memref_slice %arg24[%mul3A_70, %dma_start3A_73] : memref<10000x128xf32, #tpu.memory_space<vmem_shared>> -> memref<1000x128xf32, #tpu.memory_space<vmem_shared>>
          tpu.enqueue_dma source(%dma_start3A_74 : memref<1000x128xf32, #tpu.memory_space<vmem_shared>>) target(%dma_start3A_72 : memref<1000x128xf32, #tpu.memory_space<hbm>>) target_semaphore(%run_scoped3A : memref<!tpu.dma_semaphore, #tpu.memory_space<semaphore_mem>>)
          %dma_wait3A_75 = arith.constant 0 : i32
          %dma_wait3A_76 = tpu.memref_slice %arg6[%mul3A_70, %dma_wait3A_75] : memref<10000x128xf32, #tpu.memory_space<hbm>> -> memref<1000x128xf32, #tpu.memory_space<hbm>>
          %dma_wait3A_77 = arith.constant 0 : i32
          %dma_wait3A_78 = tpu.memref_slice %arg24[%mul3A_70, %dma_wait3A_77] : memref<10000x128xf32, #tpu.memory_space<vmem_shared>> -> memref<1000x128xf32, #tpu.memory_space<vmem_shared>>
          tpu.wait_dma2 semaphore(%run_scoped3A : memref<!tpu.dma_semaphore, #tpu.memory_space<semaphore_mem>>) src(%dma_wait3A_78 : memref<1000x128xf32, #tpu.memory_space<vmem_shared>>) dst(%dma_wait3A_76 : memref<1000x128xf32, #tpu.memory_space<hbm>>)
          tpu.yield
        }) : () -> ()
      } else {
      }
    } else {
    }
    %eq3A_2 = arith.constant 1 : i32
    %eq3A_3 = arith.cmpi eq, %arg0, %eq3A_2 : i32
    %convert_element_type3A_4 = arith.extui %eq3A_3 : i1 to i32
    %cond3A_5 = arith.constant 0 : i32
    %cond3A_6 = arith.cmpi ne, %convert_element_type3A_4, %cond3A_5 : i32
    scf.if %cond3A_6 {
      %lt3A = arith.constant 10 : i32
      %lt3A_7 = arith.cmpi slt, %arg1, %lt3A : i32
      %convert_element_type3A_8 = arith.extui %lt3A_7 : i1 to i32
      %cond3A_9 = arith.constant 0 : i32
      %cond3A_10 = arith.cmpi ne, %convert_element_type3A_8, %cond3A_9 : i32
      scf.if %cond3A_10 {
        %mul3A_69 = arith.constant 1000 : i32
        %mul3A_70 = arith.muli %arg1, %mul3A_69 : i32
        "tpu.region"() ({
          %run_scoped3A = tpu.sem_alloc : memref<!tpu.dma_semaphore, #tpu.memory_space<semaphore_mem>>
          %dma_start3A_71 = arith.constant 0 : i32
          %dma_start3A_72 = tpu.memref_slice %arg24[%mul3A_70, %dma_start3A_71] : memref<10000x128xf32, #tpu.memory_space<vmem_shared>> -> memref<1000x128xf32, #tpu.memory_space<vmem_shared>>
          %dma_start3A_73 = arith.constant 0 : i32
          %dma_start3A_74 = tpu.memref_slice %arg3[%mul3A_70, %dma_start3A_73] : memref<10000x128xf32, #tpu.memory_space<hbm>> -> memref<1000x128xf32, #tpu.memory_space<hbm>>
          tpu.enqueue_dma source(%dma_start3A_74 : memref<1000x128xf32, #tpu.memory_space<hbm>>) target(%dma_start3A_72 : memref<1000x128xf32, #tpu.memory_space<vmem_shared>>) target_semaphore(%run_scoped3A : memref<!tpu.dma_semaphore, #tpu.memory_space<semaphore_mem>>)
          %dma_wait3A_75 = arith.constant 0 : i32
          %dma_wait3A_76 = tpu.memref_slice %arg24[%mul3A_70, %dma_wait3A_75] : memref<10000x128xf32, #tpu.memory_space<vmem_shared>> -> memref<1000x128xf32, #tpu.memory_space<vmem_shared>>
          %dma_wait3A_77 = arith.constant 0 : i32
          %dma_wait3A_78 = tpu.memref_slice %arg3[%mul3A_70, %dma_wait3A_77] : memref<10000x128xf32, #tpu.memory_space<hbm>> -> memref<1000x128xf32, #tpu.memory_space<hbm>>
          tpu.wait_dma2 semaphore(%run_scoped3A : memref<!tpu.dma_semaphore, #tpu.memory_space<semaphore_mem>>) src(%dma_wait3A_78 : memref<1000x128xf32, #tpu.memory_space<hbm>>) dst(%dma_wait3A_76 : memref<1000x128xf32, #tpu.memory_space<vmem_shared>>)
          tpu.yield
        }) : () -> ()
      } else {
      }
      %barrier3A = arith.constant 0 : index
      tpu.barrier barrier_id(%barrier3A)
      %mul3A = arith.constant 5120 : i32
      %mul3A_11 = arith.muli %arg1, %mul3A : i32
      %add3A = arith.constant 81920 : i32
      %add3A_12 = arith.addi %add3A, %mul3A_11 : i32
      %add3A_13 = arith.constant 0 : i32
      %add3A_14 = arith.addi %add3A_12, %add3A_13 : i32
      %multiple_of3A = tpu.assume_multiple %add3A_14, 8 : i32
      %dma_start3A = tpu.memref_slice %arg4[%multiple_of3A] : memref<163840xi32, #tpu.memory_space<hbm>> -> memref<128xi32, #tpu.memory_space<hbm>>
      %dma_start3A_15 = tpu.memref_slice %arg4[%multiple_of3A] : memref<163840xi32, #tpu.memory_space<hbm>> -> memref<128xi32, #tpu.memory_space<hbm>>
      tpu.enqueue_dma source(%dma_start3A_15 : memref<128xi32, #tpu.memory_space<hbm>>) target(%arg8 : memref<128xi32, #tpu.memory_space<vmem>>) target_semaphore(%arg10 : memref<!tpu.dma_semaphore, #tpu.memory_space<semaphore_mem>>)
      %dma_start3A_16 = tpu.memref_slice %arg5[%multiple_of3A] : memref<163840xi32, #tpu.memory_space<hbm>> -> memref<128xi32, #tpu.memory_space<hbm>>
      %dma_start3A_17 = tpu.memref_slice %arg5[%multiple_of3A] : memref<163840xi32, #tpu.memory_space<hbm>> -> memref<128xi32, #tpu.memory_space<hbm>>
      tpu.enqueue_dma source(%dma_start3A_17 : memref<128xi32, #tpu.memory_space<hbm>>) target(%arg9 : memref<128xi32, #tpu.memory_space<vmem>>) target_semaphore(%arg10 : memref<!tpu.dma_semaphore, #tpu.memory_space<semaphore_mem>>)
      %add3A_18 = arith.constant 128 : i32
      %add3A_19 = arith.addi %add3A_12, %add3A_18 : i32
      %multiple_of3A_20 = tpu.assume_multiple %add3A_19, 8 : i32
      %dma_start3A_21 = tpu.memref_slice %arg4[%multiple_of3A_20] : memref<163840xi32, #tpu.memory_space<hbm>> -> memref<128xi32, #tpu.memory_space<hbm>>
      %dma_start3A_22 = tpu.memref_slice %arg4[%multiple_of3A_20] : memref<163840xi32, #tpu.memory_space<hbm>> -> memref<128xi32, #tpu.memory_space<hbm>>
      tpu.enqueue_dma source(%dma_start3A_22 : memref<128xi32, #tpu.memory_space<hbm>>) target(%arg11 : memref<128xi32, #tpu.memory_space<vmem>>) target_semaphore(%arg13 : memref<!tpu.dma_semaphore, #tpu.memory_space<semaphore_mem>>)
      %dma_start3A_23 = tpu.memref_slice %arg5[%multiple_of3A_20] : memref<163840xi32, #tpu.memory_space<hbm>> -> memref<128xi32, #tpu.memory_space<hbm>>
      %dma_start3A_24 = tpu.memref_slice %arg5[%multiple_of3A_20] : memref<163840xi32, #tpu.memory_space<hbm>> -> memref<128xi32, #tpu.memory_space<hbm>>
      tpu.enqueue_dma source(%dma_start3A_24 : memref<128xi32, #tpu.memory_space<hbm>>) target(%arg12 : memref<128xi32, #tpu.memory_space<vmem>>) target_semaphore(%arg13 : memref<!tpu.dma_semaphore, #tpu.memory_space<semaphore_mem>>)
      %add3A_25 = arith.constant 256 : i32
      %add3A_26 = arith.addi %add3A_12, %add3A_25 : i32
      %multiple_of3A_27 = tpu.assume_multiple %add3A_26, 8 : i32
      %dma_start3A_28 = tpu.memref_slice %arg4[%multiple_of3A_27] : memref<163840xi32, #tpu.memory_space<hbm>> -> memref<128xi32, #tpu.memory_space<hbm>>
      %dma_start3A_29 = tpu.memref_slice %arg4[%multiple_of3A_27] : memref<163840xi32, #tpu.memory_space<hbm>> -> memref<128xi32, #tpu.memory_space<hbm>>
      tpu.enqueue_dma source(%dma_start3A_29 : memref<128xi32, #tpu.memory_space<hbm>>) target(%arg14 : memref<128xi32, #tpu.memory_space<vmem>>) target_semaphore(%arg16 : memref<!tpu.dma_semaphore, #tpu.memory_space<semaphore_mem>>)
      %dma_start3A_30 = tpu.memref_slice %arg5[%multiple_of3A_27] : memref<163840xi32, #tpu.memory_space<hbm>> -> memref<128xi32, #tpu.memory_space<hbm>>
      %dma_start3A_31 = tpu.memref_slice %arg5[%multiple_of3A_27] : memref<163840xi32, #tpu.memory_space<hbm>> -> memref<128xi32, #tpu.memory_space<hbm>>
      tpu.enqueue_dma source(%dma_start3A_31 : memref<128xi32, #tpu.memory_space<hbm>>) target(%arg15 : memref<128xi32, #tpu.memory_space<vmem>>) target_semaphore(%arg16 : memref<!tpu.dma_semaphore, #tpu.memory_space<semaphore_mem>>)
      %add3A_32 = arith.constant 384 : i32
      %add3A_33 = arith.addi %add3A_12, %add3A_32 : i32
      %multiple_of3A_34 = tpu.assume_multiple %add3A_33, 8 : i32
      %dma_start3A_35 = tpu.memref_slice %arg4[%multiple_of3A_34] : memref<163840xi32, #tpu.memory_space<hbm>> -> memref<128xi32, #tpu.memory_space<hbm>>
      %dma_start3A_36 = tpu.memref_slice %arg4[%multiple_of3A_34] : memref<163840xi32, #tpu.memory_space<hbm>> -> memref<128xi32, #tpu.memory_space<hbm>>
      tpu.enqueue_dma source(%dma_start3A_36 : memref<128xi32, #tpu.memory_space<hbm>>) target(%arg17 : memref<128xi32, #tpu.memory_space<vmem>>) target_semaphore(%arg19 : memref<!tpu.dma_semaphore, #tpu.memory_space<semaphore_mem>>)
      %dma_start3A_37 = tpu.memref_slice %arg5[%multiple_of3A_34] : memref<163840xi32, #tpu.memory_space<hbm>> -> memref<128xi32, #tpu.memory_space<hbm>>
      %dma_start3A_38 = tpu.memref_slice %arg5[%multiple_of3A_34] : memref<163840xi32, #tpu.memory_space<hbm>> -> memref<128xi32, #tpu.memory_space<hbm>>
      tpu.enqueue_dma source(%dma_start3A_38 : memref<128xi32, #tpu.memory_space<hbm>>) target(%arg18 : memref<128xi32, #tpu.memory_space<vmem>>) target_semaphore(%arg19 : memref<!tpu.dma_semaphore, #tpu.memory_space<semaphore_mem>>)
      %add3A_39 = arith.constant 0 : i32
      %add3A_40 = arith.addi %add3A_12, %add3A_39 : i32
      %multiple_of3A_41 = tpu.assume_multiple %add3A_40, 8 : i32
      %dma_wait3A = tpu.memref_slice %arg4[%multiple_of3A_41] : memref<163840xi32, #tpu.memory_space<hbm>> -> memref<128xi32, #tpu.memory_space<hbm>>
      %dma_wait3A_42 = tpu.memref_slice %arg4[%multiple_of3A_41] : memref<163840xi32, #tpu.memory_space<hbm>> -> memref<128xi32, #tpu.memory_space<hbm>>
      tpu.wait_dma2 semaphore(%arg10 : memref<!tpu.dma_semaphore, #tpu.memory_space<semaphore_mem>>) src(%dma_wait3A_42 : memref<128xi32, #tpu.memory_space<hbm>>) dst(%arg8 : memref<128xi32, #tpu.memory_space<vmem>>)
      %dma_wait3A_43 = tpu.memref_slice %arg5[%multiple_of3A_41] : memref<163840xi32, #tpu.memory_space<hbm>> -> memref<128xi32, #tpu.memory_space<hbm>>
      %dma_wait3A_44 = tpu.memref_slice %arg5[%multiple_of3A_41] : memref<163840xi32, #tpu.memory_space<hbm>> -> memref<128xi32, #tpu.memory_space<hbm>>
      tpu.wait_dma2 semaphore(%arg10 : memref<!tpu.dma_semaphore, #tpu.memory_space<semaphore_mem>>) src(%dma_wait3A_44 : memref<128xi32, #tpu.memory_space<hbm>>) dst(%arg9 : memref<128xi32, #tpu.memory_space<vmem>>)
      %dma_start3A_45 = arith.constant 0 : i32
      %dma_start3A_46 = arith.constant 0 : i32
      %dma_start3A_47 = tpu.memref_slice %arg2[%dma_start3A_45, %dma_start3A_46] : memref<10128x128xf32, #tpu.memory_space<hbm>> -> memref<10128x128xf32, #tpu.memory_space<hbm>>
      tpu.enqueue_indirect_dma source(%dma_start3A_47 : memref<10128x128xf32, #tpu.memory_space<hbm>>) target(%arg20 : memref<128x128xf32, #tpu.memory_space<vmem>>) offsets(%arg8 : memref<128xi32, #tpu.memory_space<vmem>>) semaphore(%arg21 : memref<!tpu.dma_semaphore, #tpu.memory_space<semaphore_mem>>)
      %add3A_48 = arith.constant 128 : i32
      %add3A_49 = arith.addi %add3A_12, %add3A_48 : i32
      %multiple_of3A_50 = tpu.assume_multiple %add3A_49, 8 : i32
      %dma_wait3A_51 = tpu.memref_slice %arg4[%multiple_of3A_50] : memref<163840xi32, #tpu.memory_space<hbm>> -> memref<128xi32, #tpu.memory_space<hbm>>
      %dma_wait3A_52 = tpu.memref_slice %arg4[%multiple_of3A_50] : memref<163840xi32, #tpu.memory_space<hbm>> -> memref<128xi32, #tpu.memory_space<hbm>>
      tpu.wait_dma2 semaphore(%arg13 : memref<!tpu.dma_semaphore, #tpu.memory_space<semaphore_mem>>) src(%dma_wait3A_52 : memref<128xi32, #tpu.memory_space<hbm>>) dst(%arg11 : memref<128xi32, #tpu.memory_space<vmem>>)
      %dma_wait3A_53 = tpu.memref_slice %arg5[%multiple_of3A_50] : memref<163840xi32, #tpu.memory_space<hbm>> -> memref<128xi32, #tpu.memory_space<hbm>>
      %dma_wait3A_54 = tpu.memref_slice %arg5[%multiple_of3A_50] : memref<163840xi32, #tpu.memory_space<hbm>> -> memref<128xi32, #tpu.memory_space<hbm>>
      tpu.wait_dma2 semaphore(%arg13 : memref<!tpu.dma_semaphore, #tpu.memory_space<semaphore_mem>>) src(%dma_wait3A_54 : memref<128xi32, #tpu.memory_space<hbm>>) dst(%arg12 : memref<128xi32, #tpu.memory_space<vmem>>)
      %dma_start3A_55 = arith.constant 0 : i32
      %dma_start3A_56 = arith.constant 0 : i32
      %dma_start3A_57 = tpu.memref_slice %arg2[%dma_start3A_55, %dma_start3A_56] : memref<10128x128xf32, #tpu.memory_space<hbm>> -> memref<10128x128xf32, #tpu.memory_space<hbm>>
      tpu.enqueue_indirect_dma source(%dma_start3A_57 : memref<10128x128xf32, #tpu.memory_space<hbm>>) target(%arg22 : memref<128x128xf32, #tpu.memory_space<vmem>>) offsets(%arg11 : memref<128xi32, #tpu.memory_space<vmem>>) semaphore(%arg23 : memref<!tpu.dma_semaphore, #tpu.memory_space<semaphore_mem>>)
      %scan3A = arith.constant 0 : i32
      %scan3A_58 = arith.constant 0 : i32
      %scan3A_59 = arith.constant 10 : i32
      %scan3A_60 = arith.addi %scan3A_58, %scan3A_59 : i32
      %scan3A_61 = arith.constant 1 : i32
      scf.for %scan3A_69 = %scan3A_58 to %scan3A_60 step %scan3A_61  : i32 {
        %mul3A_70 = arith.constant 4 : i32
        %mul3A_71 = arith.muli %mul3A_70, %scan3A_69 : i32
        %add3A_72 = arith.constant 0 : i32
        %add3A_73 = arith.addi %mul3A_71, %add3A_72 : i32
        %lt3A_74 = arith.constant 40 : i32
        %lt3A_75 = arith.cmpi slt, %add3A_73, %lt3A_74 : i32
        %convert_element_type3A_76 = arith.extui %lt3A_75 : i1 to i32
        %cond3A_77 = arith.constant 0 : i32
        %cond3A_78 = arith.cmpi ne, %convert_element_type3A_76, %cond3A_77 : i32
        scf.if %cond3A_78 {
          %dma_wait3A_178 = arith.constant 0 : i32
          %dma_wait3A_179 = arith.constant 0 : i32
          %dma_wait3A_180 = tpu.memref_slice %arg2[%dma_wait3A_178, %dma_wait3A_179] : memref<10128x128xf32, #tpu.memory_space<hbm>> -> memref<10128x128xf32, #tpu.memory_space<hbm>>
          tpu.wait_indirect_dma semaphore(%arg21 : memref<!tpu.dma_semaphore, #tpu.memory_space<semaphore_mem>>) src(%dma_wait3A_180 : memref<10128x128xf32, #tpu.memory_space<hbm>>) dst(%arg20 : memref<128x128xf32, #tpu.memory_space<vmem>>)
          "tpu.region"() ({
            %run_scoped3A = tpu.sem_alloc : memref<!tpu.dma_semaphore, #tpu.memory_space<semaphore_mem>>
            %dma_start3A_181 = arith.constant 0 : i32
            %dma_start3A_182 = arith.constant 0 : i32
            %dma_start3A_183 = tpu.memref_slice %arg24[%dma_start3A_181, %dma_start3A_182] : memref<10000x128xf32, #tpu.memory_space<vmem_shared>> -> memref<10000x128xf32, #tpu.memory_space<vmem_shared>>
            tpu.enqueue_indirect_dma source(%arg20 : memref<128x128xf32, #tpu.memory_space<vmem>>) target(%dma_start3A_183 : memref<10000x128xf32, #tpu.memory_space<vmem_shared>>) offsets(%arg9 : memref<128xi32, #tpu.memory_space<vmem>>) semaphore(%run_scoped3A : memref<!tpu.dma_semaphore, #tpu.memory_space<semaphore_mem>>) {add = true}
            %dma_wait3A_184 = arith.constant 0 : i32
            %dma_wait3A_185 = arith.constant 0 : i32
            %dma_wait3A_186 = tpu.memref_slice %arg24[%dma_wait3A_184, %dma_wait3A_185] : memref<10000x128xf32, #tpu.memory_space<vmem_shared>> -> memref<10000x128xf32, #tpu.memory_space<vmem_shared>>
            tpu.wait_indirect_dma semaphore(%run_scoped3A : memref<!tpu.dma_semaphore, #tpu.memory_space<semaphore_mem>>) src(%arg20 : memref<128x128xf32, #tpu.memory_space<vmem>>) dst(%dma_wait3A_186 : memref<10000x128xf32, #tpu.memory_space<vmem_shared>>)
            tpu.yield
          }) : () -> ()
        } else {
        }
        %add3A_79 = arith.constant 4 : i32
        %add3A_80 = arith.addi %add3A_73, %add3A_79 : i32
        %lt3A_81 = arith.constant 40 : i32
        %lt3A_82 = arith.cmpi slt, %add3A_80, %lt3A_81 : i32
        %add3A_83 = arith.constant 4 : i32
        %add3A_84 = arith.addi %add3A_73, %add3A_83 : i32
        %convert_element_type3A_85 = arith.extui %lt3A_82 : i1 to i32
        %cond3A_86 = arith.constant 0 : i32
        %cond3A_87 = arith.cmpi ne, %convert_element_type3A_85, %cond3A_86 : i32
        scf.if %cond3A_87 {
          %mul3A_178 = arith.constant 128 : i32
          %mul3A_179 = arith.muli %add3A_84, %mul3A_178 : i32
          %add3A_180 = arith.addi %add3A_12, %mul3A_179 : i32
          %multiple_of3A_181 = tpu.assume_multiple %add3A_180, 8 : i32
          %dma_start3A_182 = tpu.memref_slice %arg4[%multiple_of3A_181] : memref<163840xi32, #tpu.memory_space<hbm>> -> memref<128xi32, #tpu.memory_space<hbm>>
          %dma_start3A_183 = tpu.memref_slice %arg4[%multiple_of3A_181] : memref<163840xi32, #tpu.memory_space<hbm>> -> memref<128xi32, #tpu.memory_space<hbm>>
          tpu.enqueue_dma source(%dma_start3A_183 : memref<128xi32, #tpu.memory_space<hbm>>) target(%arg8 : memref<128xi32, #tpu.memory_space<vmem>>) target_semaphore(%arg10 : memref<!tpu.dma_semaphore, #tpu.memory_space<semaphore_mem>>)
          %dma_start3A_184 = tpu.memref_slice %arg5[%multiple_of3A_181] : memref<163840xi32, #tpu.memory_space<hbm>> -> memref<128xi32, #tpu.memory_space<hbm>>
          %dma_start3A_185 = tpu.memref_slice %arg5[%multiple_of3A_181] : memref<163840xi32, #tpu.memory_space<hbm>> -> memref<128xi32, #tpu.memory_space<hbm>>
          tpu.enqueue_dma source(%dma_start3A_185 : memref<128xi32, #tpu.memory_space<hbm>>) target(%arg9 : memref<128xi32, #tpu.memory_space<vmem>>) target_semaphore(%arg10 : memref<!tpu.dma_semaphore, #tpu.memory_space<semaphore_mem>>)
        } else {
        }
        %add3A_88 = arith.constant 2 : i32
        %add3A_89 = arith.addi %add3A_73, %add3A_88 : i32
        %lt3A_90 = arith.constant 40 : i32
        %lt3A_91 = arith.cmpi slt, %add3A_89, %lt3A_90 : i32
        %add3A_92 = arith.constant 2 : i32
        %add3A_93 = arith.addi %add3A_73, %add3A_92 : i32
        %convert_element_type3A_94 = arith.extui %lt3A_91 : i1 to i32
        %cond3A_95 = arith.constant 0 : i32
        %cond3A_96 = arith.cmpi ne, %convert_element_type3A_94, %cond3A_95 : i32
        scf.if %cond3A_96 {
          %mul3A_178 = arith.constant 128 : i32
          %mul3A_179 = arith.muli %add3A_93, %mul3A_178 : i32
          %add3A_180 = arith.addi %add3A_12, %mul3A_179 : i32
          %multiple_of3A_181 = tpu.assume_multiple %add3A_180, 8 : i32
          %dma_wait3A_182 = tpu.memref_slice %arg4[%multiple_of3A_181] : memref<163840xi32, #tpu.memory_space<hbm>> -> memref<128xi32, #tpu.memory_space<hbm>>
          %dma_wait3A_183 = tpu.memref_slice %arg4[%multiple_of3A_181] : memref<163840xi32, #tpu.memory_space<hbm>> -> memref<128xi32, #tpu.memory_space<hbm>>
          tpu.wait_dma2 semaphore(%arg16 : memref<!tpu.dma_semaphore, #tpu.memory_space<semaphore_mem>>) src(%dma_wait3A_183 : memref<128xi32, #tpu.memory_space<hbm>>) dst(%arg14 : memref<128xi32, #tpu.memory_space<vmem>>)
          %dma_wait3A_184 = tpu.memref_slice %arg5[%multiple_of3A_181] : memref<163840xi32, #tpu.memory_space<hbm>> -> memref<128xi32, #tpu.memory_space<hbm>>
          %dma_wait3A_185 = tpu.memref_slice %arg5[%multiple_of3A_181] : memref<163840xi32, #tpu.memory_space<hbm>> -> memref<128xi32, #tpu.memory_space<hbm>>
          tpu.wait_dma2 semaphore(%arg16 : memref<!tpu.dma_semaphore, #tpu.memory_space<semaphore_mem>>) src(%dma_wait3A_185 : memref<128xi32, #tpu.memory_space<hbm>>) dst(%arg15 : memref<128xi32, #tpu.memory_space<vmem>>)
          %dma_start3A_186 = arith.constant 0 : i32
          %dma_start3A_187 = arith.constant 0 : i32
          %dma_start3A_188 = tpu.memref_slice %arg2[%dma_start3A_186, %dma_start3A_187] : memref<10128x128xf32, #tpu.memory_space<hbm>> -> memref<10128x128xf32, #tpu.memory_space<hbm>>
          tpu.enqueue_indirect_dma source(%dma_start3A_188 : memref<10128x128xf32, #tpu.memory_space<hbm>>) target(%arg20 : memref<128x128xf32, #tpu.memory_space<vmem>>) offsets(%arg14 : memref<128xi32, #tpu.memory_space<vmem>>) semaphore(%arg21 : memref<!tpu.dma_semaphore, #tpu.memory_space<semaphore_mem>>)
        } else {
        }
        %mul3A_97 = arith.constant 4 : i32
        %mul3A_98 = arith.muli %mul3A_97, %scan3A_69 : i32
        %add3A_99 = arith.constant 1 : i32
        %add3A_100 = arith.addi %mul3A_98, %add3A_99 : i32
        %lt3A_101 = arith.constant 40 : i32
        %lt3A_102 = arith.cmpi slt, %add3A_100, %lt3A_101 : i32
        %convert_element_type3A_103 = arith.extui %lt3A_102 : i1 to i32
        %cond3A_104 = arith.constant 0 : i32
        %cond3A_105 = arith.cmpi ne, %convert_element_type3A_103, %cond3A_104 : i32
        scf.if %cond3A_105 {
          %dma_wait3A_178 = arith.constant 0 : i32
          %dma_wait3A_179 = arith.constant 0 : i32
          %dma_wait3A_180 = tpu.memref_slice %arg2[%dma_wait3A_178, %dma_wait3A_179] : memref<10128x128xf32, #tpu.memory_space<hbm>> -> memref<10128x128xf32, #tpu.memory_space<hbm>>
          tpu.wait_indirect_dma semaphore(%arg23 : memref<!tpu.dma_semaphore, #tpu.memory_space<semaphore_mem>>) src(%dma_wait3A_180 : memref<10128x128xf32, #tpu.memory_space<hbm>>) dst(%arg22 : memref<128x128xf32, #tpu.memory_space<vmem>>)
          "tpu.region"() ({
            %run_scoped3A = tpu.sem_alloc : memref<!tpu.dma_semaphore, #tpu.memory_space<semaphore_mem>>
            %dma_start3A_181 = arith.constant 0 : i32
            %dma_start3A_182 = arith.constant 0 : i32
            %dma_start3A_183 = tpu.memref_slice %arg24[%dma_start3A_181, %dma_start3A_182] : memref<10000x128xf32, #tpu.memory_space<vmem_shared>> -> memref<10000x128xf32, #tpu.memory_space<vmem_shared>>
            tpu.enqueue_indirect_dma source(%arg22 : memref<128x128xf32, #tpu.memory_space<vmem>>) target(%dma_start3A_183 : memref<10000x128xf32, #tpu.memory_space<vmem_shared>>) offsets(%arg12 : memref<128xi32, #tpu.memory_space<vmem>>) semaphore(%run_scoped3A : memref<!tpu.dma_semaphore, #tpu.memory_space<semaphore_mem>>) {add = true}
            %dma_wait3A_184 = arith.constant 0 : i32
            %dma_wait3A_185 = arith.constant 0 : i32
            %dma_wait3A_186 = tpu.memref_slice %arg24[%dma_wait3A_184, %dma_wait3A_185] : memref<10000x128xf32, #tpu.memory_space<vmem_shared>> -> memref<10000x128xf32, #tpu.memory_space<vmem_shared>>
            tpu.wait_indirect_dma semaphore(%run_scoped3A : memref<!tpu.dma_semaphore, #tpu.memory_space<semaphore_mem>>) src(%arg22 : memref<128x128xf32, #tpu.memory_space<vmem>>) dst(%dma_wait3A_186 : memref<10000x128xf32, #tpu.memory_space<vmem_shared>>)
            tpu.yield
          }) : () -> ()
        } else {
        }
        %add3A_106 = arith.constant 4 : i32
        %add3A_107 = arith.addi %add3A_100, %add3A_106 : i32
        %lt3A_108 = arith.constant 40 : i32
        %lt3A_109 = arith.cmpi slt, %add3A_107, %lt3A_108 : i32
        %add3A_110 = arith.constant 4 : i32
        %add3A_111 = arith.addi %add3A_100, %add3A_110 : i32
        %convert_element_type3A_112 = arith.extui %lt3A_109 : i1 to i32
        %cond3A_113 = arith.constant 0 : i32
        %cond3A_114 = arith.cmpi ne, %convert_element_type3A_112, %cond3A_113 : i32
        scf.if %cond3A_114 {
          %mul3A_178 = arith.constant 128 : i32
          %mul3A_179 = arith.muli %add3A_111, %mul3A_178 : i32
          %add3A_180 = arith.addi %add3A_12, %mul3A_179 : i32
          %multiple_of3A_181 = tpu.assume_multiple %add3A_180, 8 : i32
          %dma_start3A_182 = tpu.memref_slice %arg4[%multiple_of3A_181] : memref<163840xi32, #tpu.memory_space<hbm>> -> memref<128xi32, #tpu.memory_space<hbm>>
          %dma_start3A_183 = tpu.memref_slice %arg4[%multiple_of3A_181] : memref<163840xi32, #tpu.memory_space<hbm>> -> memref<128xi32, #tpu.memory_space<hbm>>
          tpu.enqueue_dma source(%dma_start3A_183 : memref<128xi32, #tpu.memory_space<hbm>>) target(%arg11 : memref<128xi32, #tpu.memory_space<vmem>>) target_semaphore(%arg13 : memref<!tpu.dma_semaphore, #tpu.memory_space<semaphore_mem>>)
          %dma_start3A_184 = tpu.memref_slice %arg5[%multiple_of3A_181] : memref<163840xi32, #tpu.memory_space<hbm>> -> memref<128xi32, #tpu.memory_space<hbm>>
          %dma_start3A_185 = tpu.memref_slice %arg5[%multiple_of3A_181] : memref<163840xi32, #tpu.memory_space<hbm>> -> memref<128xi32, #tpu.memory_space<hbm>>
          tpu.enqueue_dma source(%dma_start3A_185 : memref<128xi32, #tpu.memory_space<hbm>>) target(%arg12 : memref<128xi32, #tpu.memory_space<vmem>>) target_semaphore(%arg13 : memref<!tpu.dma_semaphore, #tpu.memory_space<semaphore_mem>>)
        } else {
        }
        %add3A_115 = arith.constant 2 : i32
        %add3A_116 = arith.addi %add3A_100, %add3A_115 : i32
        %lt3A_117 = arith.constant 40 : i32
        %lt3A_118 = arith.cmpi slt, %add3A_116, %lt3A_117 : i32
        %add3A_119 = arith.constant 2 : i32
        %add3A_120 = arith.addi %add3A_100, %add3A_119 : i32
        %convert_element_type3A_121 = arith.extui %lt3A_118 : i1 to i32
        %cond3A_122 = arith.constant 0 : i32
        %cond3A_123 = arith.cmpi ne, %convert_element_type3A_121, %cond3A_122 : i32
        scf.if %cond3A_123 {
          %mul3A_178 = arith.constant 128 : i32
          %mul3A_179 = arith.muli %add3A_120, %mul3A_178 : i32
          %add3A_180 = arith.addi %add3A_12, %mul3A_179 : i32
          %multiple_of3A_181 = tpu.assume_multiple %add3A_180, 8 : i32
          %dma_wait3A_182 = tpu.memref_slice %arg4[%multiple_of3A_181] : memref<163840xi32, #tpu.memory_space<hbm>> -> memref<128xi32, #tpu.memory_space<hbm>>
          %dma_wait3A_183 = tpu.memref_slice %arg4[%multiple_of3A_181] : memref<163840xi32, #tpu.memory_space<hbm>> -> memref<128xi32, #tpu.memory_space<hbm>>
          tpu.wait_dma2 semaphore(%arg19 : memref<!tpu.dma_semaphore, #tpu.memory_space<semaphore_mem>>) src(%dma_wait3A_183 : memref<128xi32, #tpu.memory_space<hbm>>) dst(%arg17 : memref<128xi32, #tpu.memory_space<vmem>>)
          %dma_wait3A_184 = tpu.memref_slice %arg5[%multiple_of3A_181] : memref<163840xi32, #tpu.memory_space<hbm>> -> memref<128xi32, #tpu.memory_space<hbm>>
          %dma_wait3A_185 = tpu.memref_slice %arg5[%multiple_of3A_181] : memref<163840xi32, #tpu.memory_space<hbm>> -> memref<128xi32, #tpu.memory_space<hbm>>
          tpu.wait_dma2 semaphore(%arg19 : memref<!tpu.dma_semaphore, #tpu.memory_space<semaphore_mem>>) src(%dma_wait3A_185 : memref<128xi32, #tpu.memory_space<hbm>>) dst(%arg18 : memref<128xi32, #tpu.memory_space<vmem>>)
          %dma_start3A_186 = arith.constant 0 : i32
          %dma_start3A_187 = arith.constant 0 : i32
          %dma_start3A_188 = tpu.memref_slice %arg2[%dma_start3A_186, %dma_start3A_187] : memref<10128x128xf32, #tpu.memory_space<hbm>> -> memref<10128x128xf32, #tpu.memory_space<hbm>>
          tpu.enqueue_indirect_dma source(%dma_start3A_188 : memref<10128x128xf32, #tpu.memory_space<hbm>>) target(%arg22 : memref<128x128xf32, #tpu.memory_space<vmem>>) offsets(%arg17 : memref<128xi32, #tpu.memory_space<vmem>>) semaphore(%arg23 : memref<!tpu.dma_semaphore, #tpu.memory_space<semaphore_mem>>)
        } else {
        }
        %mul3A_124 = arith.constant 4 : i32
        %mul3A_125 = arith.muli %mul3A_124, %scan3A_69 : i32
        %add3A_126 = arith.constant 2 : i32
        %add3A_127 = arith.addi %mul3A_125, %add3A_126 : i32
        %lt3A_128 = arith.constant 40 : i32
        %lt3A_129 = arith.cmpi slt, %add3A_127, %lt3A_128 : i32
        %convert_element_type3A_130 = arith.extui %lt3A_129 : i1 to i32
        %cond3A_131 = arith.constant 0 : i32
        %cond3A_132 = arith.cmpi ne, %convert_element_type3A_130, %cond3A_131 : i32
        scf.if %cond3A_132 {
          %dma_wait3A_178 = arith.constant 0 : i32
          %dma_wait3A_179 = arith.constant 0 : i32
          %dma_wait3A_180 = tpu.memref_slice %arg2[%dma_wait3A_178, %dma_wait3A_179] : memref<10128x128xf32, #tpu.memory_space<hbm>> -> memref<10128x128xf32, #tpu.memory_space<hbm>>
          tpu.wait_indirect_dma semaphore(%arg21 : memref<!tpu.dma_semaphore, #tpu.memory_space<semaphore_mem>>) src(%dma_wait3A_180 : memref<10128x128xf32, #tpu.memory_space<hbm>>) dst(%arg20 : memref<128x128xf32, #tpu.memory_space<vmem>>)
          "tpu.region"() ({
            %run_scoped3A = tpu.sem_alloc : memref<!tpu.dma_semaphore, #tpu.memory_space<semaphore_mem>>
            %dma_start3A_181 = arith.constant 0 : i32
            %dma_start3A_182 = arith.constant 0 : i32
            %dma_start3A_183 = tpu.memref_slice %arg24[%dma_start3A_181, %dma_start3A_182] : memref<10000x128xf32, #tpu.memory_space<vmem_shared>> -> memref<10000x128xf32, #tpu.memory_space<vmem_shared>>
            tpu.enqueue_indirect_dma source(%arg20 : memref<128x128xf32, #tpu.memory_space<vmem>>) target(%dma_start3A_183 : memref<10000x128xf32, #tpu.memory_space<vmem_shared>>) offsets(%arg15 : memref<128xi32, #tpu.memory_space<vmem>>) semaphore(%run_scoped3A : memref<!tpu.dma_semaphore, #tpu.memory_space<semaphore_mem>>) {add = true}
            %dma_wait3A_184 = arith.constant 0 : i32
            %dma_wait3A_185 = arith.constant 0 : i32
            %dma_wait3A_186 = tpu.memref_slice %arg24[%dma_wait3A_184, %dma_wait3A_185] : memref<10000x128xf32, #tpu.memory_space<vmem_shared>> -> memref<10000x128xf32, #tpu.memory_space<vmem_shared>>
            tpu.wait_indirect_dma semaphore(%run_scoped3A : memref<!tpu.dma_semaphore, #tpu.memory_space<semaphore_mem>>) src(%arg20 : memref<128x128xf32, #tpu.memory_space<vmem>>) dst(%dma_wait3A_186 : memref<10000x128xf32, #tpu.memory_space<vmem_shared>>)
            tpu.yield
          }) : () -> ()
        } else {
        }
        %add3A_133 = arith.constant 4 : i32
        %add3A_134 = arith.addi %add3A_127, %add3A_133 : i32
        %lt3A_135 = arith.constant 40 : i32
        %lt3A_136 = arith.cmpi slt, %add3A_134, %lt3A_135 : i32
        %add3A_137 = arith.constant 4 : i32
        %add3A_138 = arith.addi %add3A_127, %add3A_137 : i32
        %convert_element_type3A_139 = arith.extui %lt3A_136 : i1 to i32
        %cond3A_140 = arith.constant 0 : i32
        %cond3A_141 = arith.cmpi ne, %convert_element_type3A_139, %cond3A_140 : i32
        scf.if %cond3A_141 {
          %mul3A_178 = arith.constant 128 : i32
          %mul3A_179 = arith.muli %add3A_138, %mul3A_178 : i32
          %add3A_180 = arith.addi %add3A_12, %mul3A_179 : i32
          %multiple_of3A_181 = tpu.assume_multiple %add3A_180, 8 : i32
          %dma_start3A_182 = tpu.memref_slice %arg4[%multiple_of3A_181] : memref<163840xi32, #tpu.memory_space<hbm>> -> memref<128xi32, #tpu.memory_space<hbm>>
          %dma_start3A_183 = tpu.memref_slice %arg4[%multiple_of3A_181] : memref<163840xi32, #tpu.memory_space<hbm>> -> memref<128xi32, #tpu.memory_space<hbm>>
          tpu.enqueue_dma source(%dma_start3A_183 : memref<128xi32, #tpu.memory_space<hbm>>) target(%arg14 : memref<128xi32, #tpu.memory_space<vmem>>) target_semaphore(%arg16 : memref<!tpu.dma_semaphore, #tpu.memory_space<semaphore_mem>>)
          %dma_start3A_184 = tpu.memref_slice %arg5[%multiple_of3A_181] : memref<163840xi32, #tpu.memory_space<hbm>> -> memref<128xi32, #tpu.memory_space<hbm>>
          %dma_start3A_185 = tpu.memref_slice %arg5[%multiple_of3A_181] : memref<163840xi32, #tpu.memory_space<hbm>> -> memref<128xi32, #tpu.memory_space<hbm>>
          tpu.enqueue_dma source(%dma_start3A_185 : memref<128xi32, #tpu.memory_space<hbm>>) target(%arg15 : memref<128xi32, #tpu.memory_space<vmem>>) target_semaphore(%arg16 : memref<!tpu.dma_semaphore, #tpu.memory_space<semaphore_mem>>)
        } else {
        }
        %add3A_142 = arith.constant 2 : i32
        %add3A_143 = arith.addi %add3A_127, %add3A_142 : i32
        %lt3A_144 = arith.constant 40 : i32
        %lt3A_145 = arith.cmpi slt, %add3A_143, %lt3A_144 : i32
        %add3A_146 = arith.constant 2 : i32
        %add3A_147 = arith.addi %add3A_127, %add3A_146 : i32
        %convert_element_type3A_148 = arith.extui %lt3A_145 : i1 to i32
        %cond3A_149 = arith.constant 0 : i32
        %cond3A_150 = arith.cmpi ne, %convert_element_type3A_148, %cond3A_149 : i32
        scf.if %cond3A_150 {
          %mul3A_178 = arith.constant 128 : i32
          %mul3A_179 = arith.muli %add3A_147, %mul3A_178 : i32
          %add3A_180 = arith.addi %add3A_12, %mul3A_179 : i32
          %multiple_of3A_181 = tpu.assume_multiple %add3A_180, 8 : i32
          %dma_wait3A_182 = tpu.memref_slice %arg4[%multiple_of3A_181] : memref<163840xi32, #tpu.memory_space<hbm>> -> memref<128xi32, #tpu.memory_space<hbm>>
          %dma_wait3A_183 = tpu.memref_slice %arg4[%multiple_of3A_181] : memref<163840xi32, #tpu.memory_space<hbm>> -> memref<128xi32, #tpu.memory_space<hbm>>
          tpu.wait_dma2 semaphore(%arg10 : memref<!tpu.dma_semaphore, #tpu.memory_space<semaphore_mem>>) src(%dma_wait3A_183 : memref<128xi32, #tpu.memory_space<hbm>>) dst(%arg8 : memref<128xi32, #tpu.memory_space<vmem>>)
          %dma_wait3A_184 = tpu.memref_slice %arg5[%multiple_of3A_181] : memref<163840xi32, #tpu.memory_space<hbm>> -> memref<128xi32, #tpu.memory_space<hbm>>
          %dma_wait3A_185 = tpu.memref_slice %arg5[%multiple_of3A_181] : memref<163840xi32, #tpu.memory_space<hbm>> -> memref<128xi32, #tpu.memory_space<hbm>>
          tpu.wait_dma2 semaphore(%arg10 : memref<!tpu.dma_semaphore, #tpu.memory_space<semaphore_mem>>) src(%dma_wait3A_185 : memref<128xi32, #tpu.memory_space<hbm>>) dst(%arg9 : memref<128xi32, #tpu.memory_space<vmem>>)
          %dma_start3A_186 = arith.constant 0 : i32
          %dma_start3A_187 = arith.constant 0 : i32
          %dma_start3A_188 = tpu.memref_slice %arg2[%dma_start3A_186, %dma_start3A_187] : memref<10128x128xf32, #tpu.memory_space<hbm>> -> memref<10128x128xf32, #tpu.memory_space<hbm>>
          tpu.enqueue_indirect_dma source(%dma_start3A_188 : memref<10128x128xf32, #tpu.memory_space<hbm>>) target(%arg20 : memref<128x128xf32, #tpu.memory_space<vmem>>) offsets(%arg8 : memref<128xi32, #tpu.memory_space<vmem>>) semaphore(%arg21 : memref<!tpu.dma_semaphore, #tpu.memory_space<semaphore_mem>>)
        } else {
        }
        %mul3A_151 = arith.constant 4 : i32
        %mul3A_152 = arith.muli %mul3A_151, %scan3A_69 : i32
        %add3A_153 = arith.constant 3 : i32
        %add3A_154 = arith.addi %mul3A_152, %add3A_153 : i32
        %lt3A_155 = arith.constant 40 : i32
        %lt3A_156 = arith.cmpi slt, %add3A_154, %lt3A_155 : i32
        %convert_element_type3A_157 = arith.extui %lt3A_156 : i1 to i32
        %cond3A_158 = arith.constant 0 : i32
        %cond3A_159 = arith.cmpi ne, %convert_element_type3A_157, %cond3A_158 : i32
        scf.if %cond3A_159 {
          %dma_wait3A_178 = arith.constant 0 : i32
          %dma_wait3A_179 = arith.constant 0 : i32
          %dma_wait3A_180 = tpu.memref_slice %arg2[%dma_wait3A_178, %dma_wait3A_179] : memref<10128x128xf32, #tpu.memory_space<hbm>> -> memref<10128x128xf32, #tpu.memory_space<hbm>>
          tpu.wait_indirect_dma semaphore(%arg23 : memref<!tpu.dma_semaphore, #tpu.memory_space<semaphore_mem>>) src(%dma_wait3A_180 : memref<10128x128xf32, #tpu.memory_space<hbm>>) dst(%arg22 : memref<128x128xf32, #tpu.memory_space<vmem>>)
          "tpu.region"() ({
            %run_scoped3A = tpu.sem_alloc : memref<!tpu.dma_semaphore, #tpu.memory_space<semaphore_mem>>
            %dma_start3A_181 = arith.constant 0 : i32
            %dma_start3A_182 = arith.constant 0 : i32
            %dma_start3A_183 = tpu.memref_slice %arg24[%dma_start3A_181, %dma_start3A_182] : memref<10000x128xf32, #tpu.memory_space<vmem_shared>> -> memref<10000x128xf32, #tpu.memory_space<vmem_shared>>
            tpu.enqueue_indirect_dma source(%arg22 : memref<128x128xf32, #tpu.memory_space<vmem>>) target(%dma_start3A_183 : memref<10000x128xf32, #tpu.memory_space<vmem_shared>>) offsets(%arg18 : memref<128xi32, #tpu.memory_space<vmem>>) semaphore(%run_scoped3A : memref<!tpu.dma_semaphore, #tpu.memory_space<semaphore_mem>>) {add = true}
            %dma_wait3A_184 = arith.constant 0 : i32
            %dma_wait3A_185 = arith.constant 0 : i32
            %dma_wait3A_186 = tpu.memref_slice %arg24[%dma_wait3A_184, %dma_wait3A_185] : memref<10000x128xf32, #tpu.memory_space<vmem_shared>> -> memref<10000x128xf32, #tpu.memory_space<vmem_shared>>
            tpu.wait_indirect_dma semaphore(%run_scoped3A : memref<!tpu.dma_semaphore, #tpu.memory_space<semaphore_mem>>) src(%arg22 : memref<128x128xf32, #tpu.memory_space<vmem>>) dst(%dma_wait3A_186 : memref<10000x128xf32, #tpu.memory_space<vmem_shared>>)
            tpu.yield
          }) : () -> ()
        } else {
        }
        %add3A_160 = arith.constant 4 : i32
        %add3A_161 = arith.addi %add3A_154, %add3A_160 : i32
        %lt3A_162 = arith.constant 40 : i32
        %lt3A_163 = arith.cmpi slt, %add3A_161, %lt3A_162 : i32
        %add3A_164 = arith.constant 4 : i32
        %add3A_165 = arith.addi %add3A_154, %add3A_164 : i32
        %convert_element_type3A_166 = arith.extui %lt3A_163 : i1 to i32
        %cond3A_167 = arith.constant 0 : i32
        %cond3A_168 = arith.cmpi ne, %convert_element_type3A_166, %cond3A_167 : i32
        scf.if %cond3A_168 {
          %mul3A_178 = arith.constant 128 : i32
          %mul3A_179 = arith.muli %add3A_165, %mul3A_178 : i32
          %add3A_180 = arith.addi %add3A_12, %mul3A_179 : i32
          %multiple_of3A_181 = tpu.assume_multiple %add3A_180, 8 : i32
          %dma_start3A_182 = tpu.memref_slice %arg4[%multiple_of3A_181] : memref<163840xi32, #tpu.memory_space<hbm>> -> memref<128xi32, #tpu.memory_space<hbm>>
          %dma_start3A_183 = tpu.memref_slice %arg4[%multiple_of3A_181] : memref<163840xi32, #tpu.memory_space<hbm>> -> memref<128xi32, #tpu.memory_space<hbm>>
          tpu.enqueue_dma source(%dma_start3A_183 : memref<128xi32, #tpu.memory_space<hbm>>) target(%arg17 : memref<128xi32, #tpu.memory_space<vmem>>) target_semaphore(%arg19 : memref<!tpu.dma_semaphore, #tpu.memory_space<semaphore_mem>>)
          %dma_start3A_184 = tpu.memref_slice %arg5[%multiple_of3A_181] : memref<163840xi32, #tpu.memory_space<hbm>> -> memref<128xi32, #tpu.memory_space<hbm>>
          %dma_start3A_185 = tpu.memref_slice %arg5[%multiple_of3A_181] : memref<163840xi32, #tpu.memory_space<hbm>> -> memref<128xi32, #tpu.memory_space<hbm>>
          tpu.enqueue_dma source(%dma_start3A_185 : memref<128xi32, #tpu.memory_space<hbm>>) target(%arg18 : memref<128xi32, #tpu.memory_space<vmem>>) target_semaphore(%arg19 : memref<!tpu.dma_semaphore, #tpu.memory_space<semaphore_mem>>)
        } else {
        }
        %add3A_169 = arith.constant 2 : i32
        %add3A_170 = arith.addi %add3A_154, %add3A_169 : i32
        %lt3A_171 = arith.constant 40 : i32
        %lt3A_172 = arith.cmpi slt, %add3A_170, %lt3A_171 : i32
        %add3A_173 = arith.constant 2 : i32
        %add3A_174 = arith.addi %add3A_154, %add3A_173 : i32
        %convert_element_type3A_175 = arith.extui %lt3A_172 : i1 to i32
        %cond3A_176 = arith.constant 0 : i32
        %cond3A_177 = arith.cmpi ne, %convert_element_type3A_175, %cond3A_176 : i32
        scf.if %cond3A_177 {
          %mul3A_178 = arith.constant 128 : i32
          %mul3A_179 = arith.muli %add3A_174, %mul3A_178 : i32
          %add3A_180 = arith.addi %add3A_12, %mul3A_179 : i32
          %multiple_of3A_181 = tpu.assume_multiple %add3A_180, 8 : i32
          %dma_wait3A_182 = tpu.memref_slice %arg4[%multiple_of3A_181] : memref<163840xi32, #tpu.memory_space<hbm>> -> memref<128xi32, #tpu.memory_space<hbm>>
          %dma_wait3A_183 = tpu.memref_slice %arg4[%multiple_of3A_181] : memref<163840xi32, #tpu.memory_space<hbm>> -> memref<128xi32, #tpu.memory_space<hbm>>
          tpu.wait_dma2 semaphore(%arg13 : memref<!tpu.dma_semaphore, #tpu.memory_space<semaphore_mem>>) src(%dma_wait3A_183 : memref<128xi32, #tpu.memory_space<hbm>>) dst(%arg11 : memref<128xi32, #tpu.memory_space<vmem>>)
          %dma_wait3A_184 = tpu.memref_slice %arg5[%multiple_of3A_181] : memref<163840xi32, #tpu.memory_space<hbm>> -> memref<128xi32, #tpu.memory_space<hbm>>
          %dma_wait3A_185 = tpu.memref_slice %arg5[%multiple_of3A_181] : memref<163840xi32, #tpu.memory_space<hbm>> -> memref<128xi32, #tpu.memory_space<hbm>>
          tpu.wait_dma2 semaphore(%arg13 : memref<!tpu.dma_semaphore, #tpu.memory_space<semaphore_mem>>) src(%dma_wait3A_185 : memref<128xi32, #tpu.memory_space<hbm>>) dst(%arg12 : memref<128xi32, #tpu.memory_space<vmem>>)
          %dma_start3A_186 = arith.constant 0 : i32
          %dma_start3A_187 = arith.constant 0 : i32
          %dma_start3A_188 = tpu.memref_slice %arg2[%dma_start3A_186, %dma_start3A_187] : memref<10128x128xf32, #tpu.memory_space<hbm>> -> memref<10128x128xf32, #tpu.memory_space<hbm>>
          tpu.enqueue_indirect_dma source(%dma_start3A_188 : memref<10128x128xf32, #tpu.memory_space<hbm>>) target(%arg22 : memref<128x128xf32, #tpu.memory_space<vmem>>) offsets(%arg11 : memref<128xi32, #tpu.memory_space<vmem>>) semaphore(%arg23 : memref<!tpu.dma_semaphore, #tpu.memory_space<semaphore_mem>>)
        } else {
        }
      }
      %scan3A_62 = arith.constant 10 : i32
      %barrier3A_63 = arith.constant 0 : index
      tpu.barrier barrier_id(%barrier3A_63)
      %lt3A_64 = arith.constant 10 : i32
      %lt3A_65 = arith.cmpi slt, %arg1, %lt3A_64 : i32
      %convert_element_type3A_66 = arith.extui %lt3A_65 : i1 to i32
      %cond3A_67 = arith.constant 0 : i32
      %cond3A_68 = arith.cmpi ne, %convert_element_type3A_66, %cond3A_67 : i32
      scf.if %cond3A_68 {
        %mul3A_69 = arith.constant 1000 : i32
        %mul3A_70 = arith.muli %arg1, %mul3A_69 : i32
        "tpu.region"() ({
          %run_scoped3A = tpu.sem_alloc : memref<!tpu.dma_semaphore, #tpu.memory_space<semaphore_mem>>
          %dma_start3A_71 = arith.constant 0 : i32
          %dma_start3A_72 = tpu.memref_slice %arg7[%mul3A_70, %dma_start3A_71] : memref<10000x128xf32, #tpu.memory_space<hbm>> -> memref<1000x128xf32, #tpu.memory_space<hbm>>
          %dma_start3A_73 = arith.constant 0 : i32
          %dma_start3A_74 = tpu.memref_slice %arg24[%mul3A_70, %dma_start3A_73] : memref<10000x128xf32, #tpu.memory_space<vmem_shared>> -> memref<1000x128xf32, #tpu.memory_space<vmem_shared>>
          tpu.enqueue_dma source(%dma_start3A_74 : memref<1000x128xf32, #tpu.memory_space<vmem_shared>>) target(%dma_start3A_72 : memref<1000x128xf32, #tpu.memory_space<hbm>>) target_semaphore(%run_scoped3A : memref<!tpu.dma_semaphore, #tpu.memory_space<semaphore_mem>>)
          %dma_wait3A_75 = arith.constant 0 : i32
          %dma_wait3A_76 = tpu.memref_slice %arg7[%mul3A_70, %dma_wait3A_75] : memref<10000x128xf32, #tpu.memory_space<hbm>> -> memref<1000x128xf32, #tpu.memory_space<hbm>>
          %dma_wait3A_77 = arith.constant 0 : i32
          %dma_wait3A_78 = tpu.memref_slice %arg24[%mul3A_70, %dma_wait3A_77] : memref<10000x128xf32, #tpu.memory_space<vmem_shared>> -> memref<1000x128xf32, #tpu.memory_space<vmem_shared>>
          tpu.wait_dma2 semaphore(%run_scoped3A : memref<!tpu.dma_semaphore, #tpu.memory_space<semaphore_mem>>) src(%dma_wait3A_78 : memref<1000x128xf32, #tpu.memory_space<vmem_shared>>) dst(%dma_wait3A_76 : memref<1000x128xf32, #tpu.memory_space<hbm>>)
          tpu.yield
        }) : () -> ()
      } else {
      }
    } else {
    }
    return
  }
}

#map = affine_map<(d0, d1) -> (0, 0)>
#map1 = affine_map<(d0, d1) -> (0)>
module attributes {stable_mosaic.version = 14 : i64} {
  func.func @prop(%arg0: i32, %arg1: i32, %arg2: memref<10128x128xf32, #tpu.memory_space<hbm>>, %arg3: memref<10128x128xf32, #tpu.memory_space<hbm>>, %arg4: memref<163840xi32, #tpu.memory_space<hbm>>, %arg5: memref<163840xi32, #tpu.memory_space<hbm>>, %arg6: memref<10000x128xf32, #tpu.memory_space<hbm>>, %arg7: memref<10000x128xf32, #tpu.memory_space<hbm>>, %arg8: memref<128xi32, #tpu.memory_space<vmem>>, %arg9: memref<128xi32, #tpu.memory_space<vmem>>, %arg10: memref<!tpu.dma_semaphore, #tpu.memory_space<semaphore_mem>>, %arg11: memref<128xi32, #tpu.memory_space<vmem>>, %arg12: memref<128xi32, #tpu.memory_space<vmem>>, %arg13: memref<!tpu.dma_semaphore, #tpu.memory_space<semaphore_mem>>, %arg14: memref<128xi32, #tpu.memory_space<vmem>>, %arg15: memref<128xi32, #tpu.memory_space<vmem>>, %arg16: memref<!tpu.dma_semaphore, #tpu.memory_space<semaphore_mem>>, %arg17: memref<128xi32, #tpu.memory_space<vmem>>, %arg18: memref<128xi32, #tpu.memory_space<vmem>>, %arg19: memref<!tpu.dma_semaphore, #tpu.memory_space<semaphore_mem>>, %arg20: memref<128x128xf32, #tpu.memory_space<vmem>>, %arg21: memref<!tpu.dma_semaphore, #tpu.memory_space<semaphore_mem>>, %arg22: memref<128x128xf32, #tpu.memory_space<vmem>>, %arg23: memref<!tpu.dma_semaphore, #tpu.memory_space<semaphore_mem>>, %arg24: memref<10000x128xf32, #tpu.memory_space<vmem_shared>>) attributes {dimension_semantics = [#tpu.dimension_semantics<core_parallel>, #tpu.dimension_semantics<subcore_parallel>], iteration_bounds = array<i64: 2, 16>, scalar_prefetch = 0 : i64, scratch_operands = 17 : i64, tpu.core_type = #tpu.core_type<sc_vector_subcore>, window_params = [{transform_indices = #map}, {transform_indices = #map}, {transform_indices = #map1}, {transform_indices = #map1}, {transform_indices = #map}, {transform_indices = #map}]} {
    %eq3A = arith.constant 0 : i32
    %eq3A_0 = arith.cmpi eq, %arg0, %eq3A : i32
    %convert_element_type3A = arith.extui %eq3A_0 : i1 to i32
    %cond3A = arith.constant 0 : i32
    %cond3A_1 = arith.cmpi ne, %convert_element_type3A, %cond3A : i32
    scf.if %cond3A_1 {
      %lt3A = arith.constant 10 : i32
      %lt3A_7 = arith.cmpi slt, %arg1, %lt3A : i32
      %convert_element_type3A_8 = arith.extui %lt3A_7 : i1 to i32
      %cond3A_9 = arith.constant 0 : i32
      %cond3A_10 = arith.cmpi ne, %convert_element_type3A_8, %cond3A_9 : i32
      scf.if %cond3A_10 {
        %mul3A_67 = arith.constant 1000 : i32
        %mul3A_68 = arith.muli %arg1, %mul3A_67 : i32
        "tpu.region"() ({
          %run_scoped3A = tpu.sem_alloc : memref<!tpu.dma_semaphore, #tpu.memory_space<semaphore_mem>>
          %dma_start3A_69 = arith.constant 0 : i32
          %dma_start3A_70 = tpu.memref_slice %arg24[%mul3A_68, %dma_start3A_69] : memref<10000x128xf32, #tpu.memory_space<vmem_shared>> -> memref<1000x128xf32, #tpu.memory_space<vmem_shared>>
          %dma_start3A_71 = arith.constant 0 : i32
          %dma_start3A_72 = tpu.memref_slice %arg2[%mul3A_68, %dma_start3A_71] : memref<10128x128xf32, #tpu.memory_space<hbm>> -> memref<1000x128xf32, #tpu.memory_space<hbm>>
          tpu.enqueue_dma source(%dma_start3A_72 : memref<1000x128xf32, #tpu.memory_space<hbm>>) target(%dma_start3A_70 : memref<1000x128xf32, #tpu.memory_space<vmem_shared>>) target_semaphore(%run_scoped3A : memref<!tpu.dma_semaphore, #tpu.memory_space<semaphore_mem>>)
          %dma_wait3A_73 = arith.constant 0 : i32
          %dma_wait3A_74 = tpu.memref_slice %arg24[%mul3A_68, %dma_wait3A_73] : memref<10000x128xf32, #tpu.memory_space<vmem_shared>> -> memref<1000x128xf32, #tpu.memory_space<vmem_shared>>
          %dma_wait3A_75 = arith.constant 0 : i32
          %dma_wait3A_76 = tpu.memref_slice %arg2[%mul3A_68, %dma_wait3A_75] : memref<10128x128xf32, #tpu.memory_space<hbm>> -> memref<1000x128xf32, #tpu.memory_space<hbm>>
          tpu.wait_dma2 semaphore(%run_scoped3A : memref<!tpu.dma_semaphore, #tpu.memory_space<semaphore_mem>>) src(%dma_wait3A_76 : memref<1000x128xf32, #tpu.memory_space<hbm>>) dst(%dma_wait3A_74 : memref<1000x128xf32, #tpu.memory_space<vmem_shared>>)
          tpu.yield
        }) : () -> ()
      } else {
      }
      %barrier3A = arith.constant 0 : index
      tpu.barrier barrier_id(%barrier3A)
      %mul3A = arith.constant 10240 : i32
      %mul3A_11 = arith.muli %arg1, %mul3A : i32
      %add3A = arith.constant 0 : i32
      %add3A_12 = arith.addi %mul3A_11, %add3A : i32
      %multiple_of3A = tpu.assume_multiple %add3A_12, 8 : i32
      %dma_start3A = tpu.memref_slice %arg4[%multiple_of3A] : memref<163840xi32, #tpu.memory_space<hbm>> -> memref<128xi32, #tpu.memory_space<hbm>>
      %dma_start3A_13 = tpu.memref_slice %arg4[%multiple_of3A] : memref<163840xi32, #tpu.memory_space<hbm>> -> memref<128xi32, #tpu.memory_space<hbm>>
      tpu.enqueue_dma source(%dma_start3A_13 : memref<128xi32, #tpu.memory_space<hbm>>) target(%arg8 : memref<128xi32, #tpu.memory_space<vmem>>) target_semaphore(%arg10 : memref<!tpu.dma_semaphore, #tpu.memory_space<semaphore_mem>>)
      %dma_start3A_14 = tpu.memref_slice %arg5[%multiple_of3A] : memref<163840xi32, #tpu.memory_space<hbm>> -> memref<128xi32, #tpu.memory_space<hbm>>
      %dma_start3A_15 = tpu.memref_slice %arg5[%multiple_of3A] : memref<163840xi32, #tpu.memory_space<hbm>> -> memref<128xi32, #tpu.memory_space<hbm>>
      tpu.enqueue_dma source(%dma_start3A_15 : memref<128xi32, #tpu.memory_space<hbm>>) target(%arg9 : memref<128xi32, #tpu.memory_space<vmem>>) target_semaphore(%arg10 : memref<!tpu.dma_semaphore, #tpu.memory_space<semaphore_mem>>)
      %add3A_16 = arith.constant 128 : i32
      %add3A_17 = arith.addi %mul3A_11, %add3A_16 : i32
      %multiple_of3A_18 = tpu.assume_multiple %add3A_17, 8 : i32
      %dma_start3A_19 = tpu.memref_slice %arg4[%multiple_of3A_18] : memref<163840xi32, #tpu.memory_space<hbm>> -> memref<128xi32, #tpu.memory_space<hbm>>
      %dma_start3A_20 = tpu.memref_slice %arg4[%multiple_of3A_18] : memref<163840xi32, #tpu.memory_space<hbm>> -> memref<128xi32, #tpu.memory_space<hbm>>
      tpu.enqueue_dma source(%dma_start3A_20 : memref<128xi32, #tpu.memory_space<hbm>>) target(%arg11 : memref<128xi32, #tpu.memory_space<vmem>>) target_semaphore(%arg13 : memref<!tpu.dma_semaphore, #tpu.memory_space<semaphore_mem>>)
      %dma_start3A_21 = tpu.memref_slice %arg5[%multiple_of3A_18] : memref<163840xi32, #tpu.memory_space<hbm>> -> memref<128xi32, #tpu.memory_space<hbm>>
      %dma_start3A_22 = tpu.memref_slice %arg5[%multiple_of3A_18] : memref<163840xi32, #tpu.memory_space<hbm>> -> memref<128xi32, #tpu.memory_space<hbm>>
      tpu.enqueue_dma source(%dma_start3A_22 : memref<128xi32, #tpu.memory_space<hbm>>) target(%arg12 : memref<128xi32, #tpu.memory_space<vmem>>) target_semaphore(%arg13 : memref<!tpu.dma_semaphore, #tpu.memory_space<semaphore_mem>>)
      %add3A_23 = arith.constant 256 : i32
      %add3A_24 = arith.addi %mul3A_11, %add3A_23 : i32
      %multiple_of3A_25 = tpu.assume_multiple %add3A_24, 8 : i32
      %dma_start3A_26 = tpu.memref_slice %arg4[%multiple_of3A_25] : memref<163840xi32, #tpu.memory_space<hbm>> -> memref<128xi32, #tpu.memory_space<hbm>>
      %dma_start3A_27 = tpu.memref_slice %arg4[%multiple_of3A_25] : memref<163840xi32, #tpu.memory_space<hbm>> -> memref<128xi32, #tpu.memory_space<hbm>>
      tpu.enqueue_dma source(%dma_start3A_27 : memref<128xi32, #tpu.memory_space<hbm>>) target(%arg14 : memref<128xi32, #tpu.memory_space<vmem>>) target_semaphore(%arg16 : memref<!tpu.dma_semaphore, #tpu.memory_space<semaphore_mem>>)
      %dma_start3A_28 = tpu.memref_slice %arg5[%multiple_of3A_25] : memref<163840xi32, #tpu.memory_space<hbm>> -> memref<128xi32, #tpu.memory_space<hbm>>
      %dma_start3A_29 = tpu.memref_slice %arg5[%multiple_of3A_25] : memref<163840xi32, #tpu.memory_space<hbm>> -> memref<128xi32, #tpu.memory_space<hbm>>
      tpu.enqueue_dma source(%dma_start3A_29 : memref<128xi32, #tpu.memory_space<hbm>>) target(%arg15 : memref<128xi32, #tpu.memory_space<vmem>>) target_semaphore(%arg16 : memref<!tpu.dma_semaphore, #tpu.memory_space<semaphore_mem>>)
      %add3A_30 = arith.constant 384 : i32
      %add3A_31 = arith.addi %mul3A_11, %add3A_30 : i32
      %multiple_of3A_32 = tpu.assume_multiple %add3A_31, 8 : i32
      %dma_start3A_33 = tpu.memref_slice %arg4[%multiple_of3A_32] : memref<163840xi32, #tpu.memory_space<hbm>> -> memref<128xi32, #tpu.memory_space<hbm>>
      %dma_start3A_34 = tpu.memref_slice %arg4[%multiple_of3A_32] : memref<163840xi32, #tpu.memory_space<hbm>> -> memref<128xi32, #tpu.memory_space<hbm>>
      tpu.enqueue_dma source(%dma_start3A_34 : memref<128xi32, #tpu.memory_space<hbm>>) target(%arg17 : memref<128xi32, #tpu.memory_space<vmem>>) target_semaphore(%arg19 : memref<!tpu.dma_semaphore, #tpu.memory_space<semaphore_mem>>)
      %dma_start3A_35 = tpu.memref_slice %arg5[%multiple_of3A_32] : memref<163840xi32, #tpu.memory_space<hbm>> -> memref<128xi32, #tpu.memory_space<hbm>>
      %dma_start3A_36 = tpu.memref_slice %arg5[%multiple_of3A_32] : memref<163840xi32, #tpu.memory_space<hbm>> -> memref<128xi32, #tpu.memory_space<hbm>>
      tpu.enqueue_dma source(%dma_start3A_36 : memref<128xi32, #tpu.memory_space<hbm>>) target(%arg18 : memref<128xi32, #tpu.memory_space<vmem>>) target_semaphore(%arg19 : memref<!tpu.dma_semaphore, #tpu.memory_space<semaphore_mem>>)
      %add3A_37 = arith.constant 0 : i32
      %add3A_38 = arith.addi %mul3A_11, %add3A_37 : i32
      %multiple_of3A_39 = tpu.assume_multiple %add3A_38, 8 : i32
      %dma_wait3A = tpu.memref_slice %arg4[%multiple_of3A_39] : memref<163840xi32, #tpu.memory_space<hbm>> -> memref<128xi32, #tpu.memory_space<hbm>>
      %dma_wait3A_40 = tpu.memref_slice %arg4[%multiple_of3A_39] : memref<163840xi32, #tpu.memory_space<hbm>> -> memref<128xi32, #tpu.memory_space<hbm>>
      tpu.wait_dma2 semaphore(%arg10 : memref<!tpu.dma_semaphore, #tpu.memory_space<semaphore_mem>>) src(%dma_wait3A_40 : memref<128xi32, #tpu.memory_space<hbm>>) dst(%arg8 : memref<128xi32, #tpu.memory_space<vmem>>)
      %dma_wait3A_41 = tpu.memref_slice %arg5[%multiple_of3A_39] : memref<163840xi32, #tpu.memory_space<hbm>> -> memref<128xi32, #tpu.memory_space<hbm>>
      %dma_wait3A_42 = tpu.memref_slice %arg5[%multiple_of3A_39] : memref<163840xi32, #tpu.memory_space<hbm>> -> memref<128xi32, #tpu.memory_space<hbm>>
      tpu.wait_dma2 semaphore(%arg10 : memref<!tpu.dma_semaphore, #tpu.memory_space<semaphore_mem>>) src(%dma_wait3A_42 : memref<128xi32, #tpu.memory_space<hbm>>) dst(%arg9 : memref<128xi32, #tpu.memory_space<vmem>>)
      %dma_start3A_43 = arith.constant 0 : i32
      %dma_start3A_44 = arith.constant 0 : i32
      %dma_start3A_45 = tpu.memref_slice %arg2[%dma_start3A_43, %dma_start3A_44] : memref<10128x128xf32, #tpu.memory_space<hbm>> -> memref<10128x128xf32, #tpu.memory_space<hbm>>
      tpu.enqueue_indirect_dma source(%dma_start3A_45 : memref<10128x128xf32, #tpu.memory_space<hbm>>) target(%arg20 : memref<128x128xf32, #tpu.memory_space<vmem>>) offsets(%arg8 : memref<128xi32, #tpu.memory_space<vmem>>) semaphore(%arg21 : memref<!tpu.dma_semaphore, #tpu.memory_space<semaphore_mem>>)
      %add3A_46 = arith.constant 128 : i32
      %add3A_47 = arith.addi %mul3A_11, %add3A_46 : i32
      %multiple_of3A_48 = tpu.assume_multiple %add3A_47, 8 : i32
      %dma_wait3A_49 = tpu.memref_slice %arg4[%multiple_of3A_48] : memref<163840xi32, #tpu.memory_space<hbm>> -> memref<128xi32, #tpu.memory_space<hbm>>
      %dma_wait3A_50 = tpu.memref_slice %arg4[%multiple_of3A_48] : memref<163840xi32, #tpu.memory_space<hbm>> -> memref<128xi32, #tpu.memory_space<hbm>>
      tpu.wait_dma2 semaphore(%arg13 : memref<!tpu.dma_semaphore, #tpu.memory_space<semaphore_mem>>) src(%dma_wait3A_50 : memref<128xi32, #tpu.memory_space<hbm>>) dst(%arg11 : memref<128xi32, #tpu.memory_space<vmem>>)
      %dma_wait3A_51 = tpu.memref_slice %arg5[%multiple_of3A_48] : memref<163840xi32, #tpu.memory_space<hbm>> -> memref<128xi32, #tpu.memory_space<hbm>>
      %dma_wait3A_52 = tpu.memref_slice %arg5[%multiple_of3A_48] : memref<163840xi32, #tpu.memory_space<hbm>> -> memref<128xi32, #tpu.memory_space<hbm>>
      tpu.wait_dma2 semaphore(%arg13 : memref<!tpu.dma_semaphore, #tpu.memory_space<semaphore_mem>>) src(%dma_wait3A_52 : memref<128xi32, #tpu.memory_space<hbm>>) dst(%arg12 : memref<128xi32, #tpu.memory_space<vmem>>)
      %dma_start3A_53 = arith.constant 0 : i32
      %dma_start3A_54 = arith.constant 0 : i32
      %dma_start3A_55 = tpu.memref_slice %arg2[%dma_start3A_53, %dma_start3A_54] : memref<10128x128xf32, #tpu.memory_space<hbm>> -> memref<10128x128xf32, #tpu.memory_space<hbm>>
      tpu.enqueue_indirect_dma source(%dma_start3A_55 : memref<10128x128xf32, #tpu.memory_space<hbm>>) target(%arg22 : memref<128x128xf32, #tpu.memory_space<vmem>>) offsets(%arg11 : memref<128xi32, #tpu.memory_space<vmem>>) semaphore(%arg23 : memref<!tpu.dma_semaphore, #tpu.memory_space<semaphore_mem>>)
      %scan3A = arith.constant 0 : i32
      %scan3A_56 = arith.constant 0 : i32
      %scan3A_57 = arith.constant 20 : i32
      %scan3A_58 = arith.addi %scan3A_56, %scan3A_57 : i32
      %scan3A_59 = arith.constant 1 : i32
      scf.for %scan3A_67 = %scan3A_56 to %scan3A_58 step %scan3A_59  : i32 {
        %mul3A_68 = arith.constant 4 : i32
        %mul3A_69 = arith.muli %mul3A_68, %scan3A_67 : i32
        %add3A_70 = arith.constant 0 : i32
        %add3A_71 = arith.addi %mul3A_69, %add3A_70 : i32
        %lt3A_72 = arith.constant 80 : i32
        %lt3A_73 = arith.cmpi slt, %add3A_71, %lt3A_72 : i32
        %convert_element_type3A_74 = arith.extui %lt3A_73 : i1 to i32
        %cond3A_75 = arith.constant 0 : i32
        %cond3A_76 = arith.cmpi ne, %convert_element_type3A_74, %cond3A_75 : i32
        scf.if %cond3A_76 {
          %dma_wait3A_176 = arith.constant 0 : i32
          %dma_wait3A_177 = arith.constant 0 : i32
          %dma_wait3A_178 = tpu.memref_slice %arg2[%dma_wait3A_176, %dma_wait3A_177] : memref<10128x128xf32, #tpu.memory_space<hbm>> -> memref<10128x128xf32, #tpu.memory_space<hbm>>
          tpu.wait_indirect_dma semaphore(%arg21 : memref<!tpu.dma_semaphore, #tpu.memory_space<semaphore_mem>>) src(%dma_wait3A_178 : memref<10128x128xf32, #tpu.memory_space<hbm>>) dst(%arg20 : memref<128x128xf32, #tpu.memory_space<vmem>>)
          "tpu.region"() ({
            %run_scoped3A = tpu.sem_alloc : memref<!tpu.dma_semaphore, #tpu.memory_space<semaphore_mem>>
            %dma_start3A_179 = arith.constant 0 : i32
            %dma_start3A_180 = arith.constant 0 : i32
            %dma_start3A_181 = tpu.memref_slice %arg24[%dma_start3A_179, %dma_start3A_180] : memref<10000x128xf32, #tpu.memory_space<vmem_shared>> -> memref<10000x128xf32, #tpu.memory_space<vmem_shared>>
            tpu.enqueue_indirect_dma source(%arg20 : memref<128x128xf32, #tpu.memory_space<vmem>>) target(%dma_start3A_181 : memref<10000x128xf32, #tpu.memory_space<vmem_shared>>) offsets(%arg9 : memref<128xi32, #tpu.memory_space<vmem>>) semaphore(%run_scoped3A : memref<!tpu.dma_semaphore, #tpu.memory_space<semaphore_mem>>) {add = true}
            %dma_wait3A_182 = arith.constant 0 : i32
            %dma_wait3A_183 = arith.constant 0 : i32
            %dma_wait3A_184 = tpu.memref_slice %arg24[%dma_wait3A_182, %dma_wait3A_183] : memref<10000x128xf32, #tpu.memory_space<vmem_shared>> -> memref<10000x128xf32, #tpu.memory_space<vmem_shared>>
            tpu.wait_indirect_dma semaphore(%run_scoped3A : memref<!tpu.dma_semaphore, #tpu.memory_space<semaphore_mem>>) src(%arg20 : memref<128x128xf32, #tpu.memory_space<vmem>>) dst(%dma_wait3A_184 : memref<10000x128xf32, #tpu.memory_space<vmem_shared>>)
            tpu.yield
          }) : () -> ()
        } else {
        }
        %add3A_77 = arith.constant 4 : i32
        %add3A_78 = arith.addi %add3A_71, %add3A_77 : i32
        %lt3A_79 = arith.constant 80 : i32
        %lt3A_80 = arith.cmpi slt, %add3A_78, %lt3A_79 : i32
        %add3A_81 = arith.constant 4 : i32
        %add3A_82 = arith.addi %add3A_71, %add3A_81 : i32
        %convert_element_type3A_83 = arith.extui %lt3A_80 : i1 to i32
        %cond3A_84 = arith.constant 0 : i32
        %cond3A_85 = arith.cmpi ne, %convert_element_type3A_83, %cond3A_84 : i32
        scf.if %cond3A_85 {
          %mul3A_176 = arith.constant 128 : i32
          %mul3A_177 = arith.muli %add3A_82, %mul3A_176 : i32
          %add3A_178 = arith.addi %mul3A_11, %mul3A_177 : i32
          %multiple_of3A_179 = tpu.assume_multiple %add3A_178, 8 : i32
          %dma_start3A_180 = tpu.memref_slice %arg4[%multiple_of3A_179] : memref<163840xi32, #tpu.memory_space<hbm>> -> memref<128xi32, #tpu.memory_space<hbm>>
          %dma_start3A_181 = tpu.memref_slice %arg4[%multiple_of3A_179] : memref<163840xi32, #tpu.memory_space<hbm>> -> memref<128xi32, #tpu.memory_space<hbm>>
          tpu.enqueue_dma source(%dma_start3A_181 : memref<128xi32, #tpu.memory_space<hbm>>) target(%arg8 : memref<128xi32, #tpu.memory_space<vmem>>) target_semaphore(%arg10 : memref<!tpu.dma_semaphore, #tpu.memory_space<semaphore_mem>>)
          %dma_start3A_182 = tpu.memref_slice %arg5[%multiple_of3A_179] : memref<163840xi32, #tpu.memory_space<hbm>> -> memref<128xi32, #tpu.memory_space<hbm>>
          %dma_start3A_183 = tpu.memref_slice %arg5[%multiple_of3A_179] : memref<163840xi32, #tpu.memory_space<hbm>> -> memref<128xi32, #tpu.memory_space<hbm>>
          tpu.enqueue_dma source(%dma_start3A_183 : memref<128xi32, #tpu.memory_space<hbm>>) target(%arg9 : memref<128xi32, #tpu.memory_space<vmem>>) target_semaphore(%arg10 : memref<!tpu.dma_semaphore, #tpu.memory_space<semaphore_mem>>)
        } else {
        }
        %add3A_86 = arith.constant 2 : i32
        %add3A_87 = arith.addi %add3A_71, %add3A_86 : i32
        %lt3A_88 = arith.constant 80 : i32
        %lt3A_89 = arith.cmpi slt, %add3A_87, %lt3A_88 : i32
        %add3A_90 = arith.constant 2 : i32
        %add3A_91 = arith.addi %add3A_71, %add3A_90 : i32
        %convert_element_type3A_92 = arith.extui %lt3A_89 : i1 to i32
        %cond3A_93 = arith.constant 0 : i32
        %cond3A_94 = arith.cmpi ne, %convert_element_type3A_92, %cond3A_93 : i32
        scf.if %cond3A_94 {
          %mul3A_176 = arith.constant 128 : i32
          %mul3A_177 = arith.muli %add3A_91, %mul3A_176 : i32
          %add3A_178 = arith.addi %mul3A_11, %mul3A_177 : i32
          %multiple_of3A_179 = tpu.assume_multiple %add3A_178, 8 : i32
          %dma_wait3A_180 = tpu.memref_slice %arg4[%multiple_of3A_179] : memref<163840xi32, #tpu.memory_space<hbm>> -> memref<128xi32, #tpu.memory_space<hbm>>
          %dma_wait3A_181 = tpu.memref_slice %arg4[%multiple_of3A_179] : memref<163840xi32, #tpu.memory_space<hbm>> -> memref<128xi32, #tpu.memory_space<hbm>>
          tpu.wait_dma2 semaphore(%arg16 : memref<!tpu.dma_semaphore, #tpu.memory_space<semaphore_mem>>) src(%dma_wait3A_181 : memref<128xi32, #tpu.memory_space<hbm>>) dst(%arg14 : memref<128xi32, #tpu.memory_space<vmem>>)
          %dma_wait3A_182 = tpu.memref_slice %arg5[%multiple_of3A_179] : memref<163840xi32, #tpu.memory_space<hbm>> -> memref<128xi32, #tpu.memory_space<hbm>>
          %dma_wait3A_183 = tpu.memref_slice %arg5[%multiple_of3A_179] : memref<163840xi32, #tpu.memory_space<hbm>> -> memref<128xi32, #tpu.memory_space<hbm>>
          tpu.wait_dma2 semaphore(%arg16 : memref<!tpu.dma_semaphore, #tpu.memory_space<semaphore_mem>>) src(%dma_wait3A_183 : memref<128xi32, #tpu.memory_space<hbm>>) dst(%arg15 : memref<128xi32, #tpu.memory_space<vmem>>)
          %dma_start3A_184 = arith.constant 0 : i32
          %dma_start3A_185 = arith.constant 0 : i32
          %dma_start3A_186 = tpu.memref_slice %arg2[%dma_start3A_184, %dma_start3A_185] : memref<10128x128xf32, #tpu.memory_space<hbm>> -> memref<10128x128xf32, #tpu.memory_space<hbm>>
          tpu.enqueue_indirect_dma source(%dma_start3A_186 : memref<10128x128xf32, #tpu.memory_space<hbm>>) target(%arg20 : memref<128x128xf32, #tpu.memory_space<vmem>>) offsets(%arg14 : memref<128xi32, #tpu.memory_space<vmem>>) semaphore(%arg21 : memref<!tpu.dma_semaphore, #tpu.memory_space<semaphore_mem>>)
        } else {
        }
        %mul3A_95 = arith.constant 4 : i32
        %mul3A_96 = arith.muli %mul3A_95, %scan3A_67 : i32
        %add3A_97 = arith.constant 1 : i32
        %add3A_98 = arith.addi %mul3A_96, %add3A_97 : i32
        %lt3A_99 = arith.constant 80 : i32
        %lt3A_100 = arith.cmpi slt, %add3A_98, %lt3A_99 : i32
        %convert_element_type3A_101 = arith.extui %lt3A_100 : i1 to i32
        %cond3A_102 = arith.constant 0 : i32
        %cond3A_103 = arith.cmpi ne, %convert_element_type3A_101, %cond3A_102 : i32
        scf.if %cond3A_103 {
          %dma_wait3A_176 = arith.constant 0 : i32
          %dma_wait3A_177 = arith.constant 0 : i32
          %dma_wait3A_178 = tpu.memref_slice %arg2[%dma_wait3A_176, %dma_wait3A_177] : memref<10128x128xf32, #tpu.memory_space<hbm>> -> memref<10128x128xf32, #tpu.memory_space<hbm>>
          tpu.wait_indirect_dma semaphore(%arg23 : memref<!tpu.dma_semaphore, #tpu.memory_space<semaphore_mem>>) src(%dma_wait3A_178 : memref<10128x128xf32, #tpu.memory_space<hbm>>) dst(%arg22 : memref<128x128xf32, #tpu.memory_space<vmem>>)
          "tpu.region"() ({
            %run_scoped3A = tpu.sem_alloc : memref<!tpu.dma_semaphore, #tpu.memory_space<semaphore_mem>>
            %dma_start3A_179 = arith.constant 0 : i32
            %dma_start3A_180 = arith.constant 0 : i32
            %dma_start3A_181 = tpu.memref_slice %arg24[%dma_start3A_179, %dma_start3A_180] : memref<10000x128xf32, #tpu.memory_space<vmem_shared>> -> memref<10000x128xf32, #tpu.memory_space<vmem_shared>>
            tpu.enqueue_indirect_dma source(%arg22 : memref<128x128xf32, #tpu.memory_space<vmem>>) target(%dma_start3A_181 : memref<10000x128xf32, #tpu.memory_space<vmem_shared>>) offsets(%arg12 : memref<128xi32, #tpu.memory_space<vmem>>) semaphore(%run_scoped3A : memref<!tpu.dma_semaphore, #tpu.memory_space<semaphore_mem>>) {add = true}
            %dma_wait3A_182 = arith.constant 0 : i32
            %dma_wait3A_183 = arith.constant 0 : i32
            %dma_wait3A_184 = tpu.memref_slice %arg24[%dma_wait3A_182, %dma_wait3A_183] : memref<10000x128xf32, #tpu.memory_space<vmem_shared>> -> memref<10000x128xf32, #tpu.memory_space<vmem_shared>>
            tpu.wait_indirect_dma semaphore(%run_scoped3A : memref<!tpu.dma_semaphore, #tpu.memory_space<semaphore_mem>>) src(%arg22 : memref<128x128xf32, #tpu.memory_space<vmem>>) dst(%dma_wait3A_184 : memref<10000x128xf32, #tpu.memory_space<vmem_shared>>)
            tpu.yield
          }) : () -> ()
        } else {
        }
        %add3A_104 = arith.constant 4 : i32
        %add3A_105 = arith.addi %add3A_98, %add3A_104 : i32
        %lt3A_106 = arith.constant 80 : i32
        %lt3A_107 = arith.cmpi slt, %add3A_105, %lt3A_106 : i32
        %add3A_108 = arith.constant 4 : i32
        %add3A_109 = arith.addi %add3A_98, %add3A_108 : i32
        %convert_element_type3A_110 = arith.extui %lt3A_107 : i1 to i32
        %cond3A_111 = arith.constant 0 : i32
        %cond3A_112 = arith.cmpi ne, %convert_element_type3A_110, %cond3A_111 : i32
        scf.if %cond3A_112 {
          %mul3A_176 = arith.constant 128 : i32
          %mul3A_177 = arith.muli %add3A_109, %mul3A_176 : i32
          %add3A_178 = arith.addi %mul3A_11, %mul3A_177 : i32
          %multiple_of3A_179 = tpu.assume_multiple %add3A_178, 8 : i32
          %dma_start3A_180 = tpu.memref_slice %arg4[%multiple_of3A_179] : memref<163840xi32, #tpu.memory_space<hbm>> -> memref<128xi32, #tpu.memory_space<hbm>>
          %dma_start3A_181 = tpu.memref_slice %arg4[%multiple_of3A_179] : memref<163840xi32, #tpu.memory_space<hbm>> -> memref<128xi32, #tpu.memory_space<hbm>>
          tpu.enqueue_dma source(%dma_start3A_181 : memref<128xi32, #tpu.memory_space<hbm>>) target(%arg11 : memref<128xi32, #tpu.memory_space<vmem>>) target_semaphore(%arg13 : memref<!tpu.dma_semaphore, #tpu.memory_space<semaphore_mem>>)
          %dma_start3A_182 = tpu.memref_slice %arg5[%multiple_of3A_179] : memref<163840xi32, #tpu.memory_space<hbm>> -> memref<128xi32, #tpu.memory_space<hbm>>
          %dma_start3A_183 = tpu.memref_slice %arg5[%multiple_of3A_179] : memref<163840xi32, #tpu.memory_space<hbm>> -> memref<128xi32, #tpu.memory_space<hbm>>
          tpu.enqueue_dma source(%dma_start3A_183 : memref<128xi32, #tpu.memory_space<hbm>>) target(%arg12 : memref<128xi32, #tpu.memory_space<vmem>>) target_semaphore(%arg13 : memref<!tpu.dma_semaphore, #tpu.memory_space<semaphore_mem>>)
        } else {
        }
        %add3A_113 = arith.constant 2 : i32
        %add3A_114 = arith.addi %add3A_98, %add3A_113 : i32
        %lt3A_115 = arith.constant 80 : i32
        %lt3A_116 = arith.cmpi slt, %add3A_114, %lt3A_115 : i32
        %add3A_117 = arith.constant 2 : i32
        %add3A_118 = arith.addi %add3A_98, %add3A_117 : i32
        %convert_element_type3A_119 = arith.extui %lt3A_116 : i1 to i32
        %cond3A_120 = arith.constant 0 : i32
        %cond3A_121 = arith.cmpi ne, %convert_element_type3A_119, %cond3A_120 : i32
        scf.if %cond3A_121 {
          %mul3A_176 = arith.constant 128 : i32
          %mul3A_177 = arith.muli %add3A_118, %mul3A_176 : i32
          %add3A_178 = arith.addi %mul3A_11, %mul3A_177 : i32
          %multiple_of3A_179 = tpu.assume_multiple %add3A_178, 8 : i32
          %dma_wait3A_180 = tpu.memref_slice %arg4[%multiple_of3A_179] : memref<163840xi32, #tpu.memory_space<hbm>> -> memref<128xi32, #tpu.memory_space<hbm>>
          %dma_wait3A_181 = tpu.memref_slice %arg4[%multiple_of3A_179] : memref<163840xi32, #tpu.memory_space<hbm>> -> memref<128xi32, #tpu.memory_space<hbm>>
          tpu.wait_dma2 semaphore(%arg19 : memref<!tpu.dma_semaphore, #tpu.memory_space<semaphore_mem>>) src(%dma_wait3A_181 : memref<128xi32, #tpu.memory_space<hbm>>) dst(%arg17 : memref<128xi32, #tpu.memory_space<vmem>>)
          %dma_wait3A_182 = tpu.memref_slice %arg5[%multiple_of3A_179] : memref<163840xi32, #tpu.memory_space<hbm>> -> memref<128xi32, #tpu.memory_space<hbm>>
          %dma_wait3A_183 = tpu.memref_slice %arg5[%multiple_of3A_179] : memref<163840xi32, #tpu.memory_space<hbm>> -> memref<128xi32, #tpu.memory_space<hbm>>
          tpu.wait_dma2 semaphore(%arg19 : memref<!tpu.dma_semaphore, #tpu.memory_space<semaphore_mem>>) src(%dma_wait3A_183 : memref<128xi32, #tpu.memory_space<hbm>>) dst(%arg18 : memref<128xi32, #tpu.memory_space<vmem>>)
          %dma_start3A_184 = arith.constant 0 : i32
          %dma_start3A_185 = arith.constant 0 : i32
          %dma_start3A_186 = tpu.memref_slice %arg2[%dma_start3A_184, %dma_start3A_185] : memref<10128x128xf32, #tpu.memory_space<hbm>> -> memref<10128x128xf32, #tpu.memory_space<hbm>>
          tpu.enqueue_indirect_dma source(%dma_start3A_186 : memref<10128x128xf32, #tpu.memory_space<hbm>>) target(%arg22 : memref<128x128xf32, #tpu.memory_space<vmem>>) offsets(%arg17 : memref<128xi32, #tpu.memory_space<vmem>>) semaphore(%arg23 : memref<!tpu.dma_semaphore, #tpu.memory_space<semaphore_mem>>)
        } else {
        }
        %mul3A_122 = arith.constant 4 : i32
        %mul3A_123 = arith.muli %mul3A_122, %scan3A_67 : i32
        %add3A_124 = arith.constant 2 : i32
        %add3A_125 = arith.addi %mul3A_123, %add3A_124 : i32
        %lt3A_126 = arith.constant 80 : i32
        %lt3A_127 = arith.cmpi slt, %add3A_125, %lt3A_126 : i32
        %convert_element_type3A_128 = arith.extui %lt3A_127 : i1 to i32
        %cond3A_129 = arith.constant 0 : i32
        %cond3A_130 = arith.cmpi ne, %convert_element_type3A_128, %cond3A_129 : i32
        scf.if %cond3A_130 {
          %dma_wait3A_176 = arith.constant 0 : i32
          %dma_wait3A_177 = arith.constant 0 : i32
          %dma_wait3A_178 = tpu.memref_slice %arg2[%dma_wait3A_176, %dma_wait3A_177] : memref<10128x128xf32, #tpu.memory_space<hbm>> -> memref<10128x128xf32, #tpu.memory_space<hbm>>
          tpu.wait_indirect_dma semaphore(%arg21 : memref<!tpu.dma_semaphore, #tpu.memory_space<semaphore_mem>>) src(%dma_wait3A_178 : memref<10128x128xf32, #tpu.memory_space<hbm>>) dst(%arg20 : memref<128x128xf32, #tpu.memory_space<vmem>>)
          "tpu.region"() ({
            %run_scoped3A = tpu.sem_alloc : memref<!tpu.dma_semaphore, #tpu.memory_space<semaphore_mem>>
            %dma_start3A_179 = arith.constant 0 : i32
            %dma_start3A_180 = arith.constant 0 : i32
            %dma_start3A_181 = tpu.memref_slice %arg24[%dma_start3A_179, %dma_start3A_180] : memref<10000x128xf32, #tpu.memory_space<vmem_shared>> -> memref<10000x128xf32, #tpu.memory_space<vmem_shared>>
            tpu.enqueue_indirect_dma source(%arg20 : memref<128x128xf32, #tpu.memory_space<vmem>>) target(%dma_start3A_181 : memref<10000x128xf32, #tpu.memory_space<vmem_shared>>) offsets(%arg15 : memref<128xi32, #tpu.memory_space<vmem>>) semaphore(%run_scoped3A : memref<!tpu.dma_semaphore, #tpu.memory_space<semaphore_mem>>) {add = true}
            %dma_wait3A_182 = arith.constant 0 : i32
            %dma_wait3A_183 = arith.constant 0 : i32
            %dma_wait3A_184 = tpu.memref_slice %arg24[%dma_wait3A_182, %dma_wait3A_183] : memref<10000x128xf32, #tpu.memory_space<vmem_shared>> -> memref<10000x128xf32, #tpu.memory_space<vmem_shared>>
            tpu.wait_indirect_dma semaphore(%run_scoped3A : memref<!tpu.dma_semaphore, #tpu.memory_space<semaphore_mem>>) src(%arg20 : memref<128x128xf32, #tpu.memory_space<vmem>>) dst(%dma_wait3A_184 : memref<10000x128xf32, #tpu.memory_space<vmem_shared>>)
            tpu.yield
          }) : () -> ()
        } else {
        }
        %add3A_131 = arith.constant 4 : i32
        %add3A_132 = arith.addi %add3A_125, %add3A_131 : i32
        %lt3A_133 = arith.constant 80 : i32
        %lt3A_134 = arith.cmpi slt, %add3A_132, %lt3A_133 : i32
        %add3A_135 = arith.constant 4 : i32
        %add3A_136 = arith.addi %add3A_125, %add3A_135 : i32
        %convert_element_type3A_137 = arith.extui %lt3A_134 : i1 to i32
        %cond3A_138 = arith.constant 0 : i32
        %cond3A_139 = arith.cmpi ne, %convert_element_type3A_137, %cond3A_138 : i32
        scf.if %cond3A_139 {
          %mul3A_176 = arith.constant 128 : i32
          %mul3A_177 = arith.muli %add3A_136, %mul3A_176 : i32
          %add3A_178 = arith.addi %mul3A_11, %mul3A_177 : i32
          %multiple_of3A_179 = tpu.assume_multiple %add3A_178, 8 : i32
          %dma_start3A_180 = tpu.memref_slice %arg4[%multiple_of3A_179] : memref<163840xi32, #tpu.memory_space<hbm>> -> memref<128xi32, #tpu.memory_space<hbm>>
          %dma_start3A_181 = tpu.memref_slice %arg4[%multiple_of3A_179] : memref<163840xi32, #tpu.memory_space<hbm>> -> memref<128xi32, #tpu.memory_space<hbm>>
          tpu.enqueue_dma source(%dma_start3A_181 : memref<128xi32, #tpu.memory_space<hbm>>) target(%arg14 : memref<128xi32, #tpu.memory_space<vmem>>) target_semaphore(%arg16 : memref<!tpu.dma_semaphore, #tpu.memory_space<semaphore_mem>>)
          %dma_start3A_182 = tpu.memref_slice %arg5[%multiple_of3A_179] : memref<163840xi32, #tpu.memory_space<hbm>> -> memref<128xi32, #tpu.memory_space<hbm>>
          %dma_start3A_183 = tpu.memref_slice %arg5[%multiple_of3A_179] : memref<163840xi32, #tpu.memory_space<hbm>> -> memref<128xi32, #tpu.memory_space<hbm>>
          tpu.enqueue_dma source(%dma_start3A_183 : memref<128xi32, #tpu.memory_space<hbm>>) target(%arg15 : memref<128xi32, #tpu.memory_space<vmem>>) target_semaphore(%arg16 : memref<!tpu.dma_semaphore, #tpu.memory_space<semaphore_mem>>)
        } else {
        }
        %add3A_140 = arith.constant 2 : i32
        %add3A_141 = arith.addi %add3A_125, %add3A_140 : i32
        %lt3A_142 = arith.constant 80 : i32
        %lt3A_143 = arith.cmpi slt, %add3A_141, %lt3A_142 : i32
        %add3A_144 = arith.constant 2 : i32
        %add3A_145 = arith.addi %add3A_125, %add3A_144 : i32
        %convert_element_type3A_146 = arith.extui %lt3A_143 : i1 to i32
        %cond3A_147 = arith.constant 0 : i32
        %cond3A_148 = arith.cmpi ne, %convert_element_type3A_146, %cond3A_147 : i32
        scf.if %cond3A_148 {
          %mul3A_176 = arith.constant 128 : i32
          %mul3A_177 = arith.muli %add3A_145, %mul3A_176 : i32
          %add3A_178 = arith.addi %mul3A_11, %mul3A_177 : i32
          %multiple_of3A_179 = tpu.assume_multiple %add3A_178, 8 : i32
          %dma_wait3A_180 = tpu.memref_slice %arg4[%multiple_of3A_179] : memref<163840xi32, #tpu.memory_space<hbm>> -> memref<128xi32, #tpu.memory_space<hbm>>
          %dma_wait3A_181 = tpu.memref_slice %arg4[%multiple_of3A_179] : memref<163840xi32, #tpu.memory_space<hbm>> -> memref<128xi32, #tpu.memory_space<hbm>>
          tpu.wait_dma2 semaphore(%arg10 : memref<!tpu.dma_semaphore, #tpu.memory_space<semaphore_mem>>) src(%dma_wait3A_181 : memref<128xi32, #tpu.memory_space<hbm>>) dst(%arg8 : memref<128xi32, #tpu.memory_space<vmem>>)
          %dma_wait3A_182 = tpu.memref_slice %arg5[%multiple_of3A_179] : memref<163840xi32, #tpu.memory_space<hbm>> -> memref<128xi32, #tpu.memory_space<hbm>>
          %dma_wait3A_183 = tpu.memref_slice %arg5[%multiple_of3A_179] : memref<163840xi32, #tpu.memory_space<hbm>> -> memref<128xi32, #tpu.memory_space<hbm>>
          tpu.wait_dma2 semaphore(%arg10 : memref<!tpu.dma_semaphore, #tpu.memory_space<semaphore_mem>>) src(%dma_wait3A_183 : memref<128xi32, #tpu.memory_space<hbm>>) dst(%arg9 : memref<128xi32, #tpu.memory_space<vmem>>)
          %dma_start3A_184 = arith.constant 0 : i32
          %dma_start3A_185 = arith.constant 0 : i32
          %dma_start3A_186 = tpu.memref_slice %arg2[%dma_start3A_184, %dma_start3A_185] : memref<10128x128xf32, #tpu.memory_space<hbm>> -> memref<10128x128xf32, #tpu.memory_space<hbm>>
          tpu.enqueue_indirect_dma source(%dma_start3A_186 : memref<10128x128xf32, #tpu.memory_space<hbm>>) target(%arg20 : memref<128x128xf32, #tpu.memory_space<vmem>>) offsets(%arg8 : memref<128xi32, #tpu.memory_space<vmem>>) semaphore(%arg21 : memref<!tpu.dma_semaphore, #tpu.memory_space<semaphore_mem>>)
        } else {
        }
        %mul3A_149 = arith.constant 4 : i32
        %mul3A_150 = arith.muli %mul3A_149, %scan3A_67 : i32
        %add3A_151 = arith.constant 3 : i32
        %add3A_152 = arith.addi %mul3A_150, %add3A_151 : i32
        %lt3A_153 = arith.constant 80 : i32
        %lt3A_154 = arith.cmpi slt, %add3A_152, %lt3A_153 : i32
        %convert_element_type3A_155 = arith.extui %lt3A_154 : i1 to i32
        %cond3A_156 = arith.constant 0 : i32
        %cond3A_157 = arith.cmpi ne, %convert_element_type3A_155, %cond3A_156 : i32
        scf.if %cond3A_157 {
          %dma_wait3A_176 = arith.constant 0 : i32
          %dma_wait3A_177 = arith.constant 0 : i32
          %dma_wait3A_178 = tpu.memref_slice %arg2[%dma_wait3A_176, %dma_wait3A_177] : memref<10128x128xf32, #tpu.memory_space<hbm>> -> memref<10128x128xf32, #tpu.memory_space<hbm>>
          tpu.wait_indirect_dma semaphore(%arg23 : memref<!tpu.dma_semaphore, #tpu.memory_space<semaphore_mem>>) src(%dma_wait3A_178 : memref<10128x128xf32, #tpu.memory_space<hbm>>) dst(%arg22 : memref<128x128xf32, #tpu.memory_space<vmem>>)
          "tpu.region"() ({
            %run_scoped3A = tpu.sem_alloc : memref<!tpu.dma_semaphore, #tpu.memory_space<semaphore_mem>>
            %dma_start3A_179 = arith.constant 0 : i32
            %dma_start3A_180 = arith.constant 0 : i32
            %dma_start3A_181 = tpu.memref_slice %arg24[%dma_start3A_179, %dma_start3A_180] : memref<10000x128xf32, #tpu.memory_space<vmem_shared>> -> memref<10000x128xf32, #tpu.memory_space<vmem_shared>>
            tpu.enqueue_indirect_dma source(%arg22 : memref<128x128xf32, #tpu.memory_space<vmem>>) target(%dma_start3A_181 : memref<10000x128xf32, #tpu.memory_space<vmem_shared>>) offsets(%arg18 : memref<128xi32, #tpu.memory_space<vmem>>) semaphore(%run_scoped3A : memref<!tpu.dma_semaphore, #tpu.memory_space<semaphore_mem>>) {add = true}
            %dma_wait3A_182 = arith.constant 0 : i32
            %dma_wait3A_183 = arith.constant 0 : i32
            %dma_wait3A_184 = tpu.memref_slice %arg24[%dma_wait3A_182, %dma_wait3A_183] : memref<10000x128xf32, #tpu.memory_space<vmem_shared>> -> memref<10000x128xf32, #tpu.memory_space<vmem_shared>>
            tpu.wait_indirect_dma semaphore(%run_scoped3A : memref<!tpu.dma_semaphore, #tpu.memory_space<semaphore_mem>>) src(%arg22 : memref<128x128xf32, #tpu.memory_space<vmem>>) dst(%dma_wait3A_184 : memref<10000x128xf32, #tpu.memory_space<vmem_shared>>)
            tpu.yield
          }) : () -> ()
        } else {
        }
        %add3A_158 = arith.constant 4 : i32
        %add3A_159 = arith.addi %add3A_152, %add3A_158 : i32
        %lt3A_160 = arith.constant 80 : i32
        %lt3A_161 = arith.cmpi slt, %add3A_159, %lt3A_160 : i32
        %add3A_162 = arith.constant 4 : i32
        %add3A_163 = arith.addi %add3A_152, %add3A_162 : i32
        %convert_element_type3A_164 = arith.extui %lt3A_161 : i1 to i32
        %cond3A_165 = arith.constant 0 : i32
        %cond3A_166 = arith.cmpi ne, %convert_element_type3A_164, %cond3A_165 : i32
        scf.if %cond3A_166 {
          %mul3A_176 = arith.constant 128 : i32
          %mul3A_177 = arith.muli %add3A_163, %mul3A_176 : i32
          %add3A_178 = arith.addi %mul3A_11, %mul3A_177 : i32
          %multiple_of3A_179 = tpu.assume_multiple %add3A_178, 8 : i32
          %dma_start3A_180 = tpu.memref_slice %arg4[%multiple_of3A_179] : memref<163840xi32, #tpu.memory_space<hbm>> -> memref<128xi32, #tpu.memory_space<hbm>>
          %dma_start3A_181 = tpu.memref_slice %arg4[%multiple_of3A_179] : memref<163840xi32, #tpu.memory_space<hbm>> -> memref<128xi32, #tpu.memory_space<hbm>>
          tpu.enqueue_dma source(%dma_start3A_181 : memref<128xi32, #tpu.memory_space<hbm>>) target(%arg17 : memref<128xi32, #tpu.memory_space<vmem>>) target_semaphore(%arg19 : memref<!tpu.dma_semaphore, #tpu.memory_space<semaphore_mem>>)
          %dma_start3A_182 = tpu.memref_slice %arg5[%multiple_of3A_179] : memref<163840xi32, #tpu.memory_space<hbm>> -> memref<128xi32, #tpu.memory_space<hbm>>
          %dma_start3A_183 = tpu.memref_slice %arg5[%multiple_of3A_179] : memref<163840xi32, #tpu.memory_space<hbm>> -> memref<128xi32, #tpu.memory_space<hbm>>
          tpu.enqueue_dma source(%dma_start3A_183 : memref<128xi32, #tpu.memory_space<hbm>>) target(%arg18 : memref<128xi32, #tpu.memory_space<vmem>>) target_semaphore(%arg19 : memref<!tpu.dma_semaphore, #tpu.memory_space<semaphore_mem>>)
        } else {
        }
        %add3A_167 = arith.constant 2 : i32
        %add3A_168 = arith.addi %add3A_152, %add3A_167 : i32
        %lt3A_169 = arith.constant 80 : i32
        %lt3A_170 = arith.cmpi slt, %add3A_168, %lt3A_169 : i32
        %add3A_171 = arith.constant 2 : i32
        %add3A_172 = arith.addi %add3A_152, %add3A_171 : i32
        %convert_element_type3A_173 = arith.extui %lt3A_170 : i1 to i32
        %cond3A_174 = arith.constant 0 : i32
        %cond3A_175 = arith.cmpi ne, %convert_element_type3A_173, %cond3A_174 : i32
        scf.if %cond3A_175 {
          %mul3A_176 = arith.constant 128 : i32
          %mul3A_177 = arith.muli %add3A_172, %mul3A_176 : i32
          %add3A_178 = arith.addi %mul3A_11, %mul3A_177 : i32
          %multiple_of3A_179 = tpu.assume_multiple %add3A_178, 8 : i32
          %dma_wait3A_180 = tpu.memref_slice %arg4[%multiple_of3A_179] : memref<163840xi32, #tpu.memory_space<hbm>> -> memref<128xi32, #tpu.memory_space<hbm>>
          %dma_wait3A_181 = tpu.memref_slice %arg4[%multiple_of3A_179] : memref<163840xi32, #tpu.memory_space<hbm>> -> memref<128xi32, #tpu.memory_space<hbm>>
          tpu.wait_dma2 semaphore(%arg13 : memref<!tpu.dma_semaphore, #tpu.memory_space<semaphore_mem>>) src(%dma_wait3A_181 : memref<128xi32, #tpu.memory_space<hbm>>) dst(%arg11 : memref<128xi32, #tpu.memory_space<vmem>>)
          %dma_wait3A_182 = tpu.memref_slice %arg5[%multiple_of3A_179] : memref<163840xi32, #tpu.memory_space<hbm>> -> memref<128xi32, #tpu.memory_space<hbm>>
          %dma_wait3A_183 = tpu.memref_slice %arg5[%multiple_of3A_179] : memref<163840xi32, #tpu.memory_space<hbm>> -> memref<128xi32, #tpu.memory_space<hbm>>
          tpu.wait_dma2 semaphore(%arg13 : memref<!tpu.dma_semaphore, #tpu.memory_space<semaphore_mem>>) src(%dma_wait3A_183 : memref<128xi32, #tpu.memory_space<hbm>>) dst(%arg12 : memref<128xi32, #tpu.memory_space<vmem>>)
          %dma_start3A_184 = arith.constant 0 : i32
          %dma_start3A_185 = arith.constant 0 : i32
          %dma_start3A_186 = tpu.memref_slice %arg2[%dma_start3A_184, %dma_start3A_185] : memref<10128x128xf32, #tpu.memory_space<hbm>> -> memref<10128x128xf32, #tpu.memory_space<hbm>>
          tpu.enqueue_indirect_dma source(%dma_start3A_186 : memref<10128x128xf32, #tpu.memory_space<hbm>>) target(%arg22 : memref<128x128xf32, #tpu.memory_space<vmem>>) offsets(%arg11 : memref<128xi32, #tpu.memory_space<vmem>>) semaphore(%arg23 : memref<!tpu.dma_semaphore, #tpu.memory_space<semaphore_mem>>)
        } else {
        }
      }
      %scan3A_60 = arith.constant 20 : i32
      %barrier3A_61 = arith.constant 0 : index
      tpu.barrier barrier_id(%barrier3A_61)
      %lt3A_62 = arith.constant 10 : i32
      %lt3A_63 = arith.cmpi slt, %arg1, %lt3A_62 : i32
      %convert_element_type3A_64 = arith.extui %lt3A_63 : i1 to i32
      %cond3A_65 = arith.constant 0 : i32
      %cond3A_66 = arith.cmpi ne, %convert_element_type3A_64, %cond3A_65 : i32
      scf.if %cond3A_66 {
        %mul3A_67 = arith.constant 1000 : i32
        %mul3A_68 = arith.muli %arg1, %mul3A_67 : i32
        "tpu.region"() ({
          %run_scoped3A = tpu.sem_alloc : memref<!tpu.dma_semaphore, #tpu.memory_space<semaphore_mem>>
          %dma_start3A_69 = arith.constant 0 : i32
          %dma_start3A_70 = tpu.memref_slice %arg6[%mul3A_68, %dma_start3A_69] : memref<10000x128xf32, #tpu.memory_space<hbm>> -> memref<1000x128xf32, #tpu.memory_space<hbm>>
          %dma_start3A_71 = arith.constant 0 : i32
          %dma_start3A_72 = tpu.memref_slice %arg24[%mul3A_68, %dma_start3A_71] : memref<10000x128xf32, #tpu.memory_space<vmem_shared>> -> memref<1000x128xf32, #tpu.memory_space<vmem_shared>>
          tpu.enqueue_dma source(%dma_start3A_72 : memref<1000x128xf32, #tpu.memory_space<vmem_shared>>) target(%dma_start3A_70 : memref<1000x128xf32, #tpu.memory_space<hbm>>) target_semaphore(%run_scoped3A : memref<!tpu.dma_semaphore, #tpu.memory_space<semaphore_mem>>)
          %dma_wait3A_73 = arith.constant 0 : i32
          %dma_wait3A_74 = tpu.memref_slice %arg6[%mul3A_68, %dma_wait3A_73] : memref<10000x128xf32, #tpu.memory_space<hbm>> -> memref<1000x128xf32, #tpu.memory_space<hbm>>
          %dma_wait3A_75 = arith.constant 0 : i32
          %dma_wait3A_76 = tpu.memref_slice %arg24[%mul3A_68, %dma_wait3A_75] : memref<10000x128xf32, #tpu.memory_space<vmem_shared>> -> memref<1000x128xf32, #tpu.memory_space<vmem_shared>>
          tpu.wait_dma2 semaphore(%run_scoped3A : memref<!tpu.dma_semaphore, #tpu.memory_space<semaphore_mem>>) src(%dma_wait3A_76 : memref<1000x128xf32, #tpu.memory_space<vmem_shared>>) dst(%dma_wait3A_74 : memref<1000x128xf32, #tpu.memory_space<hbm>>)
          tpu.yield
        }) : () -> ()
      } else {
      }
    } else {
    }
    %eq3A_2 = arith.constant 1 : i32
    %eq3A_3 = arith.cmpi eq, %arg0, %eq3A_2 : i32
    %convert_element_type3A_4 = arith.extui %eq3A_3 : i1 to i32
    %cond3A_5 = arith.constant 0 : i32
    %cond3A_6 = arith.cmpi ne, %convert_element_type3A_4, %cond3A_5 : i32
    scf.if %cond3A_6 {
      %lt3A = arith.constant 10 : i32
      %lt3A_7 = arith.cmpi slt, %arg1, %lt3A : i32
      %convert_element_type3A_8 = arith.extui %lt3A_7 : i1 to i32
      %cond3A_9 = arith.constant 0 : i32
      %cond3A_10 = arith.cmpi ne, %convert_element_type3A_8, %cond3A_9 : i32
      scf.if %cond3A_10 {
        %mul3A_67 = arith.constant 1000 : i32
        %mul3A_68 = arith.muli %arg1, %mul3A_67 : i32
        "tpu.region"() ({
          %run_scoped3A = tpu.sem_alloc : memref<!tpu.dma_semaphore, #tpu.memory_space<semaphore_mem>>
          %dma_start3A_69 = arith.constant 0 : i32
          %dma_start3A_70 = tpu.memref_slice %arg24[%mul3A_68, %dma_start3A_69] : memref<10000x128xf32, #tpu.memory_space<vmem_shared>> -> memref<1000x128xf32, #tpu.memory_space<vmem_shared>>
          %dma_start3A_71 = arith.constant 0 : i32
          %dma_start3A_72 = tpu.memref_slice %arg3[%mul3A_68, %dma_start3A_71] : memref<10128x128xf32, #tpu.memory_space<hbm>> -> memref<1000x128xf32, #tpu.memory_space<hbm>>
          tpu.enqueue_dma source(%dma_start3A_72 : memref<1000x128xf32, #tpu.memory_space<hbm>>) target(%dma_start3A_70 : memref<1000x128xf32, #tpu.memory_space<vmem_shared>>) target_semaphore(%run_scoped3A : memref<!tpu.dma_semaphore, #tpu.memory_space<semaphore_mem>>)
          %dma_wait3A_73 = arith.constant 0 : i32
          %dma_wait3A_74 = tpu.memref_slice %arg24[%mul3A_68, %dma_wait3A_73] : memref<10000x128xf32, #tpu.memory_space<vmem_shared>> -> memref<1000x128xf32, #tpu.memory_space<vmem_shared>>
          %dma_wait3A_75 = arith.constant 0 : i32
          %dma_wait3A_76 = tpu.memref_slice %arg3[%mul3A_68, %dma_wait3A_75] : memref<10128x128xf32, #tpu.memory_space<hbm>> -> memref<1000x128xf32, #tpu.memory_space<hbm>>
          tpu.wait_dma2 semaphore(%run_scoped3A : memref<!tpu.dma_semaphore, #tpu.memory_space<semaphore_mem>>) src(%dma_wait3A_76 : memref<1000x128xf32, #tpu.memory_space<hbm>>) dst(%dma_wait3A_74 : memref<1000x128xf32, #tpu.memory_space<vmem_shared>>)
          tpu.yield
        }) : () -> ()
      } else {
      }
      %barrier3A = arith.constant 0 : index
      tpu.barrier barrier_id(%barrier3A)
      %mul3A = arith.constant 10240 : i32
      %mul3A_11 = arith.muli %arg1, %mul3A : i32
      %add3A = arith.constant 0 : i32
      %add3A_12 = arith.addi %mul3A_11, %add3A : i32
      %multiple_of3A = tpu.assume_multiple %add3A_12, 8 : i32
      %dma_start3A = tpu.memref_slice %arg4[%multiple_of3A] : memref<163840xi32, #tpu.memory_space<hbm>> -> memref<128xi32, #tpu.memory_space<hbm>>
      %dma_start3A_13 = tpu.memref_slice %arg4[%multiple_of3A] : memref<163840xi32, #tpu.memory_space<hbm>> -> memref<128xi32, #tpu.memory_space<hbm>>
      tpu.enqueue_dma source(%dma_start3A_13 : memref<128xi32, #tpu.memory_space<hbm>>) target(%arg8 : memref<128xi32, #tpu.memory_space<vmem>>) target_semaphore(%arg10 : memref<!tpu.dma_semaphore, #tpu.memory_space<semaphore_mem>>)
      %dma_start3A_14 = tpu.memref_slice %arg5[%multiple_of3A] : memref<163840xi32, #tpu.memory_space<hbm>> -> memref<128xi32, #tpu.memory_space<hbm>>
      %dma_start3A_15 = tpu.memref_slice %arg5[%multiple_of3A] : memref<163840xi32, #tpu.memory_space<hbm>> -> memref<128xi32, #tpu.memory_space<hbm>>
      tpu.enqueue_dma source(%dma_start3A_15 : memref<128xi32, #tpu.memory_space<hbm>>) target(%arg9 : memref<128xi32, #tpu.memory_space<vmem>>) target_semaphore(%arg10 : memref<!tpu.dma_semaphore, #tpu.memory_space<semaphore_mem>>)
      %add3A_16 = arith.constant 128 : i32
      %add3A_17 = arith.addi %mul3A_11, %add3A_16 : i32
      %multiple_of3A_18 = tpu.assume_multiple %add3A_17, 8 : i32
      %dma_start3A_19 = tpu.memref_slice %arg4[%multiple_of3A_18] : memref<163840xi32, #tpu.memory_space<hbm>> -> memref<128xi32, #tpu.memory_space<hbm>>
      %dma_start3A_20 = tpu.memref_slice %arg4[%multiple_of3A_18] : memref<163840xi32, #tpu.memory_space<hbm>> -> memref<128xi32, #tpu.memory_space<hbm>>
      tpu.enqueue_dma source(%dma_start3A_20 : memref<128xi32, #tpu.memory_space<hbm>>) target(%arg11 : memref<128xi32, #tpu.memory_space<vmem>>) target_semaphore(%arg13 : memref<!tpu.dma_semaphore, #tpu.memory_space<semaphore_mem>>)
      %dma_start3A_21 = tpu.memref_slice %arg5[%multiple_of3A_18] : memref<163840xi32, #tpu.memory_space<hbm>> -> memref<128xi32, #tpu.memory_space<hbm>>
      %dma_start3A_22 = tpu.memref_slice %arg5[%multiple_of3A_18] : memref<163840xi32, #tpu.memory_space<hbm>> -> memref<128xi32, #tpu.memory_space<hbm>>
      tpu.enqueue_dma source(%dma_start3A_22 : memref<128xi32, #tpu.memory_space<hbm>>) target(%arg12 : memref<128xi32, #tpu.memory_space<vmem>>) target_semaphore(%arg13 : memref<!tpu.dma_semaphore, #tpu.memory_space<semaphore_mem>>)
      %add3A_23 = arith.constant 256 : i32
      %add3A_24 = arith.addi %mul3A_11, %add3A_23 : i32
      %multiple_of3A_25 = tpu.assume_multiple %add3A_24, 8 : i32
      %dma_start3A_26 = tpu.memref_slice %arg4[%multiple_of3A_25] : memref<163840xi32, #tpu.memory_space<hbm>> -> memref<128xi32, #tpu.memory_space<hbm>>
      %dma_start3A_27 = tpu.memref_slice %arg4[%multiple_of3A_25] : memref<163840xi32, #tpu.memory_space<hbm>> -> memref<128xi32, #tpu.memory_space<hbm>>
      tpu.enqueue_dma source(%dma_start3A_27 : memref<128xi32, #tpu.memory_space<hbm>>) target(%arg14 : memref<128xi32, #tpu.memory_space<vmem>>) target_semaphore(%arg16 : memref<!tpu.dma_semaphore, #tpu.memory_space<semaphore_mem>>)
      %dma_start3A_28 = tpu.memref_slice %arg5[%multiple_of3A_25] : memref<163840xi32, #tpu.memory_space<hbm>> -> memref<128xi32, #tpu.memory_space<hbm>>
      %dma_start3A_29 = tpu.memref_slice %arg5[%multiple_of3A_25] : memref<163840xi32, #tpu.memory_space<hbm>> -> memref<128xi32, #tpu.memory_space<hbm>>
      tpu.enqueue_dma source(%dma_start3A_29 : memref<128xi32, #tpu.memory_space<hbm>>) target(%arg15 : memref<128xi32, #tpu.memory_space<vmem>>) target_semaphore(%arg16 : memref<!tpu.dma_semaphore, #tpu.memory_space<semaphore_mem>>)
      %add3A_30 = arith.constant 384 : i32
      %add3A_31 = arith.addi %mul3A_11, %add3A_30 : i32
      %multiple_of3A_32 = tpu.assume_multiple %add3A_31, 8 : i32
      %dma_start3A_33 = tpu.memref_slice %arg4[%multiple_of3A_32] : memref<163840xi32, #tpu.memory_space<hbm>> -> memref<128xi32, #tpu.memory_space<hbm>>
      %dma_start3A_34 = tpu.memref_slice %arg4[%multiple_of3A_32] : memref<163840xi32, #tpu.memory_space<hbm>> -> memref<128xi32, #tpu.memory_space<hbm>>
      tpu.enqueue_dma source(%dma_start3A_34 : memref<128xi32, #tpu.memory_space<hbm>>) target(%arg17 : memref<128xi32, #tpu.memory_space<vmem>>) target_semaphore(%arg19 : memref<!tpu.dma_semaphore, #tpu.memory_space<semaphore_mem>>)
      %dma_start3A_35 = tpu.memref_slice %arg5[%multiple_of3A_32] : memref<163840xi32, #tpu.memory_space<hbm>> -> memref<128xi32, #tpu.memory_space<hbm>>
      %dma_start3A_36 = tpu.memref_slice %arg5[%multiple_of3A_32] : memref<163840xi32, #tpu.memory_space<hbm>> -> memref<128xi32, #tpu.memory_space<hbm>>
      tpu.enqueue_dma source(%dma_start3A_36 : memref<128xi32, #tpu.memory_space<hbm>>) target(%arg18 : memref<128xi32, #tpu.memory_space<vmem>>) target_semaphore(%arg19 : memref<!tpu.dma_semaphore, #tpu.memory_space<semaphore_mem>>)
      %add3A_37 = arith.constant 0 : i32
      %add3A_38 = arith.addi %mul3A_11, %add3A_37 : i32
      %multiple_of3A_39 = tpu.assume_multiple %add3A_38, 8 : i32
      %dma_wait3A = tpu.memref_slice %arg4[%multiple_of3A_39] : memref<163840xi32, #tpu.memory_space<hbm>> -> memref<128xi32, #tpu.memory_space<hbm>>
      %dma_wait3A_40 = tpu.memref_slice %arg4[%multiple_of3A_39] : memref<163840xi32, #tpu.memory_space<hbm>> -> memref<128xi32, #tpu.memory_space<hbm>>
      tpu.wait_dma2 semaphore(%arg10 : memref<!tpu.dma_semaphore, #tpu.memory_space<semaphore_mem>>) src(%dma_wait3A_40 : memref<128xi32, #tpu.memory_space<hbm>>) dst(%arg8 : memref<128xi32, #tpu.memory_space<vmem>>)
      %dma_wait3A_41 = tpu.memref_slice %arg5[%multiple_of3A_39] : memref<163840xi32, #tpu.memory_space<hbm>> -> memref<128xi32, #tpu.memory_space<hbm>>
      %dma_wait3A_42 = tpu.memref_slice %arg5[%multiple_of3A_39] : memref<163840xi32, #tpu.memory_space<hbm>> -> memref<128xi32, #tpu.memory_space<hbm>>
      tpu.wait_dma2 semaphore(%arg10 : memref<!tpu.dma_semaphore, #tpu.memory_space<semaphore_mem>>) src(%dma_wait3A_42 : memref<128xi32, #tpu.memory_space<hbm>>) dst(%arg9 : memref<128xi32, #tpu.memory_space<vmem>>)
      %dma_start3A_43 = arith.constant 0 : i32
      %dma_start3A_44 = arith.constant 0 : i32
      %dma_start3A_45 = tpu.memref_slice %arg3[%dma_start3A_43, %dma_start3A_44] : memref<10128x128xf32, #tpu.memory_space<hbm>> -> memref<10128x128xf32, #tpu.memory_space<hbm>>
      tpu.enqueue_indirect_dma source(%dma_start3A_45 : memref<10128x128xf32, #tpu.memory_space<hbm>>) target(%arg20 : memref<128x128xf32, #tpu.memory_space<vmem>>) offsets(%arg8 : memref<128xi32, #tpu.memory_space<vmem>>) semaphore(%arg21 : memref<!tpu.dma_semaphore, #tpu.memory_space<semaphore_mem>>)
      %add3A_46 = arith.constant 128 : i32
      %add3A_47 = arith.addi %mul3A_11, %add3A_46 : i32
      %multiple_of3A_48 = tpu.assume_multiple %add3A_47, 8 : i32
      %dma_wait3A_49 = tpu.memref_slice %arg4[%multiple_of3A_48] : memref<163840xi32, #tpu.memory_space<hbm>> -> memref<128xi32, #tpu.memory_space<hbm>>
      %dma_wait3A_50 = tpu.memref_slice %arg4[%multiple_of3A_48] : memref<163840xi32, #tpu.memory_space<hbm>> -> memref<128xi32, #tpu.memory_space<hbm>>
      tpu.wait_dma2 semaphore(%arg13 : memref<!tpu.dma_semaphore, #tpu.memory_space<semaphore_mem>>) src(%dma_wait3A_50 : memref<128xi32, #tpu.memory_space<hbm>>) dst(%arg11 : memref<128xi32, #tpu.memory_space<vmem>>)
      %dma_wait3A_51 = tpu.memref_slice %arg5[%multiple_of3A_48] : memref<163840xi32, #tpu.memory_space<hbm>> -> memref<128xi32, #tpu.memory_space<hbm>>
      %dma_wait3A_52 = tpu.memref_slice %arg5[%multiple_of3A_48] : memref<163840xi32, #tpu.memory_space<hbm>> -> memref<128xi32, #tpu.memory_space<hbm>>
      tpu.wait_dma2 semaphore(%arg13 : memref<!tpu.dma_semaphore, #tpu.memory_space<semaphore_mem>>) src(%dma_wait3A_52 : memref<128xi32, #tpu.memory_space<hbm>>) dst(%arg12 : memref<128xi32, #tpu.memory_space<vmem>>)
      %dma_start3A_53 = arith.constant 0 : i32
      %dma_start3A_54 = arith.constant 0 : i32
      %dma_start3A_55 = tpu.memref_slice %arg3[%dma_start3A_53, %dma_start3A_54] : memref<10128x128xf32, #tpu.memory_space<hbm>> -> memref<10128x128xf32, #tpu.memory_space<hbm>>
      tpu.enqueue_indirect_dma source(%dma_start3A_55 : memref<10128x128xf32, #tpu.memory_space<hbm>>) target(%arg22 : memref<128x128xf32, #tpu.memory_space<vmem>>) offsets(%arg11 : memref<128xi32, #tpu.memory_space<vmem>>) semaphore(%arg23 : memref<!tpu.dma_semaphore, #tpu.memory_space<semaphore_mem>>)
      %scan3A = arith.constant 0 : i32
      %scan3A_56 = arith.constant 0 : i32
      %scan3A_57 = arith.constant 20 : i32
      %scan3A_58 = arith.addi %scan3A_56, %scan3A_57 : i32
      %scan3A_59 = arith.constant 1 : i32
      scf.for %scan3A_67 = %scan3A_56 to %scan3A_58 step %scan3A_59  : i32 {
        %mul3A_68 = arith.constant 4 : i32
        %mul3A_69 = arith.muli %mul3A_68, %scan3A_67 : i32
        %add3A_70 = arith.constant 0 : i32
        %add3A_71 = arith.addi %mul3A_69, %add3A_70 : i32
        %lt3A_72 = arith.constant 80 : i32
        %lt3A_73 = arith.cmpi slt, %add3A_71, %lt3A_72 : i32
        %convert_element_type3A_74 = arith.extui %lt3A_73 : i1 to i32
        %cond3A_75 = arith.constant 0 : i32
        %cond3A_76 = arith.cmpi ne, %convert_element_type3A_74, %cond3A_75 : i32
        scf.if %cond3A_76 {
          %dma_wait3A_176 = arith.constant 0 : i32
          %dma_wait3A_177 = arith.constant 0 : i32
          %dma_wait3A_178 = tpu.memref_slice %arg3[%dma_wait3A_176, %dma_wait3A_177] : memref<10128x128xf32, #tpu.memory_space<hbm>> -> memref<10128x128xf32, #tpu.memory_space<hbm>>
          tpu.wait_indirect_dma semaphore(%arg21 : memref<!tpu.dma_semaphore, #tpu.memory_space<semaphore_mem>>) src(%dma_wait3A_178 : memref<10128x128xf32, #tpu.memory_space<hbm>>) dst(%arg20 : memref<128x128xf32, #tpu.memory_space<vmem>>)
          "tpu.region"() ({
            %run_scoped3A = tpu.sem_alloc : memref<!tpu.dma_semaphore, #tpu.memory_space<semaphore_mem>>
            %dma_start3A_179 = arith.constant 0 : i32
            %dma_start3A_180 = arith.constant 0 : i32
            %dma_start3A_181 = tpu.memref_slice %arg24[%dma_start3A_179, %dma_start3A_180] : memref<10000x128xf32, #tpu.memory_space<vmem_shared>> -> memref<10000x128xf32, #tpu.memory_space<vmem_shared>>
            tpu.enqueue_indirect_dma source(%arg20 : memref<128x128xf32, #tpu.memory_space<vmem>>) target(%dma_start3A_181 : memref<10000x128xf32, #tpu.memory_space<vmem_shared>>) offsets(%arg9 : memref<128xi32, #tpu.memory_space<vmem>>) semaphore(%run_scoped3A : memref<!tpu.dma_semaphore, #tpu.memory_space<semaphore_mem>>) {add = true}
            %dma_wait3A_182 = arith.constant 0 : i32
            %dma_wait3A_183 = arith.constant 0 : i32
            %dma_wait3A_184 = tpu.memref_slice %arg24[%dma_wait3A_182, %dma_wait3A_183] : memref<10000x128xf32, #tpu.memory_space<vmem_shared>> -> memref<10000x128xf32, #tpu.memory_space<vmem_shared>>
            tpu.wait_indirect_dma semaphore(%run_scoped3A : memref<!tpu.dma_semaphore, #tpu.memory_space<semaphore_mem>>) src(%arg20 : memref<128x128xf32, #tpu.memory_space<vmem>>) dst(%dma_wait3A_184 : memref<10000x128xf32, #tpu.memory_space<vmem_shared>>)
            tpu.yield
          }) : () -> ()
        } else {
        }
        %add3A_77 = arith.constant 4 : i32
        %add3A_78 = arith.addi %add3A_71, %add3A_77 : i32
        %lt3A_79 = arith.constant 80 : i32
        %lt3A_80 = arith.cmpi slt, %add3A_78, %lt3A_79 : i32
        %add3A_81 = arith.constant 4 : i32
        %add3A_82 = arith.addi %add3A_71, %add3A_81 : i32
        %convert_element_type3A_83 = arith.extui %lt3A_80 : i1 to i32
        %cond3A_84 = arith.constant 0 : i32
        %cond3A_85 = arith.cmpi ne, %convert_element_type3A_83, %cond3A_84 : i32
        scf.if %cond3A_85 {
          %mul3A_176 = arith.constant 128 : i32
          %mul3A_177 = arith.muli %add3A_82, %mul3A_176 : i32
          %add3A_178 = arith.addi %mul3A_11, %mul3A_177 : i32
          %multiple_of3A_179 = tpu.assume_multiple %add3A_178, 8 : i32
          %dma_start3A_180 = tpu.memref_slice %arg4[%multiple_of3A_179] : memref<163840xi32, #tpu.memory_space<hbm>> -> memref<128xi32, #tpu.memory_space<hbm>>
          %dma_start3A_181 = tpu.memref_slice %arg4[%multiple_of3A_179] : memref<163840xi32, #tpu.memory_space<hbm>> -> memref<128xi32, #tpu.memory_space<hbm>>
          tpu.enqueue_dma source(%dma_start3A_181 : memref<128xi32, #tpu.memory_space<hbm>>) target(%arg8 : memref<128xi32, #tpu.memory_space<vmem>>) target_semaphore(%arg10 : memref<!tpu.dma_semaphore, #tpu.memory_space<semaphore_mem>>)
          %dma_start3A_182 = tpu.memref_slice %arg5[%multiple_of3A_179] : memref<163840xi32, #tpu.memory_space<hbm>> -> memref<128xi32, #tpu.memory_space<hbm>>
          %dma_start3A_183 = tpu.memref_slice %arg5[%multiple_of3A_179] : memref<163840xi32, #tpu.memory_space<hbm>> -> memref<128xi32, #tpu.memory_space<hbm>>
          tpu.enqueue_dma source(%dma_start3A_183 : memref<128xi32, #tpu.memory_space<hbm>>) target(%arg9 : memref<128xi32, #tpu.memory_space<vmem>>) target_semaphore(%arg10 : memref<!tpu.dma_semaphore, #tpu.memory_space<semaphore_mem>>)
        } else {
        }
        %add3A_86 = arith.constant 2 : i32
        %add3A_87 = arith.addi %add3A_71, %add3A_86 : i32
        %lt3A_88 = arith.constant 80 : i32
        %lt3A_89 = arith.cmpi slt, %add3A_87, %lt3A_88 : i32
        %add3A_90 = arith.constant 2 : i32
        %add3A_91 = arith.addi %add3A_71, %add3A_90 : i32
        %convert_element_type3A_92 = arith.extui %lt3A_89 : i1 to i32
        %cond3A_93 = arith.constant 0 : i32
        %cond3A_94 = arith.cmpi ne, %convert_element_type3A_92, %cond3A_93 : i32
        scf.if %cond3A_94 {
          %mul3A_176 = arith.constant 128 : i32
          %mul3A_177 = arith.muli %add3A_91, %mul3A_176 : i32
          %add3A_178 = arith.addi %mul3A_11, %mul3A_177 : i32
          %multiple_of3A_179 = tpu.assume_multiple %add3A_178, 8 : i32
          %dma_wait3A_180 = tpu.memref_slice %arg4[%multiple_of3A_179] : memref<163840xi32, #tpu.memory_space<hbm>> -> memref<128xi32, #tpu.memory_space<hbm>>
          %dma_wait3A_181 = tpu.memref_slice %arg4[%multiple_of3A_179] : memref<163840xi32, #tpu.memory_space<hbm>> -> memref<128xi32, #tpu.memory_space<hbm>>
          tpu.wait_dma2 semaphore(%arg16 : memref<!tpu.dma_semaphore, #tpu.memory_space<semaphore_mem>>) src(%dma_wait3A_181 : memref<128xi32, #tpu.memory_space<hbm>>) dst(%arg14 : memref<128xi32, #tpu.memory_space<vmem>>)
          %dma_wait3A_182 = tpu.memref_slice %arg5[%multiple_of3A_179] : memref<163840xi32, #tpu.memory_space<hbm>> -> memref<128xi32, #tpu.memory_space<hbm>>
          %dma_wait3A_183 = tpu.memref_slice %arg5[%multiple_of3A_179] : memref<163840xi32, #tpu.memory_space<hbm>> -> memref<128xi32, #tpu.memory_space<hbm>>
          tpu.wait_dma2 semaphore(%arg16 : memref<!tpu.dma_semaphore, #tpu.memory_space<semaphore_mem>>) src(%dma_wait3A_183 : memref<128xi32, #tpu.memory_space<hbm>>) dst(%arg15 : memref<128xi32, #tpu.memory_space<vmem>>)
          %dma_start3A_184 = arith.constant 0 : i32
          %dma_start3A_185 = arith.constant 0 : i32
          %dma_start3A_186 = tpu.memref_slice %arg3[%dma_start3A_184, %dma_start3A_185] : memref<10128x128xf32, #tpu.memory_space<hbm>> -> memref<10128x128xf32, #tpu.memory_space<hbm>>
          tpu.enqueue_indirect_dma source(%dma_start3A_186 : memref<10128x128xf32, #tpu.memory_space<hbm>>) target(%arg20 : memref<128x128xf32, #tpu.memory_space<vmem>>) offsets(%arg14 : memref<128xi32, #tpu.memory_space<vmem>>) semaphore(%arg21 : memref<!tpu.dma_semaphore, #tpu.memory_space<semaphore_mem>>)
        } else {
        }
        %mul3A_95 = arith.constant 4 : i32
        %mul3A_96 = arith.muli %mul3A_95, %scan3A_67 : i32
        %add3A_97 = arith.constant 1 : i32
        %add3A_98 = arith.addi %mul3A_96, %add3A_97 : i32
        %lt3A_99 = arith.constant 80 : i32
        %lt3A_100 = arith.cmpi slt, %add3A_98, %lt3A_99 : i32
        %convert_element_type3A_101 = arith.extui %lt3A_100 : i1 to i32
        %cond3A_102 = arith.constant 0 : i32
        %cond3A_103 = arith.cmpi ne, %convert_element_type3A_101, %cond3A_102 : i32
        scf.if %cond3A_103 {
          %dma_wait3A_176 = arith.constant 0 : i32
          %dma_wait3A_177 = arith.constant 0 : i32
          %dma_wait3A_178 = tpu.memref_slice %arg3[%dma_wait3A_176, %dma_wait3A_177] : memref<10128x128xf32, #tpu.memory_space<hbm>> -> memref<10128x128xf32, #tpu.memory_space<hbm>>
          tpu.wait_indirect_dma semaphore(%arg23 : memref<!tpu.dma_semaphore, #tpu.memory_space<semaphore_mem>>) src(%dma_wait3A_178 : memref<10128x128xf32, #tpu.memory_space<hbm>>) dst(%arg22 : memref<128x128xf32, #tpu.memory_space<vmem>>)
          "tpu.region"() ({
            %run_scoped3A = tpu.sem_alloc : memref<!tpu.dma_semaphore, #tpu.memory_space<semaphore_mem>>
            %dma_start3A_179 = arith.constant 0 : i32
            %dma_start3A_180 = arith.constant 0 : i32
            %dma_start3A_181 = tpu.memref_slice %arg24[%dma_start3A_179, %dma_start3A_180] : memref<10000x128xf32, #tpu.memory_space<vmem_shared>> -> memref<10000x128xf32, #tpu.memory_space<vmem_shared>>
            tpu.enqueue_indirect_dma source(%arg22 : memref<128x128xf32, #tpu.memory_space<vmem>>) target(%dma_start3A_181 : memref<10000x128xf32, #tpu.memory_space<vmem_shared>>) offsets(%arg12 : memref<128xi32, #tpu.memory_space<vmem>>) semaphore(%run_scoped3A : memref<!tpu.dma_semaphore, #tpu.memory_space<semaphore_mem>>) {add = true}
            %dma_wait3A_182 = arith.constant 0 : i32
            %dma_wait3A_183 = arith.constant 0 : i32
            %dma_wait3A_184 = tpu.memref_slice %arg24[%dma_wait3A_182, %dma_wait3A_183] : memref<10000x128xf32, #tpu.memory_space<vmem_shared>> -> memref<10000x128xf32, #tpu.memory_space<vmem_shared>>
            tpu.wait_indirect_dma semaphore(%run_scoped3A : memref<!tpu.dma_semaphore, #tpu.memory_space<semaphore_mem>>) src(%arg22 : memref<128x128xf32, #tpu.memory_space<vmem>>) dst(%dma_wait3A_184 : memref<10000x128xf32, #tpu.memory_space<vmem_shared>>)
            tpu.yield
          }) : () -> ()
        } else {
        }
        %add3A_104 = arith.constant 4 : i32
        %add3A_105 = arith.addi %add3A_98, %add3A_104 : i32
        %lt3A_106 = arith.constant 80 : i32
        %lt3A_107 = arith.cmpi slt, %add3A_105, %lt3A_106 : i32
        %add3A_108 = arith.constant 4 : i32
        %add3A_109 = arith.addi %add3A_98, %add3A_108 : i32
        %convert_element_type3A_110 = arith.extui %lt3A_107 : i1 to i32
        %cond3A_111 = arith.constant 0 : i32
        %cond3A_112 = arith.cmpi ne, %convert_element_type3A_110, %cond3A_111 : i32
        scf.if %cond3A_112 {
          %mul3A_176 = arith.constant 128 : i32
          %mul3A_177 = arith.muli %add3A_109, %mul3A_176 : i32
          %add3A_178 = arith.addi %mul3A_11, %mul3A_177 : i32
          %multiple_of3A_179 = tpu.assume_multiple %add3A_178, 8 : i32
          %dma_start3A_180 = tpu.memref_slice %arg4[%multiple_of3A_179] : memref<163840xi32, #tpu.memory_space<hbm>> -> memref<128xi32, #tpu.memory_space<hbm>>
          %dma_start3A_181 = tpu.memref_slice %arg4[%multiple_of3A_179] : memref<163840xi32, #tpu.memory_space<hbm>> -> memref<128xi32, #tpu.memory_space<hbm>>
          tpu.enqueue_dma source(%dma_start3A_181 : memref<128xi32, #tpu.memory_space<hbm>>) target(%arg11 : memref<128xi32, #tpu.memory_space<vmem>>) target_semaphore(%arg13 : memref<!tpu.dma_semaphore, #tpu.memory_space<semaphore_mem>>)
          %dma_start3A_182 = tpu.memref_slice %arg5[%multiple_of3A_179] : memref<163840xi32, #tpu.memory_space<hbm>> -> memref<128xi32, #tpu.memory_space<hbm>>
          %dma_start3A_183 = tpu.memref_slice %arg5[%multiple_of3A_179] : memref<163840xi32, #tpu.memory_space<hbm>> -> memref<128xi32, #tpu.memory_space<hbm>>
          tpu.enqueue_dma source(%dma_start3A_183 : memref<128xi32, #tpu.memory_space<hbm>>) target(%arg12 : memref<128xi32, #tpu.memory_space<vmem>>) target_semaphore(%arg13 : memref<!tpu.dma_semaphore, #tpu.memory_space<semaphore_mem>>)
        } else {
        }
        %add3A_113 = arith.constant 2 : i32
        %add3A_114 = arith.addi %add3A_98, %add3A_113 : i32
        %lt3A_115 = arith.constant 80 : i32
        %lt3A_116 = arith.cmpi slt, %add3A_114, %lt3A_115 : i32
        %add3A_117 = arith.constant 2 : i32
        %add3A_118 = arith.addi %add3A_98, %add3A_117 : i32
        %convert_element_type3A_119 = arith.extui %lt3A_116 : i1 to i32
        %cond3A_120 = arith.constant 0 : i32
        %cond3A_121 = arith.cmpi ne, %convert_element_type3A_119, %cond3A_120 : i32
        scf.if %cond3A_121 {
          %mul3A_176 = arith.constant 128 : i32
          %mul3A_177 = arith.muli %add3A_118, %mul3A_176 : i32
          %add3A_178 = arith.addi %mul3A_11, %mul3A_177 : i32
          %multiple_of3A_179 = tpu.assume_multiple %add3A_178, 8 : i32
          %dma_wait3A_180 = tpu.memref_slice %arg4[%multiple_of3A_179] : memref<163840xi32, #tpu.memory_space<hbm>> -> memref<128xi32, #tpu.memory_space<hbm>>
          %dma_wait3A_181 = tpu.memref_slice %arg4[%multiple_of3A_179] : memref<163840xi32, #tpu.memory_space<hbm>> -> memref<128xi32, #tpu.memory_space<hbm>>
          tpu.wait_dma2 semaphore(%arg19 : memref<!tpu.dma_semaphore, #tpu.memory_space<semaphore_mem>>) src(%dma_wait3A_181 : memref<128xi32, #tpu.memory_space<hbm>>) dst(%arg17 : memref<128xi32, #tpu.memory_space<vmem>>)
          %dma_wait3A_182 = tpu.memref_slice %arg5[%multiple_of3A_179] : memref<163840xi32, #tpu.memory_space<hbm>> -> memref<128xi32, #tpu.memory_space<hbm>>
          %dma_wait3A_183 = tpu.memref_slice %arg5[%multiple_of3A_179] : memref<163840xi32, #tpu.memory_space<hbm>> -> memref<128xi32, #tpu.memory_space<hbm>>
          tpu.wait_dma2 semaphore(%arg19 : memref<!tpu.dma_semaphore, #tpu.memory_space<semaphore_mem>>) src(%dma_wait3A_183 : memref<128xi32, #tpu.memory_space<hbm>>) dst(%arg18 : memref<128xi32, #tpu.memory_space<vmem>>)
          %dma_start3A_184 = arith.constant 0 : i32
          %dma_start3A_185 = arith.constant 0 : i32
          %dma_start3A_186 = tpu.memref_slice %arg3[%dma_start3A_184, %dma_start3A_185] : memref<10128x128xf32, #tpu.memory_space<hbm>> -> memref<10128x128xf32, #tpu.memory_space<hbm>>
          tpu.enqueue_indirect_dma source(%dma_start3A_186 : memref<10128x128xf32, #tpu.memory_space<hbm>>) target(%arg22 : memref<128x128xf32, #tpu.memory_space<vmem>>) offsets(%arg17 : memref<128xi32, #tpu.memory_space<vmem>>) semaphore(%arg23 : memref<!tpu.dma_semaphore, #tpu.memory_space<semaphore_mem>>)
        } else {
        }
        %mul3A_122 = arith.constant 4 : i32
        %mul3A_123 = arith.muli %mul3A_122, %scan3A_67 : i32
        %add3A_124 = arith.constant 2 : i32
        %add3A_125 = arith.addi %mul3A_123, %add3A_124 : i32
        %lt3A_126 = arith.constant 80 : i32
        %lt3A_127 = arith.cmpi slt, %add3A_125, %lt3A_126 : i32
        %convert_element_type3A_128 = arith.extui %lt3A_127 : i1 to i32
        %cond3A_129 = arith.constant 0 : i32
        %cond3A_130 = arith.cmpi ne, %convert_element_type3A_128, %cond3A_129 : i32
        scf.if %cond3A_130 {
          %dma_wait3A_176 = arith.constant 0 : i32
          %dma_wait3A_177 = arith.constant 0 : i32
          %dma_wait3A_178 = tpu.memref_slice %arg3[%dma_wait3A_176, %dma_wait3A_177] : memref<10128x128xf32, #tpu.memory_space<hbm>> -> memref<10128x128xf32, #tpu.memory_space<hbm>>
          tpu.wait_indirect_dma semaphore(%arg21 : memref<!tpu.dma_semaphore, #tpu.memory_space<semaphore_mem>>) src(%dma_wait3A_178 : memref<10128x128xf32, #tpu.memory_space<hbm>>) dst(%arg20 : memref<128x128xf32, #tpu.memory_space<vmem>>)
          "tpu.region"() ({
            %run_scoped3A = tpu.sem_alloc : memref<!tpu.dma_semaphore, #tpu.memory_space<semaphore_mem>>
            %dma_start3A_179 = arith.constant 0 : i32
            %dma_start3A_180 = arith.constant 0 : i32
            %dma_start3A_181 = tpu.memref_slice %arg24[%dma_start3A_179, %dma_start3A_180] : memref<10000x128xf32, #tpu.memory_space<vmem_shared>> -> memref<10000x128xf32, #tpu.memory_space<vmem_shared>>
            tpu.enqueue_indirect_dma source(%arg20 : memref<128x128xf32, #tpu.memory_space<vmem>>) target(%dma_start3A_181 : memref<10000x128xf32, #tpu.memory_space<vmem_shared>>) offsets(%arg15 : memref<128xi32, #tpu.memory_space<vmem>>) semaphore(%run_scoped3A : memref<!tpu.dma_semaphore, #tpu.memory_space<semaphore_mem>>) {add = true}
            %dma_wait3A_182 = arith.constant 0 : i32
            %dma_wait3A_183 = arith.constant 0 : i32
            %dma_wait3A_184 = tpu.memref_slice %arg24[%dma_wait3A_182, %dma_wait3A_183] : memref<10000x128xf32, #tpu.memory_space<vmem_shared>> -> memref<10000x128xf32, #tpu.memory_space<vmem_shared>>
            tpu.wait_indirect_dma semaphore(%run_scoped3A : memref<!tpu.dma_semaphore, #tpu.memory_space<semaphore_mem>>) src(%arg20 : memref<128x128xf32, #tpu.memory_space<vmem>>) dst(%dma_wait3A_184 : memref<10000x128xf32, #tpu.memory_space<vmem_shared>>)
            tpu.yield
          }) : () -> ()
        } else {
        }
        %add3A_131 = arith.constant 4 : i32
        %add3A_132 = arith.addi %add3A_125, %add3A_131 : i32
        %lt3A_133 = arith.constant 80 : i32
        %lt3A_134 = arith.cmpi slt, %add3A_132, %lt3A_133 : i32
        %add3A_135 = arith.constant 4 : i32
        %add3A_136 = arith.addi %add3A_125, %add3A_135 : i32
        %convert_element_type3A_137 = arith.extui %lt3A_134 : i1 to i32
        %cond3A_138 = arith.constant 0 : i32
        %cond3A_139 = arith.cmpi ne, %convert_element_type3A_137, %cond3A_138 : i32
        scf.if %cond3A_139 {
          %mul3A_176 = arith.constant 128 : i32
          %mul3A_177 = arith.muli %add3A_136, %mul3A_176 : i32
          %add3A_178 = arith.addi %mul3A_11, %mul3A_177 : i32
          %multiple_of3A_179 = tpu.assume_multiple %add3A_178, 8 : i32
          %dma_start3A_180 = tpu.memref_slice %arg4[%multiple_of3A_179] : memref<163840xi32, #tpu.memory_space<hbm>> -> memref<128xi32, #tpu.memory_space<hbm>>
          %dma_start3A_181 = tpu.memref_slice %arg4[%multiple_of3A_179] : memref<163840xi32, #tpu.memory_space<hbm>> -> memref<128xi32, #tpu.memory_space<hbm>>
          tpu.enqueue_dma source(%dma_start3A_181 : memref<128xi32, #tpu.memory_space<hbm>>) target(%arg14 : memref<128xi32, #tpu.memory_space<vmem>>) target_semaphore(%arg16 : memref<!tpu.dma_semaphore, #tpu.memory_space<semaphore_mem>>)
          %dma_start3A_182 = tpu.memref_slice %arg5[%multiple_of3A_179] : memref<163840xi32, #tpu.memory_space<hbm>> -> memref<128xi32, #tpu.memory_space<hbm>>
          %dma_start3A_183 = tpu.memref_slice %arg5[%multiple_of3A_179] : memref<163840xi32, #tpu.memory_space<hbm>> -> memref<128xi32, #tpu.memory_space<hbm>>
          tpu.enqueue_dma source(%dma_start3A_183 : memref<128xi32, #tpu.memory_space<hbm>>) target(%arg15 : memref<128xi32, #tpu.memory_space<vmem>>) target_semaphore(%arg16 : memref<!tpu.dma_semaphore, #tpu.memory_space<semaphore_mem>>)
        } else {
        }
        %add3A_140 = arith.constant 2 : i32
        %add3A_141 = arith.addi %add3A_125, %add3A_140 : i32
        %lt3A_142 = arith.constant 80 : i32
        %lt3A_143 = arith.cmpi slt, %add3A_141, %lt3A_142 : i32
        %add3A_144 = arith.constant 2 : i32
        %add3A_145 = arith.addi %add3A_125, %add3A_144 : i32
        %convert_element_type3A_146 = arith.extui %lt3A_143 : i1 to i32
        %cond3A_147 = arith.constant 0 : i32
        %cond3A_148 = arith.cmpi ne, %convert_element_type3A_146, %cond3A_147 : i32
        scf.if %cond3A_148 {
          %mul3A_176 = arith.constant 128 : i32
          %mul3A_177 = arith.muli %add3A_145, %mul3A_176 : i32
          %add3A_178 = arith.addi %mul3A_11, %mul3A_177 : i32
          %multiple_of3A_179 = tpu.assume_multiple %add3A_178, 8 : i32
          %dma_wait3A_180 = tpu.memref_slice %arg4[%multiple_of3A_179] : memref<163840xi32, #tpu.memory_space<hbm>> -> memref<128xi32, #tpu.memory_space<hbm>>
          %dma_wait3A_181 = tpu.memref_slice %arg4[%multiple_of3A_179] : memref<163840xi32, #tpu.memory_space<hbm>> -> memref<128xi32, #tpu.memory_space<hbm>>
          tpu.wait_dma2 semaphore(%arg10 : memref<!tpu.dma_semaphore, #tpu.memory_space<semaphore_mem>>) src(%dma_wait3A_181 : memref<128xi32, #tpu.memory_space<hbm>>) dst(%arg8 : memref<128xi32, #tpu.memory_space<vmem>>)
          %dma_wait3A_182 = tpu.memref_slice %arg5[%multiple_of3A_179] : memref<163840xi32, #tpu.memory_space<hbm>> -> memref<128xi32, #tpu.memory_space<hbm>>
          %dma_wait3A_183 = tpu.memref_slice %arg5[%multiple_of3A_179] : memref<163840xi32, #tpu.memory_space<hbm>> -> memref<128xi32, #tpu.memory_space<hbm>>
          tpu.wait_dma2 semaphore(%arg10 : memref<!tpu.dma_semaphore, #tpu.memory_space<semaphore_mem>>) src(%dma_wait3A_183 : memref<128xi32, #tpu.memory_space<hbm>>) dst(%arg9 : memref<128xi32, #tpu.memory_space<vmem>>)
          %dma_start3A_184 = arith.constant 0 : i32
          %dma_start3A_185 = arith.constant 0 : i32
          %dma_start3A_186 = tpu.memref_slice %arg3[%dma_start3A_184, %dma_start3A_185] : memref<10128x128xf32, #tpu.memory_space<hbm>> -> memref<10128x128xf32, #tpu.memory_space<hbm>>
          tpu.enqueue_indirect_dma source(%dma_start3A_186 : memref<10128x128xf32, #tpu.memory_space<hbm>>) target(%arg20 : memref<128x128xf32, #tpu.memory_space<vmem>>) offsets(%arg8 : memref<128xi32, #tpu.memory_space<vmem>>) semaphore(%arg21 : memref<!tpu.dma_semaphore, #tpu.memory_space<semaphore_mem>>)
        } else {
        }
        %mul3A_149 = arith.constant 4 : i32
        %mul3A_150 = arith.muli %mul3A_149, %scan3A_67 : i32
        %add3A_151 = arith.constant 3 : i32
        %add3A_152 = arith.addi %mul3A_150, %add3A_151 : i32
        %lt3A_153 = arith.constant 80 : i32
        %lt3A_154 = arith.cmpi slt, %add3A_152, %lt3A_153 : i32
        %convert_element_type3A_155 = arith.extui %lt3A_154 : i1 to i32
        %cond3A_156 = arith.constant 0 : i32
        %cond3A_157 = arith.cmpi ne, %convert_element_type3A_155, %cond3A_156 : i32
        scf.if %cond3A_157 {
          %dma_wait3A_176 = arith.constant 0 : i32
          %dma_wait3A_177 = arith.constant 0 : i32
          %dma_wait3A_178 = tpu.memref_slice %arg3[%dma_wait3A_176, %dma_wait3A_177] : memref<10128x128xf32, #tpu.memory_space<hbm>> -> memref<10128x128xf32, #tpu.memory_space<hbm>>
          tpu.wait_indirect_dma semaphore(%arg23 : memref<!tpu.dma_semaphore, #tpu.memory_space<semaphore_mem>>) src(%dma_wait3A_178 : memref<10128x128xf32, #tpu.memory_space<hbm>>) dst(%arg22 : memref<128x128xf32, #tpu.memory_space<vmem>>)
          "tpu.region"() ({
            %run_scoped3A = tpu.sem_alloc : memref<!tpu.dma_semaphore, #tpu.memory_space<semaphore_mem>>
            %dma_start3A_179 = arith.constant 0 : i32
            %dma_start3A_180 = arith.constant 0 : i32
            %dma_start3A_181 = tpu.memref_slice %arg24[%dma_start3A_179, %dma_start3A_180] : memref<10000x128xf32, #tpu.memory_space<vmem_shared>> -> memref<10000x128xf32, #tpu.memory_space<vmem_shared>>
            tpu.enqueue_indirect_dma source(%arg22 : memref<128x128xf32, #tpu.memory_space<vmem>>) target(%dma_start3A_181 : memref<10000x128xf32, #tpu.memory_space<vmem_shared>>) offsets(%arg18 : memref<128xi32, #tpu.memory_space<vmem>>) semaphore(%run_scoped3A : memref<!tpu.dma_semaphore, #tpu.memory_space<semaphore_mem>>) {add = true}
            %dma_wait3A_182 = arith.constant 0 : i32
            %dma_wait3A_183 = arith.constant 0 : i32
            %dma_wait3A_184 = tpu.memref_slice %arg24[%dma_wait3A_182, %dma_wait3A_183] : memref<10000x128xf32, #tpu.memory_space<vmem_shared>> -> memref<10000x128xf32, #tpu.memory_space<vmem_shared>>
            tpu.wait_indirect_dma semaphore(%run_scoped3A : memref<!tpu.dma_semaphore, #tpu.memory_space<semaphore_mem>>) src(%arg22 : memref<128x128xf32, #tpu.memory_space<vmem>>) dst(%dma_wait3A_184 : memref<10000x128xf32, #tpu.memory_space<vmem_shared>>)
            tpu.yield
          }) : () -> ()
        } else {
        }
        %add3A_158 = arith.constant 4 : i32
        %add3A_159 = arith.addi %add3A_152, %add3A_158 : i32
        %lt3A_160 = arith.constant 80 : i32
        %lt3A_161 = arith.cmpi slt, %add3A_159, %lt3A_160 : i32
        %add3A_162 = arith.constant 4 : i32
        %add3A_163 = arith.addi %add3A_152, %add3A_162 : i32
        %convert_element_type3A_164 = arith.extui %lt3A_161 : i1 to i32
        %cond3A_165 = arith.constant 0 : i32
        %cond3A_166 = arith.cmpi ne, %convert_element_type3A_164, %cond3A_165 : i32
        scf.if %cond3A_166 {
          %mul3A_176 = arith.constant 128 : i32
          %mul3A_177 = arith.muli %add3A_163, %mul3A_176 : i32
          %add3A_178 = arith.addi %mul3A_11, %mul3A_177 : i32
          %multiple_of3A_179 = tpu.assume_multiple %add3A_178, 8 : i32
          %dma_start3A_180 = tpu.memref_slice %arg4[%multiple_of3A_179] : memref<163840xi32, #tpu.memory_space<hbm>> -> memref<128xi32, #tpu.memory_space<hbm>>
          %dma_start3A_181 = tpu.memref_slice %arg4[%multiple_of3A_179] : memref<163840xi32, #tpu.memory_space<hbm>> -> memref<128xi32, #tpu.memory_space<hbm>>
          tpu.enqueue_dma source(%dma_start3A_181 : memref<128xi32, #tpu.memory_space<hbm>>) target(%arg17 : memref<128xi32, #tpu.memory_space<vmem>>) target_semaphore(%arg19 : memref<!tpu.dma_semaphore, #tpu.memory_space<semaphore_mem>>)
          %dma_start3A_182 = tpu.memref_slice %arg5[%multiple_of3A_179] : memref<163840xi32, #tpu.memory_space<hbm>> -> memref<128xi32, #tpu.memory_space<hbm>>
          %dma_start3A_183 = tpu.memref_slice %arg5[%multiple_of3A_179] : memref<163840xi32, #tpu.memory_space<hbm>> -> memref<128xi32, #tpu.memory_space<hbm>>
          tpu.enqueue_dma source(%dma_start3A_183 : memref<128xi32, #tpu.memory_space<hbm>>) target(%arg18 : memref<128xi32, #tpu.memory_space<vmem>>) target_semaphore(%arg19 : memref<!tpu.dma_semaphore, #tpu.memory_space<semaphore_mem>>)
        } else {
        }
        %add3A_167 = arith.constant 2 : i32
        %add3A_168 = arith.addi %add3A_152, %add3A_167 : i32
        %lt3A_169 = arith.constant 80 : i32
        %lt3A_170 = arith.cmpi slt, %add3A_168, %lt3A_169 : i32
        %add3A_171 = arith.constant 2 : i32
        %add3A_172 = arith.addi %add3A_152, %add3A_171 : i32
        %convert_element_type3A_173 = arith.extui %lt3A_170 : i1 to i32
        %cond3A_174 = arith.constant 0 : i32
        %cond3A_175 = arith.cmpi ne, %convert_element_type3A_173, %cond3A_174 : i32
        scf.if %cond3A_175 {
          %mul3A_176 = arith.constant 128 : i32
          %mul3A_177 = arith.muli %add3A_172, %mul3A_176 : i32
          %add3A_178 = arith.addi %mul3A_11, %mul3A_177 : i32
          %multiple_of3A_179 = tpu.assume_multiple %add3A_178, 8 : i32
          %dma_wait3A_180 = tpu.memref_slice %arg4[%multiple_of3A_179] : memref<163840xi32, #tpu.memory_space<hbm>> -> memref<128xi32, #tpu.memory_space<hbm>>
          %dma_wait3A_181 = tpu.memref_slice %arg4[%multiple_of3A_179] : memref<163840xi32, #tpu.memory_space<hbm>> -> memref<128xi32, #tpu.memory_space<hbm>>
          tpu.wait_dma2 semaphore(%arg13 : memref<!tpu.dma_semaphore, #tpu.memory_space<semaphore_mem>>) src(%dma_wait3A_181 : memref<128xi32, #tpu.memory_space<hbm>>) dst(%arg11 : memref<128xi32, #tpu.memory_space<vmem>>)
          %dma_wait3A_182 = tpu.memref_slice %arg5[%multiple_of3A_179] : memref<163840xi32, #tpu.memory_space<hbm>> -> memref<128xi32, #tpu.memory_space<hbm>>
          %dma_wait3A_183 = tpu.memref_slice %arg5[%multiple_of3A_179] : memref<163840xi32, #tpu.memory_space<hbm>> -> memref<128xi32, #tpu.memory_space<hbm>>
          tpu.wait_dma2 semaphore(%arg13 : memref<!tpu.dma_semaphore, #tpu.memory_space<semaphore_mem>>) src(%dma_wait3A_183 : memref<128xi32, #tpu.memory_space<hbm>>) dst(%arg12 : memref<128xi32, #tpu.memory_space<vmem>>)
          %dma_start3A_184 = arith.constant 0 : i32
          %dma_start3A_185 = arith.constant 0 : i32
          %dma_start3A_186 = tpu.memref_slice %arg3[%dma_start3A_184, %dma_start3A_185] : memref<10128x128xf32, #tpu.memory_space<hbm>> -> memref<10128x128xf32, #tpu.memory_space<hbm>>
          tpu.enqueue_indirect_dma source(%dma_start3A_186 : memref<10128x128xf32, #tpu.memory_space<hbm>>) target(%arg22 : memref<128x128xf32, #tpu.memory_space<vmem>>) offsets(%arg11 : memref<128xi32, #tpu.memory_space<vmem>>) semaphore(%arg23 : memref<!tpu.dma_semaphore, #tpu.memory_space<semaphore_mem>>)
        } else {
        }
      }
      %scan3A_60 = arith.constant 20 : i32
      %barrier3A_61 = arith.constant 0 : index
      tpu.barrier barrier_id(%barrier3A_61)
      %lt3A_62 = arith.constant 10 : i32
      %lt3A_63 = arith.cmpi slt, %arg1, %lt3A_62 : i32
      %convert_element_type3A_64 = arith.extui %lt3A_63 : i1 to i32
      %cond3A_65 = arith.constant 0 : i32
      %cond3A_66 = arith.cmpi ne, %convert_element_type3A_64, %cond3A_65 : i32
      scf.if %cond3A_66 {
        %mul3A_67 = arith.constant 1000 : i32
        %mul3A_68 = arith.muli %arg1, %mul3A_67 : i32
        "tpu.region"() ({
          %run_scoped3A = tpu.sem_alloc : memref<!tpu.dma_semaphore, #tpu.memory_space<semaphore_mem>>
          %dma_start3A_69 = arith.constant 0 : i32
          %dma_start3A_70 = tpu.memref_slice %arg7[%mul3A_68, %dma_start3A_69] : memref<10000x128xf32, #tpu.memory_space<hbm>> -> memref<1000x128xf32, #tpu.memory_space<hbm>>
          %dma_start3A_71 = arith.constant 0 : i32
          %dma_start3A_72 = tpu.memref_slice %arg24[%mul3A_68, %dma_start3A_71] : memref<10000x128xf32, #tpu.memory_space<vmem_shared>> -> memref<1000x128xf32, #tpu.memory_space<vmem_shared>>
          tpu.enqueue_dma source(%dma_start3A_72 : memref<1000x128xf32, #tpu.memory_space<vmem_shared>>) target(%dma_start3A_70 : memref<1000x128xf32, #tpu.memory_space<hbm>>) target_semaphore(%run_scoped3A : memref<!tpu.dma_semaphore, #tpu.memory_space<semaphore_mem>>)
          %dma_wait3A_73 = arith.constant 0 : i32
          %dma_wait3A_74 = tpu.memref_slice %arg7[%mul3A_68, %dma_wait3A_73] : memref<10000x128xf32, #tpu.memory_space<hbm>> -> memref<1000x128xf32, #tpu.memory_space<hbm>>
          %dma_wait3A_75 = arith.constant 0 : i32
          %dma_wait3A_76 = tpu.memref_slice %arg24[%mul3A_68, %dma_wait3A_75] : memref<10000x128xf32, #tpu.memory_space<vmem_shared>> -> memref<1000x128xf32, #tpu.memory_space<vmem_shared>>
          tpu.wait_dma2 semaphore(%run_scoped3A : memref<!tpu.dma_semaphore, #tpu.memory_space<semaphore_mem>>) src(%dma_wait3A_76 : memref<1000x128xf32, #tpu.memory_space<vmem_shared>>) dst(%dma_wait3A_74 : memref<1000x128xf32, #tpu.memory_space<hbm>>)
          tpu.yield
        }) : () -> ()
      } else {
      }
    } else {
    }
    return
  }
}

module attributes {stable_mosaic.version = 14 : i64} {
  func.func @_k1_body(%arg0: i32, %arg1: memref<32x8x128xf32, #tpu.memory_space<vmem>>, %arg2: memref<1024x512xf32, #tpu.memory_space<vmem>>, %arg3: memref<512x128xf32, #tpu.memory_space<vmem>>, %arg4: memref<1024x128xf32, #tpu.memory_space<vmem>>, %arg5: memref<1024x128xf32, #tpu.memory_space<vmem>>) attributes {dimension_semantics = [#tpu.dimension_semantics<arbitrary>], iteration_bounds = array<i64: 10>, scalar_prefetch = 0 : i64, scratch_operands = 0 : i64, tpu.core_type = #tpu.core_type<tc>, window_params = [{transform_indices = @transform_0, window_bounds = array<i64: 32, 8, 128>}, {transform_indices = @transform_1, window_bounds = array<i64: 1024, 512>}, {pipeline_mode = #tpu.pipeline_mode<synchronous>, transform_indices = @transform_2, window_bounds = array<i64: 512, 128>}, {transform_indices = @transform_3, window_bounds = array<i64: 1024, 128>}, {transform_indices = @transform_4, window_bounds = array<i64: 1024, 128>}]} {
    %get3A = arith.constant 0 : index
    %get3A_0 = arith.constant 0 : index
    %get3A_1 = arith.constant 0 : index
    %get3A_2 = vector.load %arg1[%get3A, %get3A_0, %get3A_1] : memref<32x8x128xf32, #tpu.memory_space<vmem>>, vector<32x8x128xf32>
    %reduce_sum3A = arith.constant dense<0.000000e+00> : vector<8x128xf32>
    %reduce_sum3A_3 = vector.multi_reduction <add>, %get3A_2, %reduce_sum3A [0] : vector<32x8x128xf32> to vector<8x128xf32>
    %add3A = arith.constant 1.000000e+00 : f32
    %add3A_4 = vector.broadcast %add3A : f32 to vector<8x128xf32>
    %add3A_5 = arith.addf %add3A_4, %reduce_sum3A_3 : vector<8x128xf32>
    %rsqrt3A = math.rsqrt %add3A_5 : vector<8x128xf32>
    %broadcast_in_dim3A = vector.shape_cast %rsqrt3A : vector<8x128xf32> to vector<8x1x128xf32>
    %broadcast_in_dim3A_6 = vector.shape_cast %broadcast_in_dim3A : vector<8x1x128xf32> to vector<8x1x128xf32>
    %broadcast_in_dim3A_7 = vector.broadcast %broadcast_in_dim3A_6 : vector<8x1x128xf32> to vector<8x128x128xf32>
    %reshape3A = vector.shape_cast %broadcast_in_dim3A_7 : vector<8x128x128xf32> to vector<1024x128xf32>
    %iota3A = tpu.iota {dimensions = array<i32: 0>} : vector<1024x128xi32>
    %iota3A_8 = tpu.iota {dimensions = array<i32: 1>} : vector<1024x128xi32>
    %and3A = arith.constant 127 : i32
    %and3A_9 = vector.broadcast %and3A : i32 to vector<1024x128xi32>
    %and3A_10 = arith.andi %iota3A, %and3A_9 : vector<1024x128xi32>
    %eq3A = arith.cmpi eq, %iota3A_8, %and3A_10 : vector<1024x128xi32>
    %convert_element_type3A = arith.extui %eq3A : vector<1024x128xi1> to vector<1024x128xi32>
    %convert_element_type3A_11 = arith.sitofp %convert_element_type3A : vector<1024x128xi32> to vector<1024x128xf32>
    %mul3A = arith.mulf %reshape3A, %convert_element_type3A_11 : vector<1024x128xf32>
    %reduce_sum3A_12 = arith.constant dense<0.000000e+00> : vector<1024xf32>
    %reduce_sum3A_13 = vector.multi_reduction <add>, %mul3A, %reduce_sum3A_12 [1] : vector<1024x128xf32> to vector<1024xf32>
    %broadcast_in_dim3A_14 = vector.shape_cast %reduce_sum3A_13 : vector<1024xf32> to vector<1024x1xf32>
    %get3A_15 = arith.constant 0 : index
    %get3A_16 = arith.constant 0 : index
    %get3A_17 = vector.load %arg2[%get3A_15, %get3A_16] : memref<1024x512xf32, #tpu.memory_space<vmem>>, vector<1024x512xf32>
    %get3A_18 = arith.constant 0 : index
    %get3A_19 = arith.constant 0 : index
    %get3A_20 = vector.load %arg3[%get3A_18, %get3A_19] : memref<512x128xf32, #tpu.memory_space<vmem>>, vector<512x128xf32>
    %dot_general3A = arith.constant dense<0.000000e+00> : vector<1024x128xf32>
    %dot_general3A_21 = tpu.matmul %get3A_17, %get3A_20, %dot_general3A {dimension_numbers = #tpu.dot_dimension_numbers<[1], [0], [0], [1], [0, 0, 1, 1], [], []>, transpose_lhs_hint = false} : vector<1024x512xf32>, vector<512x128xf32>, vector<1024x128xf32> -> vector<1024x128xf32>
    %mul3A_22 = arith.constant 1024 : i32
    %mul3A_23 = arith.muli %arg0, %mul3A_22 : i32
    %add3A_24 = vector.broadcast %mul3A_23 : i32 to vector<1024x128xi32>
    %add3A_25 = arith.addi %iota3A, %add3A_24 : vector<1024x128xi32>
    %lt3A = arith.constant 10000 : i32
    %lt3A_26 = vector.broadcast %lt3A : i32 to vector<1024x128xi32>
    %lt3A_27 = arith.cmpi slt, %add3A_25, %lt3A_26 : vector<1024x128xi32>
    %mul3A_28 = vector.broadcast %broadcast_in_dim3A_14 : vector<1024x1xf32> to vector<1024x128xf32>
    %mul3A_29 = arith.mulf %dot_general3A_21, %mul3A_28 : vector<1024x128xf32>
    %jit3A = arith.constant 0.000000e+00 : f32
    %broadcast_in_dim3A_30 = vector.broadcast %jit3A : f32 to vector<1024x128xf32>
    %select_n3A = arith.select %lt3A_27, %mul3A_29, %broadcast_in_dim3A_30 : vector<1024x128xi1>, vector<1024x128xf32>
    %swap3A = arith.constant 0 : index
    %swap3A_31 = arith.constant 0 : index
    %swap3A_32 = vector.load %arg4[%swap3A, %swap3A_31] : memref<1024x128xf32, #tpu.memory_space<vmem>>, vector<1024x128xf32>
    tpu.vector_store %arg4[%swap3A, %swap3A_31], %select_n3A {strides = array<i32>} : memref<1024x128xf32, #tpu.memory_space<vmem>>, vector<1024x128xf32>,
    %broadcast_in_dim3A_33 = vector.shape_cast %broadcast_in_dim3A_14 : vector<1024x1xf32> to vector<1024x1xf32>
    %broadcast_in_dim3A_34 = vector.broadcast %broadcast_in_dim3A_33 : vector<1024x1xf32> to vector<1024x128xf32>
    %swap3A_35 = arith.constant 0 : index
    %swap3A_36 = arith.constant 0 : index
    %swap3A_37 = vector.load %arg5[%swap3A_35, %swap3A_36] : memref<1024x128xf32, #tpu.memory_space<vmem>>, vector<1024x128xf32>
    tpu.vector_store %arg5[%swap3A_35, %swap3A_36], %broadcast_in_dim3A_34 {strides = array<i32>} : memref<1024x128xf32, #tpu.memory_space<vmem>>, vector<1024x128xf32>,
    return
  }
  func.func @transform_0(%arg0: i32) -> (i32, i32, i32) {
    %c0_i32 = arith.constant 0 : i32
    %c0_i32_0 = arith.constant 0 : i32
    %c0_i32_1 = arith.constant 0 : i32
    return %c0_i32, %arg0, %c0_i32_0 : i32, i32, i32
  }
  func.func @transform_1(%arg0: i32) -> (i32, i32) {
    %c0_i32 = arith.constant 0 : i32
    %c0_i32_0 = arith.constant 0 : i32
    return %arg0, %c0_i32 : i32, i32
  }
  func.func @transform_2(%arg0: i32) -> (i32, i32) {
    %c0_i32 = arith.constant 0 : i32
    %c0_i32_0 = arith.constant 0 : i32
    %c0_i32_1 = arith.constant 0 : i32
    return %c0_i32, %c0_i32_0 : i32, i32
  }
  func.func @transform_3(%arg0: i32) -> (i32, i32) {
    %c0_i32 = arith.constant 0 : i32
    %c0_i32_0 = arith.constant 0 : i32
    return %arg0, %c0_i32 : i32, i32
  }
  func.func @transform_4(%arg0: i32) -> (i32, i32) {
    %c0_i32 = arith.constant 0 : i32
    %c0_i32_0 = arith.constant 0 : i32
    return %arg0, %c0_i32 : i32, i32
  }
}

module attributes {stable_mosaic.version = 14 : i64} {
  func.func @_k2_body(%arg0: i32, %arg1: memref<1024x128xf32, #tpu.memory_space<vmem>>, %arg2: memref<1024x128xf32, #tpu.memory_space<vmem>>, %arg3: memref<1024x128xf32, #tpu.memory_space<vmem>>, %arg4: memref<1x128xf32, #tpu.memory_space<vmem>>, %arg5: memref<128x256xf32, #tpu.memory_space<vmem>>, %arg6: memref<1024x128xf32, #tpu.memory_space<vmem>>, %arg7: memref<1024x128xf32, #tpu.memory_space<vmem>>) attributes {dimension_semantics = [#tpu.dimension_semantics<arbitrary>], iteration_bounds = array<i64: 10>, scalar_prefetch = 0 : i64, scratch_operands = 0 : i64, tpu.core_type = #tpu.core_type<tc>, window_params = [{transform_indices = @transform_0, window_bounds = array<i64: 1024, 128>}, {transform_indices = @transform_1, window_bounds = array<i64: 1024, 128>}, {transform_indices = @transform_2, window_bounds = array<i64: 1024, 128>}, {pipeline_mode = #tpu.pipeline_mode<synchronous>, transform_indices = @transform_3, window_bounds = array<i64: 1, 128>}, {pipeline_mode = #tpu.pipeline_mode<synchronous>, transform_indices = @transform_4, window_bounds = array<i64: 128, 256>}, {transform_indices = @transform_5, window_bounds = array<i64: 1024, 128>}, {transform_indices = @transform_6, window_bounds = array<i64: 1024, 128>}]} {
    %get3A = arith.constant 0 : index
    %get3A_0 = arith.constant 0 : index
    %get3A_1 = vector.load %arg1[%get3A, %get3A_0] : memref<1024x128xf32, #tpu.memory_space<vmem>>, vector<1024x128xf32>
    %get3A_2 = arith.constant 0 : index
    %get3A_3 = arith.constant 0 : index
    %get3A_4 = vector.load %arg2[%get3A_2, %get3A_3] : memref<1024x128xf32, #tpu.memory_space<vmem>>, vector<1024x128xf32>
    %get3A_5 = arith.constant 0 : index
    %get3A_6 = arith.constant 0 : index
    %get3A_7 = vector.load %arg3[%get3A_5, %get3A_6] : memref<1024x128xf32, #tpu.memory_space<vmem>>, vector<1024x128xf32>
    %add3A = arith.addf %get3A_4, %get3A_7 : vector<1024x128xf32>
    %mul3A = arith.mulf %add3A, %get3A_1 : vector<1024x128xf32>
    %get3A_8 = arith.constant 0 : index
    %get3A_9 = arith.constant 0 : index
    %get3A_10 = vector.load %arg4[%get3A_8, %get3A_9] : memref<1x128xf32, #tpu.memory_space<vmem>>, vector<1x128xf32>
    %get3A_11 = vector.shape_cast %get3A_10 : vector<1x128xf32> to vector<128xf32>
    %broadcast_in_dim3A = vector.shape_cast %get3A_11 : vector<128xf32> to vector<1x128xf32>
    %add3A_12 = vector.broadcast %broadcast_in_dim3A : vector<1x128xf32> to vector<1024x128xf32>
    %add3A_13 = arith.addf %mul3A, %add3A_12 : vector<1024x128xf32>
    %max3A = arith.constant 0.000000e+00 : f32
    %max3A_14 = vector.broadcast %max3A : f32 to vector<1024x128xf32>
    %max3A_15 = arith.maximumf %add3A_13, %max3A_14 : vector<1024x128xf32>
    %get3A_16 = arith.constant 0 : index
    %get3A_17 = arith.constant 0 : index
    %get3A_18 = vector.load %arg5[%get3A_16, %get3A_17] : memref<128x256xf32, #tpu.memory_space<vmem>>, vector<128x256xf32>
    %dot_general3A = arith.constant dense<0.000000e+00> : vector<1024x256xf32>
    %dot_general3A_19 = tpu.matmul %max3A_15, %get3A_18, %dot_general3A {dimension_numbers = #tpu.dot_dimension_numbers<[1], [0], [0], [1], [0, 0, 1, 1], [], []>, transpose_lhs_hint = false} : vector<1024x128xf32>, vector<128x256xf32>, vector<1024x256xf32> -> vector<1024x256xf32>
    %iota3A = tpu.iota {dimensions = array<i32: 0>} : vector<1024x128xi32>
    %mul3A_20 = arith.constant 1024 : i32
    %mul3A_21 = arith.muli %arg0, %mul3A_20 : i32
    %add3A_22 = vector.broadcast %mul3A_21 : i32 to vector<1024x128xi32>
    %add3A_23 = arith.addi %iota3A, %add3A_22 : vector<1024x128xi32>
    %lt3A = arith.constant 10000 : i32
    %lt3A_24 = vector.broadcast %lt3A : i32 to vector<1024x128xi32>
    %lt3A_25 = arith.cmpi slt, %add3A_23, %lt3A_24 : vector<1024x128xi32>
    %slice3A = vector.extract_strided_slice %dot_general3A_19 {offsets = [0, 0], sizes = [1024, 128], strides = [1, 1]} : vector<1024x256xf32> to vector<1024x128xf32>
    %mul3A_26 = arith.mulf %slice3A, %get3A_1 : vector<1024x128xf32>
    %jit3A = arith.constant 0.000000e+00 : f32
    %broadcast_in_dim3A_27 = vector.broadcast %jit3A : f32 to vector<1024x128xf32>
    %select_n3A = arith.select %lt3A_25, %mul3A_26, %broadcast_in_dim3A_27 : vector<1024x128xi1>, vector<1024x128xf32>
    %swap3A = arith.constant 0 : index
    %swap3A_28 = arith.constant 0 : index
    %swap3A_29 = vector.load %arg6[%swap3A, %swap3A_28] : memref<1024x128xf32, #tpu.memory_space<vmem>>, vector<1024x128xf32>
    tpu.vector_store %arg6[%swap3A, %swap3A_28], %select_n3A {strides = array<i32>} : memref<1024x128xf32, #tpu.memory_space<vmem>>, vector<1024x128xf32>,
    %slice3A_30 = vector.extract_strided_slice %dot_general3A_19 {offsets = [0, 128], sizes = [1024, 128], strides = [1, 1]} : vector<1024x256xf32> to vector<1024x128xf32>
    %mul3A_31 = arith.mulf %slice3A_30, %get3A_1 : vector<1024x128xf32>
    %jit3A_32 = arith.constant 0.000000e+00 : f32
    %broadcast_in_dim3A_33 = vector.broadcast %jit3A_32 : f32 to vector<1024x128xf32>
    %select_n3A_34 = arith.select %lt3A_25, %mul3A_31, %broadcast_in_dim3A_33 : vector<1024x128xi1>, vector<1024x128xf32>
    %swap3A_35 = arith.constant 0 : index
    %swap3A_36 = arith.constant 0 : index
    %swap3A_37 = vector.load %arg7[%swap3A_35, %swap3A_36] : memref<1024x128xf32, #tpu.memory_space<vmem>>, vector<1024x128xf32>
    tpu.vector_store %arg7[%swap3A_35, %swap3A_36], %select_n3A_34 {strides = array<i32>} : memref<1024x128xf32, #tpu.memory_space<vmem>>, vector<1024x128xf32>,
    return
  }
  func.func @transform_0(%arg0: i32) -> (i32, i32) {
    %c0_i32 = arith.constant 0 : i32
    %c0_i32_0 = arith.constant 0 : i32
    return %arg0, %c0_i32 : i32, i32
  }
  func.func @transform_1(%arg0: i32) -> (i32, i32) {
    %c0_i32 = arith.constant 0 : i32
    %c0_i32_0 = arith.constant 0 : i32
    return %arg0, %c0_i32 : i32, i32
  }
  func.func @transform_2(%arg0: i32) -> (i32, i32) {
    %c0_i32 = arith.constant 0 : i32
    %c0_i32_0 = arith.constant 0 : i32
    return %arg0, %c0_i32 : i32, i32
  }
  func.func @transform_3(%arg0: i32) -> (i32, i32) {
    %c0_i32 = arith.constant 0 : i32
    %c0_i32_0 = arith.constant 0 : i32
    %c0_i32_1 = arith.constant 0 : i32
    return %c0_i32, %c0_i32_0 : i32, i32
  }
  func.func @transform_4(%arg0: i32) -> (i32, i32) {
    %c0_i32 = arith.constant 0 : i32
    %c0_i32_0 = arith.constant 0 : i32
    %c0_i32_1 = arith.constant 0 : i32
    return %c0_i32, %c0_i32_0 : i32, i32
  }
  func.func @transform_5(%arg0: i32) -> (i32, i32) {
    %c0_i32 = arith.constant 0 : i32
    %c0_i32_0 = arith.constant 0 : i32
    return %arg0, %c0_i32 : i32, i32
  }
  func.func @transform_6(%arg0: i32) -> (i32, i32) {
    %c0_i32 = arith.constant 0 : i32
    %c0_i32_0 = arith.constant 0 : i32
    return %arg0, %c0_i32 : i32, i32
  }
}

module attributes {stable_mosaic.version = 14 : i64} {
  func.func @_k3_body(%arg0: i32, %arg1: memref<1024x128xf32, #tpu.memory_space<vmem>>, %arg2: memref<1024x128xf32, #tpu.memory_space<vmem>>, %arg3: memref<1024x128xf32, #tpu.memory_space<vmem>>, %arg4: memref<1x256xf32, #tpu.memory_space<vmem>>, %arg5: memref<1024x256xf32, #tpu.memory_space<vmem>>) attributes {dimension_semantics = [#tpu.dimension_semantics<arbitrary>], iteration_bounds = array<i64: 10>, scalar_prefetch = 0 : i64, scratch_operands = 0 : i64, tpu.core_type = #tpu.core_type<tc>, window_params = [{transform_indices = @transform_0, window_bounds = array<i64: 1024, 128>}, {transform_indices = @transform_1, window_bounds = array<i64: 1024, 128>}, {transform_indices = @transform_2, window_bounds = array<i64: 1024, 128>}, {pipeline_mode = #tpu.pipeline_mode<synchronous>, transform_indices = @transform_3, window_bounds = array<i64: 1, 256>}, {transform_indices = @transform_4, window_bounds = array<i64: 1024, 256>}]} {
    %get3A = arith.constant 0 : index
    %get3A_0 = arith.constant 0 : index
    %get3A_1 = vector.load %arg1[%get3A, %get3A_0] : memref<1024x128xf32, #tpu.memory_space<vmem>>, vector<1024x128xf32>
    %get3A_2 = arith.constant 0 : index
    %get3A_3 = arith.constant 0 : index
    %get3A_4 = vector.load %arg2[%get3A_2, %get3A_3] : memref<1024x128xf32, #tpu.memory_space<vmem>>, vector<1024x128xf32>
    %mul3A = arith.mulf %get3A_4, %get3A_1 : vector<1024x128xf32>
    %get3A_5 = arith.constant 0 : index
    %get3A_6 = arith.constant 0 : index
    %get3A_7 = vector.load %arg3[%get3A_5, %get3A_6] : memref<1024x128xf32, #tpu.memory_space<vmem>>, vector<1024x128xf32>
    %mul3A_8 = arith.mulf %get3A_7, %get3A_1 : vector<1024x128xf32>
    %concatenate3A = tpu.concatenate %mul3A, %mul3A_8 in 1 : vector<1024x128xf32>, vector<1024x128xf32> -> vector<1024x256xf32>
    %get3A_9 = arith.constant 0 : index
    %get3A_10 = arith.constant 0 : index
    %get3A_11 = vector.load %arg4[%get3A_9, %get3A_10] : memref<1x256xf32, #tpu.memory_space<vmem>>, vector<1x256xf32>
    %get3A_12 = vector.shape_cast %get3A_11 : vector<1x256xf32> to vector<256xf32>
    %broadcast_in_dim3A = vector.shape_cast %get3A_12 : vector<256xf32> to vector<1x256xf32>
    %add3A = vector.broadcast %broadcast_in_dim3A : vector<1x256xf32> to vector<1024x256xf32>
    %add3A_13 = arith.addf %concatenate3A, %add3A : vector<1024x256xf32>
    %swap3A = arith.constant 0 : index
    %swap3A_14 = arith.constant 0 : index
    %swap3A_15 = vector.load %arg5[%swap3A, %swap3A_14] : memref<1024x256xf32, #tpu.memory_space<vmem>>, vector<1024x256xf32>
    tpu.vector_store %arg5[%swap3A, %swap3A_14], %add3A_13 {strides = array<i32>} : memref<1024x256xf32, #tpu.memory_space<vmem>>, vector<1024x256xf32>,
    return
  }
  func.func @transform_0(%arg0: i32) -> (i32, i32) {
    %c0_i32 = arith.constant 0 : i32
    %c0_i32_0 = arith.constant 0 : i32
    return %arg0, %c0_i32 : i32, i32
  }
  func.func @transform_1(%arg0: i32) -> (i32, i32) {
    %c0_i32 = arith.constant 0 : i32
    %c0_i32_0 = arith.constant 0 : i32
    return %arg0, %c0_i32 : i32, i32
  }
  func.func @transform_2(%arg0: i32) -> (i32, i32) {
    %c0_i32 = arith.constant 0 : i32
    %c0_i32_0 = arith.constant 0 : i32
    return %arg0, %c0_i32 : i32, i32
  }
  func.func @transform_3(%arg0: i32) -> (i32, i32) {
    %c0_i32 = arith.constant 0 : i32
    %c0_i32_0 = arith.constant 0 : i32
    %c0_i32_1 = arith.constant 0 : i32
    return %c0_i32, %c0_i32_0 : i32, i32
  }
  func.func @transform_4(%arg0: i32) -> (i32, i32) {
    %c0_i32 = arith.constant 0 : i32
    %c0_i32_0 = arith.constant 0 : i32
    return %arg0, %c0_i32 : i32, i32
  }
}

</mosaic_0001>

<sc_bundles>
// kernel: kernel.11.cloned.1.call-start
scs
__scs_entry_jumppad:
0x0: {  	(pc) =	sbr.rel $0x88, $3  }
0x1: {  	(tag) =	ssettag $0x0;
	lr =	simm.s32 $0x1  }
0x2: {  	[smem:$0x3F9B] =	sst lr;
	_ =	strace $0xD0000000  }
0x3: {  	_ = 	snop  }
0x4: {  	_ = 	snop  }
0x5: {  	_ = 	snop  }
0x6: {  	_ = 	snop  }
0x7: {  	_ = 	snop  }
__scs_overlays_trampoline_lowered:
0x8: {  	[smem:$0x3FAA] =	sst s0  }
0x9: {  	[smem:$0x3FAB] =	sst s1  }
0xa: {  	[smem:$0x3FAC] =	sst s2  }
0xb: {  	[smem:$0x3FAD] =	sst s3  }
0xc: {  	[smem:$0x3FAE] =	sst s4  }
0xd: {  	[smem:$0x3FAF] =	sst s5  }
0xe: {  	[smem:$0x3FB0] =	sst s6  }
0xf: {  	[smem:$0x3FB1] =	sst s7  }
0x10: {  	[smem:$0x3FB2] =	sst s8  }
0x11: {  	[smem:$0x3FB3] =	sst s9;
	s0 =	simm.s32 @!p0 $0x0  }
0x12: {  	s1 =	sld [smem:$0x3F99];
	s0 =	simm.s32 @p0 $0x1  }
0x13: {  	[smem:$0x3FB4] =	sst s0;
	s0 =	simm.s32 @!p1 $0x0  }
0x14: {  	s2 =	sld [smem:$0x3F98];
	s0 =	simm.s32 @p1 $0x1  }
0x15: {  	[smem:$0x3FB5] =	sst s0;
	s0 =	simm.s32 @!p2 $0x0  }
0x16: {  	s3 =	sld [smem:$0x3FDB];
	s0 =	simm.s32 @p2 $0x1  }
0x17: {  	s4 =	simm.s32 $0x1BF5;
	[smem:$0x3FB7] =	sst s0  }
0x18: {  	s0 =	sld [smem:$0x3F9A];
	_ =	swait.ge [sflag:s4], $0x0  }
0x19: {  	s7 =	sld [smem:$0x3F9B]  }
0x1a: {  	s8 =	sadd.s32 $0xFFFFE003, lr  }
0x1b: {  	s9 =	sadd.s32 $0xFFFFFEF7, lr;
	s5 =	simm.s32 $0xFFFFFFFF;
	p2 =	slt.u32 s8, $0xFFFFF086  }
0x1c: {  	p1 =	slt.u32 s9, $0xF7A;
	s5 =	simm.s32 @!p2 $0x0  }
0x1d: {  	s5 =	simm.s32 @p1 $0x1;
	p0 =	seq.s32 s7, s2  }
0x1e: {  	s7 =	smul.u32 @!p0 $0xF7A, s2;
	p2 =	seq.s32 @!p0 s5, $0x0  }
0x1f: {  	s9 =	smul.u32 $0xF7A, s1;
	s8 =	simm.s32 @!p0 $0x1BF5;
	p2 =	por !p2, p0  }
0x20: {  	[sflag:s8] =	ssyncset.s32 @!p0 $0xFFFFF086;
	s6 =	sadd.s32 @!p0 s3, s7;
	s7 =	simm.s32 @!p0 $0x108  }
0x21: {  	s3 =	sadd.s32 s3, s9;
	s6 =	sadd.s32 @!p0 $0x88, s6;
	s7 =	simm.s32 @p2 $0x1082  }
0x22: {  	[simem:s7], [sflag:s8] =	dma.local @!p0 [hbm:s6], $0xF7A  }
0x23: {  	s9 =	sor.u32 $0xD0000000, s2;
	s6 =	simm.s32 $0x108;
	_ =	swait.ge @!p0 [sflag:s8], $0x0  }
0x24: {  	s3 =	sadd.s32 $0x88, s3;
	s6 =	simm.s32 @!p1 $0x1082;
	[sflag:s4] =	ssyncset.s32 $0xFFFFF086  }
0x25: {  	[simem:s6], [sflag:s4] =	dma.local [hbm:s3], $0xF7A  }
0x26: {  	[smem:$0x3F9B] =	sst s1;
	(tag) =	ssettag s2;
	_ =	strace s9  }
0x27: {  	s1 =	sld [smem:$0x3FAB]  }
0x28: {  	s2 =	sld [smem:$0x3FAC]  }
0x29: {  	s4 =	sld [smem:$0x3FAE]  }
0x2a: {  	p0 =	seq.s32 s5, $0x0;
	s5 =	sld [smem:$0x3FAF]  }
0x2b: {  	s6 =	sld [smem:$0x3FB0]  }
0x2c: {  	s7 =	sld [smem:$0x3FB1]  }
0x2d: {  	s3 =	simm.s32 $0x108;
	s8 =	sld [smem:$0x3FB2]  }
0x2e: {  	s3 =	simm.s32 @!p0 $0x1082;
	s9 =	sld [smem:$0x3FB3]  }
0x2f: {  	lr =	sadd.s32 s0, s3;
	s0 =	sld [smem:$0x3FAA]  }
0x30: {  	s3 =	sld [smem:$0x3FAD]  }
0x31: {  	[smem:$0x3FB6] =	sst s10  }
0x32: {  	s10 =	sld [smem:$0x3FB4];
	_ =	sdelay $0x3  }
0x33: {  	p0 =	seq.s32 s10, $0x1;
	s10 =	sld [smem:$0x3FB6];
	_ =	sdelay $0x3  }
0x34: {  	[smem:$0x3FB6] =	sst s10  }
0x35: {  	s10 =	sld [smem:$0x3FB5];
	_ =	sdelay $0x3  }
0x36: {  	p1 =	seq.s32 s10, $0x1;
	s10 =	sld [smem:$0x3FB6];
	_ =	sdelay $0x3  }
0x37: {  	[smem:$0x3FB6] =	sst s10  }
0x38: {  	s10 =	sld [smem:$0x3FB7]  }
0x39: {  	_ = 	snop;
	(pc) =	sbr.ind lr, $3  }
0x3a: {  	_ = 	snop  }
0x3b: {  	_ = 	snop  }
0x3c: {  	p2 =	seq.s32 s10, $0x1;
	s10 =	sld [smem:$0x3FB6]  }
0x3d: {  	_ =	shalt  }
0x3e: {  	_ =	shalt  }
0x3f: {  	_ =	shalt  }
0x40: {  	_ =	shalt  }
0x41: {  	_ =	shalt  }
0x42: {  	_ =	shalt  }
0x43: {  	_ =	shalt  }
0x44: {  	_ =	shalt  }
0x45: {  	_ =	shalt  }
0x46: {  	_ =	shalt  }
0x47: {  	_ =	shalt  }
0x48: {  	_ =	shalt  }
0x49: {  	_ =	shalt  }
0x4a: {  	_ =	shalt  }
0x4b: {  	_ =	shalt  }
0x4c: {  	_ =	shalt  }
0x4d: {  	_ =	shalt  }
0x4e: {  	_ =	shalt  }
0x4f: {  	_ =	shalt  }
0x50: {  	_ =	shalt  }
0x51: {  	_ =	shalt  }
0x52: {  	_ =	shalt  }
0x53: {  	_ =	shalt  }
0x54: {  	_ =	shalt  }
0x55: {  	_ =	shalt  }
0x56: {  	_ =	shalt  }
0x57: {  	_ =	shalt  }
0x58: {  	_ =	shalt  }
0x59: {  	_ =	shalt  }
0x5a: {  	_ =	shalt  }
0x5b: {  	_ =	shalt  }
0x5c: {  	_ =	shalt  }
0x5d: {  	_ =	shalt  }
0x5e: {  	_ =	shalt  }
0x5f: {  	_ =	shalt  }
0x60: {  	_ =	shalt  }
0x61: {  	_ =	shalt  }
0x62: {  	_ =	shalt  }
0x63: {  	_ =	shalt  }
0x64: {  	_ =	shalt  }
0x65: {  	_ =	shalt  }
0x66: {  	_ =	shalt  }
0x67: {  	_ =	shalt  }
0x68: {  	_ =	shalt  }
0x69: {  	_ =	shalt  }
0x6a: {  	_ =	shalt  }
0x6b: {  	_ =	shalt  }
0x6c: {  	_ =	shalt  }
0x6d: {  	_ =	shalt  }
0x6e: {  	_ =	shalt  }
0x6f: {  	_ =	shalt  }
0x70: {  	_ =	shalt  }
0x71: {  	_ =	shalt  }
0x72: {  	_ =	shalt  }
0x73: {  	_ =	shalt  }
0x74: {  	_ =	shalt  }
0x75: {  	_ =	shalt  }
0x76: {  	_ =	shalt  }
0x77: {  	_ =	shalt  }
0x78: {  	_ =	shalt  }
0x79: {  	_ =	shalt  }
0x7a: {  	_ =	shalt  }
0x7b: {  	_ =	shalt  }
0x7c: {  	_ =	shalt  }
0x7d: {  	_ =	shalt  }
0x7e: {  	_ =	shalt  }
0x7f: {  	_ =	shalt  }
0x80: {  	_ =	shalt  }
0x81: {  	_ =	shalt  }
0x82: {  	_ =	shalt  }
0x83: {  	_ =	shalt  }
0x84: {  	_ =	shalt  }
0x85: {  	_ =	shalt  }
0x86: {  	_ =	shalt  }
0x87: {  	_ =	shalt  }
.Lfunc_end0:
.L_simem_size_0:
called_computation.1_lowered:
.L_overlay_start_0:
0x88: {  	s2 =	sld [smem:$0x3FD9]  }
0x89: {  	s3 =	sld [smem:$0x3FFE];
	_ =	sdelay $0x1  }
0x8a: {  	s1 =	srdreg.scid  }
0x8b: {  	s0 =	sand.u32 $0x1, s1  }
0x8c: {  	s16 =	sshll.u32 s0, $0xA;
	s2 =	sadd.s32 s3, s2  }
0x8d: {  	s2 =	sadd.s32 s2, s16  }
0x8e: {  	[smem:$0x3FC2] =	sst s2  }
0x8f: {  	_ = 	snop  }
0x90: {  	(tm) =	ssettm $0x1  }
0x91: {  	s17 =	sld [smem:$0x3FFB];
	_ =	sdelay $0x3  }
0x92: {  	_ =	strace s17  }
0x93: {  	s2 =	sld [smem:$0x3FFC];
	_ =	sdelay $0x3  }
0x94: {  	_ =	strace s2  }
0x95: {  	s2 =	sld [smem:$0x3FFD];
	_ =	sdelay $0x3  }
0x96: {  	_ =	strace s2  }
0x97: {  	_ =	strace $0x8FFFFFFF  }
0x98: {  	s18 =	sld [smem:$0x3FDB];
	_ =	sdelay $0x1  }
0x99: {  	s19 =	simm.s32 $_scs_section_size  }
0x9a: {  	s4 =	simm.s32 $_size__tile_overlayer_lowered;
	s5 =	simm.s32 $_tile_overlayer_lowered  }
0x9b: {  	s22 =	simm.s32 $0x1BFF;
	s21 =	sshll.u32 s5, $0x1;
	s2 =	sadd.s32 s19, s18  }
0x9c: {  	s6 =	simm.s32 $0x0;
	s20 =	sshll.u32 s4, $0x1;
	s4 =	sadd.s32 s21, s2  }
0x9d: {  	[timem:s6], [sflag:s22] =	dma.local [hbm:s4], s20  }
0x9e: {  	_ =	swait.ge [sflag:s22], s20  }
0x9f: {  	s3 =	ssub.s32 $0x0, s20;
	[sflag:s22] =	ssyncset.done $0x0  }
0xa0: {  	[sflag:s22] =	ssyncadd.s32 s3;
	_ =	sdelay $0x1  }
0xa1: {  	s23 =	simm.s32 $0x1B8B  }
0xa2: {  	_ =	swait.ge [sflag:s23], $0x1  }
0xa3: {  	[sflag:s23] =	ssyncset.done $0x0  }
0xa4: {  	s25 =	simm.s32 $0x1B8E;
	s24 =	sld [smem:$0x3FFE];
	[sflag:s23] =	ssyncadd.s32 $0xFFFFFFFF  }
0xa5: {  	s26 =	simm.s32 $execute0_lowered;
	[smem:$0x3FD2] =	sst s25  }
0xa6: {  	s4 =	sshll.u32 s26, $0x1;
	_ =	strace $0x80000049;
	[dreg:$0x1] =	wrdreg $0xFFFFFFFF  }
0xa7: {  	s28 =	simm.s32 $_size_execute0_lowered;
	s2 =	sadd.s32 s2, s4;
	[dreg:$0x0] =	wrdreg $0x0  }
0xa8: {  	s4 =	sshll.u32 s28, $0x1;
	[dreg:$0x2] =	wrdreg s2  }
0xa9: {  	[dreg:$0x3] =	wrdreg s4  }
0xaa: {  	[dreg:$0x4] =	wrdreg $0xC0  }
0xab: {  	_ =	task [dreg:s6], $0x5FFFF  }
0xac: {  	[dreg:$0x1] =	wrdreg $0xFFFFFFFF  }
0xad: {  	[dreg:$0x0] =	wrdreg $0x60  }
0xae: {  	[dreg:$0x2] =	wrdreg s24  }
0xaf: {  	[dreg:$0x3] =	wrdreg $0x84000  }
0xb0: {  	[dreg:$0x4] =	wrdreg $0x9  }
0xb1: {  	_ =	task.clear_ibuf [dreg:s6], $0x5FFFF;
	_ =	strace $0x90000049  }
0xb2: {  	s29 =	simm.s32 $0x9;
	_ =	strace $0x8000004B  }
0xb3: {  	_ =	swait.ge [sflag:s29], $0x1  }
0xb4: {  	[sflag:s29] =	ssyncadd.s32 $0xFFFFFFFF  }
0xb5: {  	_ =	strace $0x9000004B  }
0xb6: {  	_ =	sfence  }
0xb7: {  	s30 =	sld [smem:$0x0];
	_ =	sdelay $0x2  }
0xb8: {  	s31 =	sshll.u32 s1, $0xD;
	s1 =	sshrl.u32 s1, $0x2  }
0xb9: {  	s3 =	sand.u32 $0x4000, s31;
	s1 =	sadd.s32 s1, s30  }
0xba: {  	s0 =	sor.u32 s3, s0;
	s1 =	sshll.u32 s1, $0x11  }
0xbb: {  	s0 =	sor.u32 s1, s0  }
0xbc: {  	s0 =	sadd.s32 $0x8F2B, s0  }
0xbd: {  	[sflag:s0] =	ssyncadd.remote.s32 $0x1  }
0xbe: {  	_ =	sfence.sel $0xFFFF  }
0xbf: {  	[dreg:$0x0] =	wrdreg $0xFFFFFFFF;
	(pc) =	sbr.abs _section_cstart, $3  }
0xc0: {  	[dreg:$0x1] =	wrdreg $0xFFFFFFFF  }
0xc1: {  	_ =	task.clear_ibuf [dreg:s6], $0x2FFFF;
	_ =	strace $0x9FFFFFFF  }
0xc2: {  	(tm) =	ssettm $0x7FFFFFFF  }
0xc3: {  	_ =	shalt  }
tec
execute0_lowered:
.L_overlay_start_1:
0x0: {  	(tag) =	ssettag $0x1  }
0x1: {  	s0 =	rddreg [dreg:$0x0]  }
0x2: {  	s2 =	rddreg [dreg:$0x1]  }
0x3: {  	s4 =	srdreg.scid;
	s1 =	stileid.u32  }
0x4: {  	s3 =	simm.s32 $0x0;
	s31 =	simm.s32 $0x80;
	s6 =	smul.u32 $0x1400, s1  }
0x5: {  	s4 =	sand.u32 $0x1, s4;
	[smem:$0x7FF] =	sst s3;
	s24 =	smul.u32 $0x7D000, s1  }
0x6: {  	s7 =	sadd.s32 $0x8400, s0;
	s8 =	sadd.s32 $0x3400, s0;
	s19 =	smul.u32 $0x280, s1  }
0x7: {  	s21 =	smul.u32 $0x3E80, s1;
	p1 =	sgt.u32 s1, $0x9;
	s5 =	ssub.s32 $0x2, s4  }
0x8: {  	p2 =	slt.u32 s1, $0xA;
	p0 =	seq.s32 s4, $0x1;
	s9 =	sshrl.u32 s5, $0x1  }
0x9: {  	s23 =	sshrl.u32 s6, $0x3;
	s22 =	sadd.s32 s19, s7;
	s24 =	sshrl.u32 s24, $0x2  }
0xa: {  	s6 =	simm.s32 $0x280;
	s5 =	ssub.s32 s5, s9;
	s25 =	sadd.s32 s7, s23  }
0xb: {  	s26 =	sor.u32 $0x10, s23;
	s10 =	sadd.s32 s8, s23;
	s30 =	sor.u32 $0x20, s23  }
0xc: {  	s12 =	sor.u32 $0x30, s23;
	s14 =	sadd.s32 $0x2800, s23;
	s16 =	sadd.s32 $0x2810, s23  }
0xd: {  	s18 =	sadd.s32 $0x2820, s23;
	s4 =	sadd.s32 $0x2830, s23;
	[dreg:$0x3] =	wrdreg s25  }
0xe: {  	s23 =	sadd.s32 $0xD400, s0;
	[dreg:$0x4] =	wrdreg s10;
	s28 =	sadd.s32 s7, s26  }
0xf: {  	s9 =	sadd.s32 s8, s26;
	s11 =	sadd.s32 s7, s30;
	[dreg:$0x5] =	wrdreg s28  }
0x10: {  	s10 =	sadd.s32 s8, s30;
	s13 =	sadd.s32 s7, s12;
	[dreg:$0x6] =	wrdreg s9  }
0x11: {  	s15 =	sadd.s32 s7, s14;
	s17 =	sadd.s32 s7, s16;
	[dreg:$0x7] =	wrdreg s11  }
0x12: {  	s20 =	sadd.s32 s7, s4;
	s4 =	sadd.s32 s8, s4;
	[dreg:$0x8] =	wrdreg s10  }
0x13: {  	s25 =	sadd.s32 s21, s0;
	s26 =	sadd.s32 $0x5C000, s0;
	[dreg:$0x9] =	wrdreg s13  }
0x14: {  	s0 =	sadd.s32 $0x83200, s0;
	s29 =	smax.u32 s5, $0x1;
	[dreg:$0xb] =	wrdreg s15  }
0x15: {  	s30 =	sadd.s32 s23, s21;
	s5 =	simm.s32 $0x200;
	[dreg:$0xd] =	wrdreg s17  }
0x16: {  	s9 =	sadd.s32 s8, s12;
	s10 =	sadd.s32 s8, s14;
	[dreg:$0x11] =	wrdreg s20  }
0x17: {  	s11 =	sadd.s32 s7, s18;
	[dreg:$0x12] =	wrdreg s4;
	s20 =	sadd.s32 s19, s8  }
0x18: {  	s28 =	sadd.s32 $0x34E00, s25;
	s4 =	simm.s32 $0x180;
	[dreg:$0xa] =	wrdreg s9  }
0x19: {  	s7 =	simm.s32 $0x300;
	s12 =	simm.s32 $0x4400;
	[dreg:$0xc] =	wrdreg s10  }
0x1a: {  	s13 =	simm.s32 $0x5;
	s9 =	sadd.s32 s8, s16;
	[dreg:$0xf] =	wrdreg s11  }
0x1b: {  	s14 =	simm.s32 $0x7;
	[dreg:$0xe] =	wrdreg s9;
	s9 =	sadd.s32 s8, s18  }
0x1c: {  	s15 =	simm.s32 $0x3;
	s17 =	simm.s32 $0x4;
	[dreg:$0x10] =	wrdreg s9  }
.Ltmp0:
0x1d: {  	_ =	strace $0x8000004A;
	[dreg:$0x14] =	wrdreg s26;
	(pc) =	sbr.rel .LBB2_1-.Ltmp0, $4  }
0x1e: {  	s10 =	simm.s32 $0x400;
	s11 =	simm.s32 $0x2;
	[dreg:$0x15] =	wrdreg s0  }
0x1f: {  	s16 =	simm.s32 $0x6;
	s8 =	simm.s32 $0x380;
	[dreg:$0x16] =	wrdreg s28  }
0x20: {  	s18 =	simm.s32 $0x0;
	s9 =	simm.s32 $0x1;
	[dreg:$0x13] =	wrdreg s21  }
0x21: {  	s26 =	sadd.s32 s24, s2;
	[dreg:$0x17] =	wrdreg s30;
	s0 =	simm.s32 $0x100  }
.LBB2_10:
0x22: {  	s21 =	sshll.u32 s1, $0x6;
	s24 =	rddreg [dreg:$0x13]  }
0x23: {  	s30 =	sshrl.u32 s26, $0x3;
	s19 =	sadd.s32 s19, s24;
	s21 =	sor.u32 $0x1C07, s21  }
0x24: {  	[hbm:s19], [sflag:s21] =	dma.local [spmem:s30], $0x3E80  }
0x25: {  	_ =	swait.ge [sflag:s14], $0x3E80  }
0x26: {  	[sflag:s14] =	ssyncset.done $0x0  }
0x27: {  	[sflag:s14] =	ssyncadd.s32 $0xFFFFC180  }
.LBB2_11:
0x28: {  	s18 =	sadd.s32 $0x1, s18  }
0x29: {  	p3 =	sne.s32 s18, s29  }
.Ltmp1:
0x2a: {  	_ = 	snop;
	(pc) =	sbr.rel @!p3 .LBB2_12-.Ltmp1, $1  }
0x2b: {  	_ =	sdelay $0x3  }
.LBB2_1:
.Ltmp2:
0x2c: {  	(pc) =	sbr.rel @!p0 .LBB2_2-.Ltmp2, $3  }
0x2d: {  	_ =	sdelay $0x1  }
0x2e: {  	s28 =	sshll.u32 @!p1 s1, $0x6  }
0x2f: {  	s19 =	sshrl.u32 @!p1 s26, $0x3;
	s28 =	sor.u32 @!p1 $0x1C07, s28  }
0x30: {  	s21 =	rddreg [dreg:$0x16]  }
0x31: {  	[spmem:s19], [sflag:s28] =	dma.local @!p1 [hbm:s21], $0x3E80  }
0x32: {  	s19 =	simm.s32 @!p1 $0x7  }
0x33: {  	_ =	swait.ge @!p1 [sflag:s19], $0x3E80  }
0x34: {  	[sflag:s19] =	ssyncset.done @!p1 $0x0  }
0x35: {  	[sflag:s19] =	ssyncadd.s32 @!p1 $0xFFFFC180  }
0x36: {  	[bflag:$0x0] =	sbarrier.arrive $0xFFFF  }
0x37: {  	s19 =	simm.s32 $0x0;
	s24 =	rddreg [dreg:$0xb]  }
0x38: {  	[tilespmem:s19], [sflag:$0x1] =	stream.linear.gather [hbm4b:s24+s19], $0x80, $0x38;
	[tilespmem:$0x1BC80] =	vst v63  }
0x39: {  	s25 =	rddreg [dreg:$0xc]  }
0x3a: {  	[tilespmem:s31], [sflag:$0x1] =	stream.linear.gather [hbm4b:s25+s19], $0x80, $0x38;
	[tilespmem:$0x1BC80] =	vst v63  }
0x3b: {  	s28 =	rddreg [dreg:$0xd]  }
0x3c: {  	[tilespmem:s0], [sflag:$0x2] =	stream.linear.gather [hbm4b:s28+s19], $0x80, $0x38;
	[tilespmem:$0x1BC80] =	vst v63  }
0x3d: {  	s30 =	rddreg [dreg:$0xe]  }
0x3e: {  	[tilespmem:s4], [sflag:$0x2] =	stream.linear.gather [hbm4b:s30+s19], $0x80, $0x38;
	[tilespmem:$0x1BC80] =	vst v63  }
0x3f: {  	s24 =	rddreg [dreg:$0xf]  }
0x40: {  	[tilespmem:s5], [sflag:$0x3] =	stream.linear.gather [hbm4b:s24+s19], $0x80, $0x38;
	[tilespmem:$0x1BC80] =	vst v63  }
0x41: {  	s25 =	rddreg [dreg:$0x10]  }
0x42: {  	[tilespmem:s6], [sflag:$0x3] =	stream.linear.gather [hbm4b:s25+s19], $0x80, $0x38;
	[tilespmem:$0x1BC80] =	vst v63  }
0x43: {  	s28 =	rddreg [dreg:$0x11]  }
0x44: {  	[tilespmem:s7], [sflag:$0x4] =	stream.linear.gather [hbm4b:s28+s19], $0x80, $0x38;
	[tilespmem:$0x1BC80] =	vst v63  }
0x45: {  	s30 =	rddreg [dreg:$0x12]  }
0x46: {  	[tilespmem:s8], [sflag:$0x4] =	stream.linear.gather [hbm4b:s30+s19], $0x80, $0x38;
	[tilespmem:$0x1BC80] =	vst v63  }
0x47: {  	_ =	swait.ge [sflag:s9], $0x80  }
0x48: {  	[sflag:s9] =	ssyncset.done $0x0  }
0x49: {  	[sflag:s9] =	ssyncadd.s32 $0xFFFFFF80  }
0x4a: {  	_ =	swait.ge [sflag:s9], $0x80  }
0x4b: {  	[sflag:s9] =	ssyncset.done $0x0  }
0x4c: {  	[sflag:s9] =	ssyncadd.s32 $0xFFFFFF80  }
0x4d: {  	[tilespmem:s10], [sflag:$0x5] =	stream.indirect.gather [hbm4b:s23+s31], $0x80, s19, s31, $0xb8;
	[tilespmem:$0x1BC80] =	vst v63  }
0x4e: {  	_ =	swait.ge [sflag:s11], $0x80  }
0x4f: {  	[sflag:s11] =	ssyncset.done $0x0  }
0x50: {  	[sflag:s11] =	ssyncadd.s32 $0xFFFFFF80  }
0x51: {  	_ =	swait.ge [sflag:s11], $0x80  }
0x52: {  	[sflag:s11] =	ssyncset.done $0x0  }
0x53: {  	[sflag:s11] =	ssyncadd.s32 $0xFFFFFF80  }
0x54: {  	[tilespmem:s12], [sflag:$0x6] =	stream.indirect.gather [hbm4b:s23+s31], $0x80, s0, s31, $0xb8;
	[tilespmem:$0x1BC80] =	vst v63  }
.LBB2_7:
0x55: {  	_ =	swait.ge [sflag:s13], $0x4000  }
0x56: {  	[sflag:s13] =	ssyncset.done $0x0  }
0x57: {  	[sflag:s13] =	ssyncadd.s32 $0xFFFFC000  }
0x58: {  	[spmem:s2] =	stream.indirect.scatter.add.f32 [tilespmem:s10], [sflag:$0x7], $0x80, s31, s31, $0xb8;
	[tilespmem:$0x1BC80] =	vst v63  }
0x59: {  	p3 =	seq.s32 s19, $0x240;
	_ =	swait.ge [sflag:s14], $0x4000  }
0x5a: {  	s21 =	sadd.s32 @!p3 s19, s22;
	[sflag:s14] =	ssyncset.done $0x0  }
0x5b: {  	s25 =	simm.s32 @!p3 $0x0;
	s24 =	sadd.s32 @!p3 $0x2840, s21;
	[sflag:s14] =	ssyncadd.s32 $0xFFFFC000  }
0x5c: {  	[tilespmem:s25], [sflag:$0x1] =	stream.linear.gather @!p3 [hbm4b:s24+s25], $0x80, $0x38;
	[tilespmem:$0x1BC80] =	vst v63  }
0x5d: {  	s24 =	sadd.s32 @!p3 s19, s20  }
0x5e: {  	s30 =	simm.s32 @!p3 $0x80;
	s28 =	sadd.s32 @!p3 $0x2840, s24  }
0x5f: {  	[tilespmem:s30], [sflag:$0x1] =	stream.linear.gather @!p3 [hbm4b:s28+s25], $0x80, $0x38;
	[tilespmem:$0x1BC80] =	vst v63  }
0x60: {  	_ =	swait.ge [sflag:s15], $0x80  }
0x61: {  	[sflag:s15] =	ssyncset.done $0x0  }
0x62: {  	[sflag:s15] =	ssyncadd.s32 $0xFFFFFF80  }
0x63: {  	_ =	swait.ge [sflag:s15], $0x80  }
0x64: {  	[sflag:s15] =	ssyncset.done $0x0  }
0x65: {  	[sflag:s15] =	ssyncadd.s32 $0xFFFFFF80  }
0x66: {  	[tilespmem:s10], [sflag:$0x5] =	stream.indirect.gather [hbm4b:s23+s31], $0x80, s5, s31, $0xb8;
	[tilespmem:$0x1BC80] =	vst v63  }
0x67: {  	_ =	swait.ge [sflag:s16], $0x4000  }
0x68: {  	[sflag:s16] =	ssyncset.done $0x0  }
0x69: {  	[sflag:s16] =	ssyncadd.s32 $0xFFFFC000  }
0x6a: {  	[spmem:s2] =	stream.indirect.scatter.add.f32 [tilespmem:s12], [sflag:$0x7], $0x80, s4, s31, $0xb8;
	[tilespmem:$0x1BC80] =	vst v63  }
0x6b: {  	_ =	swait.ge [sflag:s14], $0x4000  }
0x6c: {  	[sflag:s14] =	ssyncset.done $0x0  }
0x6d: {  	s21 =	sadd.s32 @!p3 $0x2850, s21;
	s28 =	simm.s32 @!p3 $0x100;
	[sflag:s14] =	ssyncadd.s32 $0xFFFFC000  }
0x6e: {  	[tilespmem:s28], [sflag:$0x2] =	stream.linear.gather @!p3 [hbm4b:s21+s25], $0x80, $0x38;
	[tilespmem:$0x1BC80] =	vst v63  }
0x6f: {  	s21 =	sadd.s32 @!p3 $0x2850, s24;
	s24 =	simm.s32 @!p3 $0x180  }
0x70: {  	[tilespmem:s24], [sflag:$0x2] =	stream.linear.gather @!p3 [hbm4b:s21+s25], $0x80, $0x38;
	[tilespmem:$0x1BC80] =	vst v63  }
0x71: {  	_ =	swait.ge [sflag:s17], $0x80  }
0x72: {  	[sflag:s17] =	ssyncset.done $0x0  }
0x73: {  	[sflag:s17] =	ssyncadd.s32 $0xFFFFFF80  }
0x74: {  	_ =	swait.ge [sflag:s17], $0x80  }
0x75: {  	[sflag:s17] =	ssyncset.done $0x0  }
0x76: {  	[sflag:s17] =	ssyncadd.s32 $0xFFFFFF80  }
0x77: {  	[tilespmem:s12], [sflag:$0x6] =	stream.indirect.gather [hbm4b:s23+s31], $0x80, s7, s31, $0xb8;
	[tilespmem:$0x1BC80] =	vst v63  }
0x78: {  	_ =	swait.ge [sflag:s13], $0x4000  }
0x79: {  	[sflag:s13] =	ssyncset.done $0x0  }
.Ltmp3:
0x7a: {  	[sflag:s13] =	ssyncadd.s32 $0xFFFFC000;
	(pc) =	sbr.rel @p3 .LBB2_9-.Ltmp3, $4  }
0x7b: {  	[spmem:s2] =	stream.indirect.scatter.add.f32 [tilespmem:s10], [sflag:$0x7], $0x80, s6, s31, $0xb8;
	[tilespmem:$0x1BC80] =	vst v63  }
0x7c: {  	_ =	swait.ge [sflag:s14], $0x4000  }
0x7d: {  	[sflag:s14] =	ssyncset.done $0x0  }
0x7e: {  	[sflag:s14] =	ssyncadd.s32 $0xFFFFC000  }
0x7f: {  	s21 =	sadd.s32 s19, s22  }
0x80: {  	s28 =	sadd.s32 s19, s20;
	s24 =	sadd.s32 $0x2860, s21  }
0x81: {  	[tilespmem:s5], [sflag:$0x3] =	stream.linear.gather [hbm4b:s24+s3], $0x80, $0x38;
	[tilespmem:$0x1BC80] =	vst v63  }
0x82: {  	s25 =	sadd.s32 $0x2860, s28  }
0x83: {  	[tilespmem:s6], [sflag:$0x3] =	stream.linear.gather [hbm4b:s25+s3], $0x80, $0x38;
	[tilespmem:$0x1BC80] =	vst v63  }
0x84: {  	_ =	swait.ge [sflag:s9], $0x80  }
0x85: {  	[sflag:s9] =	ssyncset.done $0x0  }
0x86: {  	[sflag:s9] =	ssyncadd.s32 $0xFFFFFF80  }
0x87: {  	_ =	swait.ge [sflag:s9], $0x80  }
0x88: {  	[sflag:s9] =	ssyncset.done $0x0  }
0x89: {  	[sflag:s9] =	ssyncadd.s32 $0xFFFFFF80  }
0x8a: {  	[tilespmem:s10], [sflag:$0x5] =	stream.indirect.gather [hbm4b:s23+s31], $0x80, s3, s31, $0xb8;
	[tilespmem:$0x1BC80] =	vst v63  }
0x8b: {  	_ =	swait.ge [sflag:s16], $0x4000  }
0x8c: {  	[sflag:s16] =	ssyncset.done $0x0  }
0x8d: {  	[sflag:s16] =	ssyncadd.s32 $0xFFFFC000  }
0x8e: {  	[spmem:s2] =	stream.indirect.scatter.add.f32 [tilespmem:s12], [sflag:$0x7], $0x80, s8, s31, $0xb8;
	[tilespmem:$0x1BC80] =	vst v63  }
0x8f: {  	_ =	swait.ge [sflag:s14], $0x4000  }
0x90: {  	[sflag:s14] =	ssyncset.done $0x0  }
0x91: {  	s21 =	sadd.s32 $0x2870, s21;
	[sflag:s14] =	ssyncadd.s32 $0xFFFFC000  }
0x92: {  	[tilespmem:s7], [sflag:$0x4] =	stream.linear.gather [hbm4b:s21+s3], $0x80, $0x38;
	[tilespmem:$0x1BC80] =	vst v63  }
0x93: {  	s30 =	sadd.s32 $0x2870, s28  }
0x94: {  	[tilespmem:s8], [sflag:$0x4] =	stream.linear.gather [hbm4b:s30+s3], $0x80, $0x38;
	[tilespmem:$0x1BC80] =	vst v63  }
0x95: {  	_ =	swait.ge [sflag:s11], $0x80  }
0x96: {  	[sflag:s11] =	ssyncset.done $0x0  }
.Ltmp4:
0x97: {  	[sflag:s11] =	ssyncadd.s32 $0xFFFFFF80;
	(pc) =	sbr.rel .LBB2_7-.Ltmp4, $4  }
0x98: {  	_ =	swait.ge [sflag:s11], $0x80  }
0x99: {  	[sflag:s11] =	ssyncset.done $0x0  }
0x9a: {  	s19 =	sadd.s32 $0x40, s19;
	[sflag:s11] =	ssyncadd.s32 $0xFFFFFF80  }
0x9b: {  	[tilespmem:s12], [sflag:$0x6] =	stream.indirect.gather [hbm4b:s23+s31], $0x80, s0, s31, $0xb8;
	[tilespmem:$0x1BC80] =	vst v63  }
.LBB2_2:
0x9c: {  	s21 =	rddreg [dreg:$0x17]  }
0x9d: {  	[spmem:s19], [sflag:s28] =	dma.local @!p1 [hbm:s21], $0x3E80  }
0x9e: {  	s19 =	simm.s32 @!p1 $0x7  }
0x9f: {  	_ =	swait.ge @!p1 [sflag:s19], $0x3E80  }
0xa0: {  	[sflag:s19] =	ssyncset.done @!p1 $0x0  }
0xa1: {  	[sflag:s19] =	ssyncadd.s32 @!p1 $0xFFFFC180  }
0xa2: {  	[bflag:$0x0] =	sbarrier.arrive $0xFFFF  }
0xa3: {  	s19 =	simm.s32 $0x0;
	s24 =	rddreg [dreg:$0x3]  }
0xa4: {  	[tilespmem:s19], [sflag:$0x1] =	stream.linear.gather [hbm4b:s24+s19], $0x80, $0x38;
	[tilespmem:$0x1BC80] =	vst v63  }
0xa5: {  	s25 =	rddreg [dreg:$0x4]  }
0xa6: {  	[tilespmem:s31], [sflag:$0x1] =	stream.linear.gather [hbm4b:s25+s19], $0x80, $0x38;
	[tilespmem:$0x1BC80] =	vst v63  }
0xa7: {  	s28 =	rddreg [dreg:$0x5]  }
0xa8: {  	[tilespmem:s0], [sflag:$0x2] =	stream.linear.gather [hbm4b:s28+s19], $0x80, $0x38;
	[tilespmem:$0x1BC80] =	vst v63  }
0xa9: {  	s30 =	rddreg [dreg:$0x6]  }
0xaa: {  	[tilespmem:s4], [sflag:$0x2] =	stream.linear.gather [hbm4b:s30+s19], $0x80, $0x38;
	[tilespmem:$0x1BC80] =	vst v63  }
0xab: {  	s24 =	rddreg [dreg:$0x7]  }
0xac: {  	[tilespmem:s5], [sflag:$0x3] =	stream.linear.gather [hbm4b:s24+s19], $0x80, $0x38;
	[tilespmem:$0x1BC80] =	vst v63  }
0xad: {  	s25 =	rddreg [dreg:$0x8]  }
0xae: {  	[tilespmem:s6], [sflag:$0x3] =	stream.linear.gather [hbm4b:s25+s19], $0x80, $0x38;
	[tilespmem:$0x1BC80] =	vst v63  }
0xaf: {  	s28 =	rddreg [dreg:$0x9]  }
0xb0: {  	[tilespmem:s7], [sflag:$0x4] =	stream.linear.gather [hbm4b:s28+s19], $0x80, $0x38;
	[tilespmem:$0x1BC80] =	vst v63  }
0xb1: {  	s30 =	rddreg [dreg:$0xa]  }
0xb2: {  	[tilespmem:s8], [sflag:$0x4] =	stream.linear.gather [hbm4b:s30+s19], $0x80, $0x38;
	[tilespmem:$0x1BC80] =	vst v63  }
0xb3: {  	_ =	swait.ge [sflag:s9], $0x80  }
0xb4: {  	[sflag:s9] =	ssyncset.done $0x0  }
0xb5: {  	[sflag:s9] =	ssyncadd.s32 $0xFFFFFF80  }
0xb6: {  	_ =	swait.ge [sflag:s9], $0x80  }
0xb7: {  	[sflag:s9] =	ssyncset.done $0x0  }
0xb8: {  	[sflag:s9] =	ssyncadd.s32 $0xFFFFFF80  }
0xb9: {  	[tilespmem:s10], [sflag:$0x5] =	stream.indirect.gather [hbm4b:s23+s31], $0x80, s19, s31, $0xb8;
	[tilespmem:$0x1BC80] =	vst v63  }
0xba: {  	_ =	swait.ge [sflag:s11], $0x80  }
0xbb: {  	[sflag:s11] =	ssyncset.done $0x0  }
0xbc: {  	[sflag:s11] =	ssyncadd.s32 $0xFFFFFF80  }
0xbd: {  	_ =	swait.ge [sflag:s11], $0x80  }
0xbe: {  	[sflag:s11] =	ssyncset.done $0x0  }
0xbf: {  	[sflag:s11] =	ssyncadd.s32 $0xFFFFFF80  }
0xc0: {  	[tilespmem:s12], [sflag:$0x6] =	stream.indirect.gather [hbm4b:s23+s31], $0x80, s0, s31, $0xb8;
	[tilespmem:$0x1BC80] =	vst v63  }
.LBB2_3:
0xc1: {  	_ =	swait.ge [sflag:s13], $0x4000  }
0xc2: {  	[sflag:s13] =	ssyncset.done $0x0  }
0xc3: {  	[sflag:s13] =	ssyncadd.s32 $0xFFFFC000  }
0xc4: {  	[spmem:s2] =	stream.indirect.scatter.add.f32 [tilespmem:s10], [sflag:$0x7], $0x80, s31, s31, $0xb8;
	[tilespmem:$0x1BC80] =	vst v63  }
0xc5: {  	p3 =	seq.s32 s19, $0x240;
	_ =	swait.ge [sflag:s14], $0x4000  }
0xc6: {  	s28 =	sadd.s32 @!p3 s19, s22;
	[sflag:s14] =	ssyncset.done $0x0  }
0xc7: {  	s25 =	simm.s32 @!p3 $0x0;
	s24 =	sadd.s32 @!p3 $0x40, s28;
	[sflag:s14] =	ssyncadd.s32 $0xFFFFC000  }
0xc8: {  	[tilespmem:s25], [sflag:$0x1] =	stream.linear.gather @!p3 [hbm4b:s24+s25], $0x80, $0x38;
	[tilespmem:$0x1BC80] =	vst v63  }
0xc9: {  	s24 =	sadd.s32 @!p3 s19, s20  }
0xca: {  	s21 =	simm.s32 @!p3 $0x80;
	s30 =	sadd.s32 @!p3 $0x40, s24  }
0xcb: {  	[tilespmem:s21], [sflag:$0x1] =	stream.linear.gather @!p3 [hbm4b:s30+s25], $0x80, $0x38;
	[tilespmem:$0x1BC80] =	vst v63  }
0xcc: {  	_ =	swait.ge [sflag:s15], $0x80  }
0xcd: {  	[sflag:s15] =	ssyncset.done $0x0  }
0xce: {  	[sflag:s15] =	ssyncadd.s32 $0xFFFFFF80  }
0xcf: {  	_ =	swait.ge [sflag:s15], $0x80  }
0xd0: {  	[sflag:s15] =	ssyncset.done $0x0  }
0xd1: {  	[sflag:s15] =	ssyncadd.s32 $0xFFFFFF80  }
0xd2: {  	[tilespmem:s10], [sflag:$0x5] =	stream.indirect.gather [hbm4b:s23+s31], $0x80, s5, s31, $0xb8;
	[tilespmem:$0x1BC80] =	vst v63  }
0xd3: {  	_ =	swait.ge [sflag:s16], $0x4000  }
0xd4: {  	[sflag:s16] =	ssyncset.done $0x0  }
0xd5: {  	[sflag:s16] =	ssyncadd.s32 $0xFFFFC000  }
0xd6: {  	[spmem:s2] =	stream.indirect.scatter.add.f32 [tilespmem:s12], [sflag:$0x7], $0x80, s4, s31, $0xb8;
	[tilespmem:$0x1BC80] =	vst v63  }
0xd7: {  	_ =	swait.ge [sflag:s14], $0x4000  }
0xd8: {  	[sflag:s14] =	ssyncset.done $0x0  }
0xd9: {  	s21 =	sadd.s32 @!p3 $0x50, s28;
	s28 =	simm.s32 @!p3 $0x100;
	[sflag:s14] =	ssyncadd.s32 $0xFFFFC000  }
0xda: {  	[tilespmem:s28], [sflag:$0x2] =	stream.linear.gather @!p3 [hbm4b:s21+s25], $0x80, $0x38;
	[tilespmem:$0x1BC80] =	vst v63  }
0xdb: {  	s21 =	sadd.s32 @!p3 $0x50, s24;
	s24 =	simm.s32 @!p3 $0x180  }
0xdc: {  	[tilespmem:s24], [sflag:$0x2] =	stream.linear.gather @!p3 [hbm4b:s21+s25], $0x80, $0x38;
	[tilespmem:$0x1BC80] =	vst v63  }
0xdd: {  	_ =	swait.ge [sflag:s17], $0x80  }
0xde: {  	[sflag:s17] =	ssyncset.done $0x0  }
0xdf: {  	[sflag:s17] =	ssyncadd.s32 $0xFFFFFF80  }
0xe0: {  	_ =	swait.ge [sflag:s17], $0x80  }
0xe1: {  	[sflag:s17] =	ssyncset.done $0x0  }
0xe2: {  	[sflag:s17] =	ssyncadd.s32 $0xFFFFFF80  }
0xe3: {  	[tilespmem:s12], [sflag:$0x6] =	stream.indirect.gather [hbm4b:s23+s31], $0x80, s7, s31, $0xb8;
	[tilespmem:$0x1BC80] =	vst v63  }
0xe4: {  	_ =	swait.ge [sflag:s13], $0x4000  }
0xe5: {  	[sflag:s13] =	ssyncset.done $0x0  }
.Ltmp5:
0xe6: {  	[sflag:s13] =	ssyncadd.s32 $0xFFFFC000;
	(pc) =	sbr.rel @p3 .LBB2_5-.Ltmp5, $4  }
0xe7: {  	[spmem:s2] =	stream.indirect.scatter.add.f32 [tilespmem:s10], [sflag:$0x7], $0x80, s6, s31, $0xb8;
	[tilespmem:$0x1BC80] =	vst v63  }
0xe8: {  	_ =	swait.ge [sflag:s14], $0x4000  }
0xe9: {  	[sflag:s14] =	ssyncset.done $0x0  }
0xea: {  	[sflag:s14] =	ssyncadd.s32 $0xFFFFC000  }
0xeb: {  	s21 =	sadd.s32 s19, s22  }
0xec: {  	s28 =	sadd.s32 s19, s20;
	s24 =	sadd.s32 $0x60, s21  }
0xed: {  	[tilespmem:s5], [sflag:$0x3] =	stream.linear.gather [hbm4b:s24+s3], $0x80, $0x38;
	[tilespmem:$0x1BC80] =	vst v63  }
0xee: {  	s25 =	sadd.s32 $0x60, s28  }
0xef: {  	[tilespmem:s6], [sflag:$0x3] =	stream.linear.gather [hbm4b:s25+s3], $0x80, $0x38;
	[tilespmem:$0x1BC80] =	vst v63  }
0xf0: {  	_ =	swait.ge [sflag:s9], $0x80  }
0xf1: {  	[sflag:s9] =	ssyncset.done $0x0  }
0xf2: {  	[sflag:s9] =	ssyncadd.s32 $0xFFFFFF80  }
0xf3: {  	_ =	swait.ge [sflag:s9], $0x80  }
0xf4: {  	[sflag:s9] =	ssyncset.done $0x0  }
0xf5: {  	[sflag:s9] =	ssyncadd.s32 $0xFFFFFF80  }
0xf6: {  	[tilespmem:s10], [sflag:$0x5] =	stream.indirect.gather [hbm4b:s23+s31], $0x80, s3, s31, $0xb8;
	[tilespmem:$0x1BC80] =	vst v63  }
0xf7: {  	_ =	swait.ge [sflag:s16], $0x4000  }
0xf8: {  	[sflag:s16] =	ssyncset.done $0x0  }
0xf9: {  	[sflag:s16] =	ssyncadd.s32 $0xFFFFC000  }
0xfa: {  	[spmem:s2] =	stream.indirect.scatter.add.f32 [tilespmem:s12], [sflag:$0x7], $0x80, s8, s31, $0xb8;
	[tilespmem:$0x1BC80] =	vst v63  }
0xfb: {  	_ =	swait.ge [sflag:s14], $0x4000  }
0xfc: {  	[sflag:s14] =	ssyncset.done $0x0  }
0xfd: {  	s21 =	sadd.s32 $0x70, s21;
	[sflag:s14] =	ssyncadd.s32 $0xFFFFC000  }
0xfe: {  	[tilespmem:s7], [sflag:$0x4] =	stream.linear.gather [hbm4b:s21+s3], $0x80, $0x38;
	[tilespmem:$0x1BC80] =	vst v63  }
0xff: {  	s30 =	sadd.s32 $0x70, s28  }
0x100: {  	[tilespmem:s8], [sflag:$0x4] =	stream.linear.gather [hbm4b:s30+s3], $0x80, $0x38;
	[tilespmem:$0x1BC80] =	vst v63  }
0x101: {  	_ =	swait.ge [sflag:s11], $0x80  }
0x102: {  	[sflag:s11] =	ssyncset.done $0x0  }
.Ltmp6:
0x103: {  	[sflag:s11] =	ssyncadd.s32 $0xFFFFFF80;
	(pc) =	sbr.rel .LBB2_3-.Ltmp6, $4  }
0x104: {  	_ =	swait.ge [sflag:s11], $0x80  }
0x105: {  	[sflag:s11] =	ssyncset.done $0x0  }
0x106: {  	s19 =	sadd.s32 $0x40, s19;
	[sflag:s11] =	ssyncadd.s32 $0xFFFFFF80  }
0x107: {  	[tilespmem:s12], [sflag:$0x6] =	stream.indirect.gather [hbm4b:s23+s31], $0x80, s0, s31, $0xb8;
	[tilespmem:$0x1BC80] =	vst v63  }
.LBB2_9:
0x108: {  	_ =	swait.ge [sflag:s16], $0x4000  }
0x109: {  	[sflag:s16] =	ssyncset.done $0x0  }
0x10a: {  	[sflag:s16] =	ssyncadd.s32 $0xFFFFC000  }
0x10b: {  	[spmem:s2] =	stream.indirect.scatter.add.f32 [tilespmem:s12], [sflag:$0x7], $0x80, s8, s31, $0xb8;
	[tilespmem:$0x1BC80] =	vst v63  }
.Ltmp7:
0x10c: {  	_ =	swait.ge [sflag:s14], $0x4000;
	(pc) =	sbr.rel @p1 .LBB2_11-.Ltmp7, $4  }
.Ltmp8:
0x10d: {  	[sflag:s14] =	ssyncset.done $0x0;
	(pc) =	sbr.rel @!p1 .LBB2_10-.Ltmp8, $4  }
0x10e: {  	[sflag:s14] =	ssyncadd.s32 $0xFFFFC000  }
0x10f: {  	[bflag:$0x0] =	sbarrier.arrive $0xFFFF  }
0x110: {  	s19 =	rddreg [dreg:$0x15]  }
0x111: {  	_ = 	snop  }
.LBB2_5:
0x112: {  	_ =	swait.ge [sflag:s16], $0x4000  }
0x113: {  	[sflag:s16] =	ssyncset.done $0x0  }
0x114: {  	[sflag:s16] =	ssyncadd.s32 $0xFFFFC000  }
0x115: {  	[spmem:s2] =	stream.indirect.scatter.add.f32 [tilespmem:s12], [sflag:$0x7], $0x80, s8, s31, $0xb8;
	[tilespmem:$0x1BC80] =	vst v63  }
.Ltmp9:
0x116: {  	_ =	swait.ge [sflag:s14], $0x4000;
	(pc) =	sbr.rel @p2 .LBB2_10-.Ltmp9, $4  }
.Ltmp10:
0x117: {  	[sflag:s14] =	ssyncset.done $0x0;
	(pc) =	sbr.rel @!p2 .LBB2_11-.Ltmp10, $4  }
0x118: {  	[sflag:s14] =	ssyncadd.s32 $0xFFFFC000  }
0x119: {  	[bflag:$0x0] =	sbarrier.arrive $0xFFFF  }
0x11a: {  	s19 =	rddreg [dreg:$0x14]  }
0x11b: {  	_ = 	snop  }
.LBB2_12:
0x11c: {  	_ =	sfence.sel $0x180000  }
0x11d: {  	[bflag:$0x0] =	sbarrier.arrive $0xFFFF  }
0x11e: {  	_ =	strace $0x9000004A  }
0x11f: {  	[bflag:$0x2] =	sbarrier.arrive $0xFFFF  }
0x120: {  	p0 =	sne.s32 s1, $0x0;
	s0 =	rddreg [dreg:$0x2]  }
0x121: {  	s0 =	sadd.s32 @!p0 $0x100000, s0  }
0x122: {  	[sflag:s0] =	ssyncadd.tile.s32 @!p0 $0x1;
	_ =	shalt  }
.Lfunc_end2:
_tile_overlayer_lowered:
.L_overlay_start_2:
0x123: {  	(tag) =	ssettag $0x2  }
0x124: {  	s0 =	rddreg [dreg:$0x0];
	s2 =	stileid.u32  }
0x125: {  	s1 =	rddreg [dreg:$0x1];
	p0 =	sne.s32 s2, $0x0  }
0x126: {  	s3 =	rddreg [dreg:$0x2];
	[bflag:$0x3] =	sbarrier.arrive $0xFFFF;
	s2 =	simm.s32 @!p0 $0x1C07  }
0x127: {  	[timem:s3], [sflag:s2] =	dma.local @!p0 [hbm:s0], s1  }
0x128: {  	s0 =	simm.s32 @!p0 $0x7  }
0x129: {  	_ =	swait.ge @!p0 [sflag:s0], s1  }
0x12a: {  	s1 =	ssub.s32 @!p0 $0x0, s1;
	[sflag:s0] =	ssyncset.done @!p0 $0x0  }
0x12b: {  	[sflag:s0] =	ssyncadd.s32 @!p0 s1  }
0x12c: {  	[bflag:$0x3] =	sbarrier.arrive $0xFFFF  }
0x12d: {  	_ =	shalt  }

// kernel: kernel.14.cloned.1.call-start
scs
__scs_entry_jumppad:
0x0: {  	(pc) =	sbr.rel $0x88, $3  }
0x1: {  	(tag) =	ssettag $0x0;
	lr =	simm.s32 $0x1  }
0x2: {  	[smem:$0x3F9B] =	sst lr;
	_ =	strace $0xD0000000  }
0x3: {  	_ = 	snop  }
0x4: {  	_ = 	snop  }
0x5: {  	_ = 	snop  }
0x6: {  	_ = 	snop  }
0x7: {  	_ = 	snop  }
__scs_overlays_trampoline_lowered:
0x8: {  	[smem:$0x3FAA] =	sst s0  }
0x9: {  	[smem:$0x3FAB] =	sst s1  }
0xa: {  	[smem:$0x3FAC] =	sst s2  }
0xb: {  	[smem:$0x3FAD] =	sst s3  }
0xc: {  	[smem:$0x3FAE] =	sst s4  }
0xd: {  	[smem:$0x3FAF] =	sst s5  }
0xe: {  	[smem:$0x3FB0] =	sst s6  }
0xf: {  	[smem:$0x3FB1] =	sst s7  }
0x10: {  	[smem:$0x3FB2] =	sst s8  }
0x11: {  	[smem:$0x3FB3] =	sst s9;
	s0 =	simm.s32 @!p0 $0x0  }
0x12: {  	s1 =	sld [smem:$0x3F99];
	s0 =	simm.s32 @p0 $0x1  }
0x13: {  	[smem:$0x3FB4] =	sst s0;
	s0 =	simm.s32 @!p1 $0x0  }
0x14: {  	s2 =	sld [smem:$0x3F98];
	s0 =	simm.s32 @p1 $0x1  }
0x15: {  	[smem:$0x3FB5] =	sst s0;
	s0 =	simm.s32 @!p2 $0x0  }
0x16: {  	s3 =	sld [smem:$0x3FDB];
	s0 =	simm.s32 @p2 $0x1  }
0x17: {  	s4 =	simm.s32 $0x1BF5;
	[smem:$0x3FB7] =	sst s0  }
0x18: {  	s0 =	sld [smem:$0x3F9A];
	_ =	swait.ge [sflag:s4], $0x0  }
0x19: {  	s7 =	sld [smem:$0x3F9B]  }
0x1a: {  	s8 =	sadd.s32 $0xFFFFE003, lr  }
0x1b: {  	s9 =	sadd.s32 $0xFFFFFEF7, lr;
	s5 =	simm.s32 $0xFFFFFFFF;
	p2 =	slt.u32 s8, $0xFFFFF086  }
0x1c: {  	p1 =	slt.u32 s9, $0xF7A;
	s5 =	simm.s32 @!p2 $0x0  }
0x1d: {  	s5 =	simm.s32 @p1 $0x1;
	p0 =	seq.s32 s7, s2  }
0x1e: {  	s7 =	smul.u32 @!p0 $0xF7A, s2;
	p2 =	seq.s32 @!p0 s5, $0x0  }
0x1f: {  	s9 =	smul.u32 $0xF7A, s1;
	s8 =	simm.s32 @!p0 $0x1BF5;
	p2 =	por !p2, p0  }
0x20: {  	[sflag:s8] =	ssyncset.s32 @!p0 $0xFFFFF086;
	s6 =	sadd.s32 @!p0 s3, s7;
	s7 =	simm.s32 @!p0 $0x108  }
0x21: {  	s3 =	sadd.s32 s3, s9;
	s6 =	sadd.s32 @!p0 $0x88, s6;
	s7 =	simm.s32 @p2 $0x1082  }
0x22: {  	[simem:s7], [sflag:s8] =	dma.local @!p0 [hbm:s6], $0xF7A  }
0x23: {  	s9 =	sor.u32 $0xD0000000, s2;
	s6 =	simm.s32 $0x108;
	_ =	swait.ge @!p0 [sflag:s8], $0x0  }
0x24: {  	s3 =	sadd.s32 $0x88, s3;
	s6 =	simm.s32 @!p1 $0x1082;
	[sflag:s4] =	ssyncset.s32 $0xFFFFF086  }
0x25: {  	[simem:s6], [sflag:s4] =	dma.local [hbm:s3], $0xF7A  }
0x26: {  	[smem:$0x3F9B] =	sst s1;
	(tag) =	ssettag s2;
	_ =	strace s9  }
0x27: {  	s1 =	sld [smem:$0x3FAB]  }
0x28: {  	s2 =	sld [smem:$0x3FAC]  }
0x29: {  	s4 =	sld [smem:$0x3FAE]  }
0x2a: {  	p0 =	seq.s32 s5, $0x0;
	s5 =	sld [smem:$0x3FAF]  }
0x2b: {  	s6 =	sld [smem:$0x3FB0]  }
0x2c: {  	s7 =	sld [smem:$0x3FB1]  }
0x2d: {  	s3 =	simm.s32 $0x108;
	s8 =	sld [smem:$0x3FB2]  }
0x2e: {  	s3 =	simm.s32 @!p0 $0x1082;
	s9 =	sld [smem:$0x3FB3]  }
0x2f: {  	lr =	sadd.s32 s0, s3;
	s0 =	sld [smem:$0x3FAA]  }
0x30: {  	s3 =	sld [smem:$0x3FAD]  }
0x31: {  	[smem:$0x3FB6] =	sst s10  }
0x32: {  	s10 =	sld [smem:$0x3FB4];
	_ =	sdelay $0x3  }
0x33: {  	p0 =	seq.s32 s10, $0x1;
	s10 =	sld [smem:$0x3FB6];
	_ =	sdelay $0x3  }
0x34: {  	[smem:$0x3FB6] =	sst s10  }
0x35: {  	s10 =	sld [smem:$0x3FB5];
	_ =	sdelay $0x3  }
0x36: {  	p1 =	seq.s32 s10, $0x1;
	s10 =	sld [smem:$0x3FB6];
	_ =	sdelay $0x3  }
0x37: {  	[smem:$0x3FB6] =	sst s10  }
0x38: {  	s10 =	sld [smem:$0x3FB7]  }
0x39: {  	_ = 	snop;
	(pc) =	sbr.ind lr, $3  }
0x3a: {  	_ = 	snop  }
0x3b: {  	_ = 	snop  }
0x3c: {  	p2 =	seq.s32 s10, $0x1;
	s10 =	sld [smem:$0x3FB6]  }
0x3d: {  	_ =	shalt  }
0x3e: {  	_ =	shalt  }
0x3f: {  	_ =	shalt  }
0x40: {  	_ =	shalt  }
0x41: {  	_ =	shalt  }
0x42: {  	_ =	shalt  }
0x43: {  	_ =	shalt  }
0x44: {  	_ =	shalt  }
0x45: {  	_ =	shalt  }
0x46: {  	_ =	shalt  }
0x47: {  	_ =	shalt  }
0x48: {  	_ =	shalt  }
0x49: {  	_ =	shalt  }
0x4a: {  	_ =	shalt  }
0x4b: {  	_ =	shalt  }
0x4c: {  	_ =	shalt  }
0x4d: {  	_ =	shalt  }
0x4e: {  	_ =	shalt  }
0x4f: {  	_ =	shalt  }
0x50: {  	_ =	shalt  }
0x51: {  	_ =	shalt  }
0x52: {  	_ =	shalt  }
0x53: {  	_ =	shalt  }
0x54: {  	_ =	shalt  }
0x55: {  	_ =	shalt  }
0x56: {  	_ =	shalt  }
0x57: {  	_ =	shalt  }
0x58: {  	_ =	shalt  }
0x59: {  	_ =	shalt  }
0x5a: {  	_ =	shalt  }
0x5b: {  	_ =	shalt  }
0x5c: {  	_ =	shalt  }
0x5d: {  	_ =	shalt  }
0x5e: {  	_ =	shalt  }
0x5f: {  	_ =	shalt  }
0x60: {  	_ =	shalt  }
0x61: {  	_ =	shalt  }
0x62: {  	_ =	shalt  }
0x63: {  	_ =	shalt  }
0x64: {  	_ =	shalt  }
0x65: {  	_ =	shalt  }
0x66: {  	_ =	shalt  }
0x67: {  	_ =	shalt  }
0x68: {  	_ =	shalt  }
0x69: {  	_ =	shalt  }
0x6a: {  	_ =	shalt  }
0x6b: {  	_ =	shalt  }
0x6c: {  	_ =	shalt  }
0x6d: {  	_ =	shalt  }
0x6e: {  	_ =	shalt  }
0x6f: {  	_ =	shalt  }
0x70: {  	_ =	shalt  }
0x71: {  	_ =	shalt  }
0x72: {  	_ =	shalt  }
0x73: {  	_ =	shalt  }
0x74: {  	_ =	shalt  }
0x75: {  	_ =	shalt  }
0x76: {  	_ =	shalt  }
0x77: {  	_ =	shalt  }
0x78: {  	_ =	shalt  }
0x79: {  	_ =	shalt  }
0x7a: {  	_ =	shalt  }
0x7b: {  	_ =	shalt  }
0x7c: {  	_ =	shalt  }
0x7d: {  	_ =	shalt  }
0x7e: {  	_ =	shalt  }
0x7f: {  	_ =	shalt  }
0x80: {  	_ =	shalt  }
0x81: {  	_ =	shalt  }
0x82: {  	_ =	shalt  }
0x83: {  	_ =	shalt  }
0x84: {  	_ =	shalt  }
0x85: {  	_ =	shalt  }
0x86: {  	_ =	shalt  }
0x87: {  	_ =	shalt  }
.Lfunc_end0:
.L_simem_size_0:
called_computation.2_lowered:
.L_overlay_start_0:
0x88: {  	s2 =	sld [smem:$0x3FD9]  }
0x89: {  	s3 =	sld [smem:$0x3FFE];
	_ =	sdelay $0x1  }
0x8a: {  	s1 =	srdreg.scid  }
0x8b: {  	s0 =	sand.u32 $0x1, s1  }
0x8c: {  	s16 =	sshll.u32 s0, $0xA;
	s2 =	sadd.s32 s3, s2  }
0x8d: {  	s2 =	sadd.s32 s2, s16  }
0x8e: {  	[smem:$0x3FC2] =	sst s2  }
0x8f: {  	_ = 	snop  }
0x90: {  	(tm) =	ssettm $0x1  }
0x91: {  	s17 =	sld [smem:$0x3FFB];
	_ =	sdelay $0x3  }
0x92: {  	_ =	strace s17  }
0x93: {  	s2 =	sld [smem:$0x3FFC];
	_ =	sdelay $0x3  }
0x94: {  	_ =	strace s2  }
0x95: {  	s2 =	sld [smem:$0x3FFD];
	_ =	sdelay $0x3  }
0x96: {  	_ =	strace s2  }
0x97: {  	_ =	strace $0x8FFFFFFF  }
0x98: {  	s18 =	sld [smem:$0x3FDB];
	_ =	sdelay $0x1  }
0x99: {  	s19 =	simm.s32 $_scs_section_size  }
0x9a: {  	s4 =	simm.s32 $_size__tile_overlayer_lowered;
	s5 =	simm.s32 $_tile_overlayer_lowered  }
0x9b: {  	s22 =	simm.s32 $0x1BFF;
	s21 =	sshll.u32 s5, $0x1;
	s2 =	sadd.s32 s19, s18  }
0x9c: {  	s6 =	simm.s32 $0x0;
	s20 =	sshll.u32 s4, $0x1;
	s4 =	sadd.s32 s21, s2  }
0x9d: {  	[timem:s6], [sflag:s22] =	dma.local [hbm:s4], s20  }
0x9e: {  	_ =	swait.ge [sflag:s22], s20  }
0x9f: {  	s3 =	ssub.s32 $0x0, s20;
	[sflag:s22] =	ssyncset.done $0x0  }
0xa0: {  	[sflag:s22] =	ssyncadd.s32 s3;
	_ =	sdelay $0x1  }
0xa1: {  	s23 =	simm.s32 $0x1B8B  }
0xa2: {  	_ =	swait.ge [sflag:s23], $0x1  }
0xa3: {  	[sflag:s23] =	ssyncset.done $0x0  }
0xa4: {  	s25 =	simm.s32 $0x1B8E;
	s24 =	sld [smem:$0x3FFE];
	[sflag:s23] =	ssyncadd.s32 $0xFFFFFFFF  }
0xa5: {  	s26 =	simm.s32 $execute0_lowered;
	[smem:$0x3FD2] =	sst s25  }
0xa6: {  	s4 =	sshll.u32 s26, $0x1;
	_ =	strace $0x8000004C;
	[dreg:$0x1] =	wrdreg $0xFFFFFFFF  }
0xa7: {  	s28 =	simm.s32 $_size_execute0_lowered;
	s2 =	sadd.s32 s2, s4;
	[dreg:$0x0] =	wrdreg $0x0  }
0xa8: {  	s4 =	sshll.u32 s28, $0x1;
	[dreg:$0x2] =	wrdreg s2  }
0xa9: {  	[dreg:$0x3] =	wrdreg s4  }
0xaa: {  	[dreg:$0x4] =	wrdreg $0xC0  }
0xab: {  	_ =	task [dreg:s6], $0x5FFFF  }
0xac: {  	[dreg:$0x1] =	wrdreg $0xFFFFFFFF  }
0xad: {  	[dreg:$0x0] =	wrdreg $0x60  }
0xae: {  	[dreg:$0x2] =	wrdreg s24  }
0xaf: {  	[dreg:$0x3] =	wrdreg $0x84000  }
0xb0: {  	[dreg:$0x4] =	wrdreg $0x9  }
0xb1: {  	_ =	task.clear_ibuf [dreg:s6], $0x5FFFF;
	_ =	strace $0x9000004C  }
0xb2: {  	s29 =	simm.s32 $0x9;
	_ =	strace $0x8000004E  }
0xb3: {  	_ =	swait.ge [sflag:s29], $0x1  }
0xb4: {  	[sflag:s29] =	ssyncadd.s32 $0xFFFFFFFF  }
0xb5: {  	_ =	strace $0x9000004E  }
0xb6: {  	_ =	sfence  }
0xb7: {  	s30 =	sld [smem:$0x0];
	_ =	sdelay $0x2  }
0xb8: {  	s31 =	sshll.u32 s1, $0xD;
	s1 =	sshrl.u32 s1, $0x2  }
0xb9: {  	s3 =	sand.u32 $0x4000, s31;
	s1 =	sadd.s32 s1, s30  }
0xba: {  	s0 =	sor.u32 s3, s0;
	s1 =	sshll.u32 s1, $0x11  }
0xbb: {  	s0 =	sor.u32 s1, s0  }
0xbc: {  	s0 =	sadd.s32 $0x8F2B, s0  }
0xbd: {  	[sflag:s0] =	ssyncadd.remote.s32 $0x1  }
0xbe: {  	_ =	sfence.sel $0xFFFF  }
0xbf: {  	[dreg:$0x0] =	wrdreg $0xFFFFFFFF;
	(pc) =	sbr.abs _section_cstart, $3  }
0xc0: {  	[dreg:$0x1] =	wrdreg $0xFFFFFFFF  }
0xc1: {  	_ =	task.clear_ibuf [dreg:s6], $0x2FFFF;
	_ =	strace $0x9FFFFFFF  }
0xc2: {  	(tm) =	ssettm $0x7FFFFFFF  }
0xc3: {  	_ =	shalt  }
tec
execute0_lowered:
.L_overlay_start_1:
0x0: {  	(tag) =	ssettag $0x1  }
0x1: {  	s0 =	rddreg [dreg:$0x0]  }
0x2: {  	s1 =	rddreg [dreg:$0x1]  }
0x3: {  	s2 =	simm.s32 $0x0;
	s6 =	srdreg.scid;
	s11 =	stileid.u32  }
0x4: {  	s28 =	simm.s32 $0x280;
	s29 =	simm.s32 $0x300;
	s30 =	simm.s32 $0x380  }
0x5: {  	s31 =	simm.s32 $0x1;
	[smem:$0x7FF] =	sst s2;
	s3 =	sadd.s32 $0xD400, s0  }
0x6: {  	s5 =	sadd.s32 $0x34E00, s0;
	s4 =	sadd.s32 $0x8400, s0;
	s9 =	smul.u32 $0x7D000, s11  }
0x7: {  	s7 =	sadd.s32 $0x3400, s0;
	s6 =	sand.u32 $0x1, s6;
	s10 =	smul.u32 $0x2800, s11  }
0x8: {  	s8 =	sadd.s32 $0x5C800, s0;
	s0 =	sadd.s32 $0x83A00, s0;
	s12 =	smul.u32 $0x3E80, s11  }
0x9: {  	s25 =	smul.u32 $0x500, s11;
	p1 =	sgt.u32 s11, $0x9;
	p2 =	slt.u32 s11, $0xA  }
0xa: {  	s11 =	simm.s32 $0x4;
	_ =	strace $0x8000004D;
	[dreg:$0x3] =	wrdreg s8  }
0xb: {  	s13 =	ssub.s32 $0x2, s6;
	[dreg:$0x4] =	wrdreg s0;
	p0 =	seq.s32 s6, $0x1  }
0xc: {  	s14 =	sshrl.u32 s13, $0x1;
	s15 =	sshrl.u32 s9, $0x2;
	s16 =	sshrl.u32 s10, $0x3  }
0xd: {  	s17 =	sadd.s32 s3, s12;
	[dreg:$0x5] =	wrdreg s12;
	s26 =	sadd.s32 s5, s12  }
0xe: {  	s12 =	simm.s32 $0x0;
	s0 =	ssub.s32 s13, s14;
	[dreg:$0x6] =	wrdreg s17  }
0xf: {  	s9 =	sadd.s32 s15, s1;
	s18 =	sadd.s32 s4, s16;
	[dreg:$0xf] =	wrdreg s26  }
0x10: {  	s19 =	sor.u32 $0x10, s16;
	s10 =	sadd.s32 s7, s16;
	[dreg:$0x7] =	wrdreg s18  }
0x11: {  	s21 =	sor.u32 $0x20, s16;
	[dreg:$0x8] =	wrdreg s10;
	s20 =	sadd.s32 s4, s19  }
0x12: {  	s6 =	sor.u32 $0x30, s16;
	s8 =	sadd.s32 s7, s19;
	[dreg:$0x9] =	wrdreg s20  }
0x13: {  	s26 =	simm.s32 $0x200;
	s22 =	sadd.s32 s4, s21;
	[dreg:$0xa] =	wrdreg s8  }
0x14: {  	s23 =	sadd.s32 s7, s21;
	s24 =	sadd.s32 s4, s6;
	[dreg:$0xb] =	wrdreg s22  }
0x15: {  	s6 =	sadd.s32 s7, s6;
	s21 =	sadd.s32 s25, s7;
	[dreg:$0xc] =	wrdreg s23  }
.Ltmp0:
0x16: {  	s7 =	simm.s32 $0x4400;
	[dreg:$0xd] =	wrdreg s24;
	(pc) =	sbr.rel .LBB2_1-.Ltmp0, $4  }
0x17: {  	s10 =	simm.s32 $0x5;
	s19 =	simm.s32 $0x7;
	[dreg:$0xe] =	wrdreg s6  }
0x18: {  	s20 =	smax.u32 s0, $0x1;
	s22 =	sadd.s32 s25, s4;
	s23 =	simm.s32 $0x80  }
0x19: {  	s24 =	simm.s32 $0x100;
	s25 =	simm.s32 $0x180;
	s0 =	simm.s32 $0x400  }
0x1a: {  	s6 =	simm.s32 $0x2;
	s8 =	simm.s32 $0x3;
	s4 =	simm.s32 $0x6  }
.LBB2_10:
0x1b: {  	s14 =	stileid.u32  }
0x1c: {  	s15 =	rddreg [dreg:$0x5];
	s14 =	sshll.u32 s14, $0x6  }
0x1d: {  	s18 =	sshrl.u32 s9, $0x3;
	s13 =	sadd.s32 s13, s15;
	s14 =	sor.u32 $0x1C07, s14  }
0x1e: {  	[hbm:s13], [sflag:s14] =	dma.local [spmem:s18], $0x3E80  }
0x1f: {  	_ =	swait.ge [sflag:s19], $0x3E80  }
0x20: {  	[sflag:s19] =	ssyncset.done $0x0  }
0x21: {  	[sflag:s19] =	ssyncadd.s32 $0xFFFFC180  }
.LBB2_11:
0x22: {  	s12 =	sadd.s32 $0x1, s12  }
0x23: {  	p3 =	sne.s32 s12, s20  }
.Ltmp1:
0x24: {  	_ = 	snop;
	(pc) =	sbr.rel @!p3 .LBB2_12-.Ltmp1, $1  }
0x25: {  	_ =	sdelay $0x3  }
.LBB2_1:
.Ltmp2:
0x26: {  	(pc) =	sbr.rel @!p0 .LBB2_2-.Ltmp2, $4  }
0x27: {  	_ = 	snop  }
0x28: {  	s13 =	stileid.u32  }
0x29: {  	s14 =	sshll.u32 @!p1 s13, $0x6  }
0x2a: {  	s13 =	sshrl.u32 @!p1 s9, $0x3;
	s14 =	sor.u32 @!p1 $0x1C07, s14  }
0x2b: {  	s15 =	rddreg [dreg:$0xf]  }
0x2c: {  	[spmem:s13], [sflag:s14] =	dma.local @!p1 [hbm:s15], $0x3E80  }
0x2d: {  	s13 =	simm.s32 @!p1 $0x7  }
0x2e: {  	_ =	swait.ge @!p1 [sflag:s13], $0x3E80  }
0x2f: {  	[sflag:s13] =	ssyncset.done @!p1 $0x0  }
0x30: {  	[sflag:s13] =	ssyncadd.s32 @!p1 $0xFFFFC180  }
0x31: {  	[bflag:$0x0] =	sbarrier.arrive $0xFFFF  }
0x32: {  	s13 =	simm.s32 $0x0;
	s15 =	rddreg [dreg:$0x7]  }
0x33: {  	[tilespmem:s13], [sflag:$0x1] =	stream.linear.gather [hbm4b:s15+s13], $0x80, $0x38;
	[tilespmem:$0x1BC80] =	vst v63  }
0x34: {  	s16 =	rddreg [dreg:$0x8]  }
0x35: {  	[tilespmem:s23], [sflag:$0x1] =	stream.linear.gather [hbm4b:s16+s13], $0x80, $0x38;
	[tilespmem:$0x1BC80] =	vst v63  }
0x36: {  	s17 =	rddreg [dreg:$0x9]  }
0x37: {  	[tilespmem:s24], [sflag:$0x2] =	stream.linear.gather [hbm4b:s17+s13], $0x80, $0x38;
	[tilespmem:$0x1BC80] =	vst v63  }
0x38: {  	s18 =	rddreg [dreg:$0xa]  }
0x39: {  	[tilespmem:s25], [sflag:$0x2] =	stream.linear.gather [hbm4b:s18+s13], $0x80, $0x38;
	[tilespmem:$0x1BC80] =	vst v63  }
0x3a: {  	s15 =	rddreg [dreg:$0xb]  }
0x3b: {  	[tilespmem:s26], [sflag:$0x3] =	stream.linear.gather [hbm4b:s15+s13], $0x80, $0x38;
	[tilespmem:$0x1BC80] =	vst v63  }
0x3c: {  	s16 =	rddreg [dreg:$0xc]  }
0x3d: {  	[tilespmem:s28], [sflag:$0x3] =	stream.linear.gather [hbm4b:s16+s13], $0x80, $0x38;
	[tilespmem:$0x1BC80] =	vst v63  }
0x3e: {  	s17 =	rddreg [dreg:$0xd]  }
0x3f: {  	[tilespmem:s29], [sflag:$0x4] =	stream.linear.gather [hbm4b:s17+s13], $0x80, $0x38;
	[tilespmem:$0x1BC80] =	vst v63  }
0x40: {  	s18 =	rddreg [dreg:$0xe]  }
0x41: {  	[tilespmem:s30], [sflag:$0x4] =	stream.linear.gather [hbm4b:s18+s13], $0x80, $0x38;
	[tilespmem:$0x1BC80] =	vst v63  }
0x42: {  	_ =	swait.ge [sflag:s31], $0x80  }
0x43: {  	[sflag:s31] =	ssyncset.done $0x0  }
0x44: {  	[sflag:s31] =	ssyncadd.s32 $0xFFFFFF80  }
0x45: {  	_ =	swait.ge [sflag:s31], $0x80  }
0x46: {  	[sflag:s31] =	ssyncset.done $0x0  }
0x47: {  	[sflag:s31] =	ssyncadd.s32 $0xFFFFFF80  }
0x48: {  	[tilespmem:s0], [sflag:$0x5] =	stream.indirect.gather [hbm4b:s5+s23], $0x80, s13, s23, $0xb8;
	[tilespmem:$0x1BC80] =	vst v63  }
0x49: {  	_ =	swait.ge [sflag:s6], $0x80  }
0x4a: {  	[sflag:s6] =	ssyncset.done $0x0  }
0x4b: {  	[sflag:s6] =	ssyncadd.s32 $0xFFFFFF80  }
0x4c: {  	_ =	swait.ge [sflag:s6], $0x80  }
0x4d: {  	[sflag:s6] =	ssyncset.done $0x0  }
0x4e: {  	[sflag:s6] =	ssyncadd.s32 $0xFFFFFF80  }
0x4f: {  	[tilespmem:s7], [sflag:$0x6] =	stream.indirect.gather [hbm4b:s5+s23], $0x80, s24, s23, $0xb8;
	[tilespmem:$0x1BC80] =	vst v63  }
.LBB2_7:
0x50: {  	_ =	swait.ge [sflag:s10], $0x4000  }
0x51: {  	[sflag:s10] =	ssyncset.done $0x0  }
0x52: {  	[sflag:s10] =	ssyncadd.s32 $0xFFFFC000  }
0x53: {  	[spmem:s1] =	stream.indirect.scatter.add.f32 [tilespmem:s0], [sflag:$0x7], $0x80, s23, s23, $0xb8;
	[tilespmem:$0x1BC80] =	vst v63  }
0x54: {  	p3 =	seq.s32 s13, $0x4C0;
	_ =	swait.ge [sflag:s19], $0x4000  }
0x55: {  	s14 =	sadd.s32 @!p3 s13, s22;
	[sflag:s19] =	ssyncset.done $0x0  }
0x56: {  	s16 =	simm.s32 @!p3 $0x0;
	s15 =	sadd.s32 @!p3 $0x40, s14;
	[sflag:s19] =	ssyncadd.s32 $0xFFFFC000  }
0x57: {  	[tilespmem:s16], [sflag:$0x1] =	stream.linear.gather @!p3 [hbm4b:s15+s16], $0x80, $0x38;
	[tilespmem:$0x1BC80] =	vst v63  }
0x58: {  	s15 =	sadd.s32 @!p3 s13, s21  }
0x59: {  	s18 =	simm.s32 @!p3 $0x80;
	s17 =	sadd.s32 @!p3 $0x40, s15  }
0x5a: {  	[tilespmem:s18], [sflag:$0x1] =	stream.linear.gather @!p3 [hbm4b:s17+s16], $0x80, $0x38;
	[tilespmem:$0x1BC80] =	vst v63  }
0x5b: {  	_ =	swait.ge [sflag:s8], $0x80  }
0x5c: {  	[sflag:s8] =	ssyncset.done $0x0  }
0x5d: {  	[sflag:s8] =	ssyncadd.s32 $0xFFFFFF80  }
0x5e: {  	_ =	swait.ge [sflag:s8], $0x80  }
0x5f: {  	[sflag:s8] =	ssyncset.done $0x0  }
0x60: {  	[sflag:s8] =	ssyncadd.s32 $0xFFFFFF80  }
0x61: {  	[tilespmem:s0], [sflag:$0x5] =	stream.indirect.gather [hbm4b:s5+s23], $0x80, s26, s23, $0xb8;
	[tilespmem:$0x1BC80] =	vst v63  }
0x62: {  	_ =	swait.ge [sflag:s4], $0x4000  }
0x63: {  	[sflag:s4] =	ssyncset.done $0x0  }
0x64: {  	[sflag:s4] =	ssyncadd.s32 $0xFFFFC000  }
0x65: {  	[spmem:s1] =	stream.indirect.scatter.add.f32 [tilespmem:s7], [sflag:$0x7], $0x80, s25, s23, $0xb8;
	[tilespmem:$0x1BC80] =	vst v63  }
0x66: {  	_ =	swait.ge [sflag:s19], $0x4000  }
0x67: {  	[sflag:s19] =	ssyncset.done $0x0  }
0x68: {  	s14 =	sadd.s32 @!p3 $0x50, s14;
	s17 =	simm.s32 @!p3 $0x100;
	[sflag:s19] =	ssyncadd.s32 $0xFFFFC000  }
0x69: {  	[tilespmem:s17], [sflag:$0x2] =	stream.linear.gather @!p3 [hbm4b:s14+s16], $0x80, $0x38;
	[tilespmem:$0x1BC80] =	vst v63  }
0x6a: {  	s14 =	sadd.s32 @!p3 $0x50, s15;
	s15 =	simm.s32 @!p3 $0x180  }
0x6b: {  	[tilespmem:s15], [sflag:$0x2] =	stream.linear.gather @!p3 [hbm4b:s14+s16], $0x80, $0x38;
	[tilespmem:$0x1BC80] =	vst v63  }
0x6c: {  	_ =	swait.ge [sflag:s11], $0x80  }
0x6d: {  	[sflag:s11] =	ssyncset.done $0x0  }
0x6e: {  	[sflag:s11] =	ssyncadd.s32 $0xFFFFFF80  }
0x6f: {  	_ =	swait.ge [sflag:s11], $0x80  }
0x70: {  	[sflag:s11] =	ssyncset.done $0x0  }
0x71: {  	[sflag:s11] =	ssyncadd.s32 $0xFFFFFF80  }
0x72: {  	[tilespmem:s7], [sflag:$0x6] =	stream.indirect.gather [hbm4b:s5+s23], $0x80, s29, s23, $0xb8;
	[tilespmem:$0x1BC80] =	vst v63  }
0x73: {  	_ =	swait.ge [sflag:s10], $0x4000  }
0x74: {  	[sflag:s10] =	ssyncset.done $0x0  }
.Ltmp3:
0x75: {  	[sflag:s10] =	ssyncadd.s32 $0xFFFFC000;
	(pc) =	sbr.rel @p3 .LBB2_9-.Ltmp3, $4  }
0x76: {  	[spmem:s1] =	stream.indirect.scatter.add.f32 [tilespmem:s0], [sflag:$0x7], $0x80, s28, s23, $0xb8;
	[tilespmem:$0x1BC80] =	vst v63  }
0x77: {  	_ =	swait.ge [sflag:s19], $0x4000  }
0x78: {  	[sflag:s19] =	ssyncset.done $0x0  }
0x79: {  	[sflag:s19] =	ssyncadd.s32 $0xFFFFC000  }
0x7a: {  	s14 =	sadd.s32 s13, s22  }
0x7b: {  	s17 =	sadd.s32 s13, s21;
	s15 =	sadd.s32 $0x60, s14  }
0x7c: {  	[tilespmem:s26], [sflag:$0x3] =	stream.linear.gather [hbm4b:s15+s2], $0x80, $0x38;
	[tilespmem:$0x1BC80] =	vst v63  }
0x7d: {  	s16 =	sadd.s32 $0x60, s17  }
0x7e: {  	[tilespmem:s28], [sflag:$0x3] =	stream.linear.gather [hbm4b:s16+s2], $0x80, $0x38;
	[tilespmem:$0x1BC80] =	vst v63  }
0x7f: {  	_ =	swait.ge [sflag:s31], $0x80  }
0x80: {  	[sflag:s31] =	ssyncset.done $0x0  }
0x81: {  	[sflag:s31] =	ssyncadd.s32 $0xFFFFFF80  }
0x82: {  	_ =	swait.ge [sflag:s31], $0x80  }
0x83: {  	[sflag:s31] =	ssyncset.done $0x0  }
0x84: {  	[sflag:s31] =	ssyncadd.s32 $0xFFFFFF80  }
0x85: {  	[tilespmem:s0], [sflag:$0x5] =	stream.indirect.gather [hbm4b:s5+s23], $0x80, s2, s23, $0xb8;
	[tilespmem:$0x1BC80] =	vst v63  }
0x86: {  	_ =	swait.ge [sflag:s4], $0x4000  }
0x87: {  	[sflag:s4] =	ssyncset.done $0x0  }
0x88: {  	[sflag:s4] =	ssyncadd.s32 $0xFFFFC000  }
0x89: {  	[spmem:s1] =	stream.indirect.scatter.add.f32 [tilespmem:s7], [sflag:$0x7], $0x80, s30, s23, $0xb8;
	[tilespmem:$0x1BC80] =	vst v63  }
0x8a: {  	_ =	swait.ge [sflag:s19], $0x4000  }
0x8b: {  	[sflag:s19] =	ssyncset.done $0x0  }
0x8c: {  	s14 =	sadd.s32 $0x70, s14;
	[sflag:s19] =	ssyncadd.s32 $0xFFFFC000  }
0x8d: {  	[tilespmem:s29], [sflag:$0x4] =	stream.linear.gather [hbm4b:s14+s2], $0x80, $0x38;
	[tilespmem:$0x1BC80] =	vst v63  }
0x8e: {  	s18 =	sadd.s32 $0x70, s17  }
0x8f: {  	[tilespmem:s30], [sflag:$0x4] =	stream.linear.gather [hbm4b:s18+s2], $0x80, $0x38;
	[tilespmem:$0x1BC80] =	vst v63  }
0x90: {  	_ =	swait.ge [sflag:s6], $0x80  }
0x91: {  	[sflag:s6] =	ssyncset.done $0x0  }
.Ltmp4:
0x92: {  	[sflag:s6] =	ssyncadd.s32 $0xFFFFFF80;
	(pc) =	sbr.rel .LBB2_7-.Ltmp4, $4  }
0x93: {  	_ =	swait.ge [sflag:s6], $0x80  }
0x94: {  	[sflag:s6] =	ssyncset.done $0x0  }
0x95: {  	s13 =	sadd.s32 $0x40, s13;
	[sflag:s6] =	ssyncadd.s32 $0xFFFFFF80  }
0x96: {  	[tilespmem:s7], [sflag:$0x6] =	stream.indirect.gather [hbm4b:s5+s23], $0x80, s24, s23, $0xb8;
	[tilespmem:$0x1BC80] =	vst v63  }
.LBB2_2:
0x97: {  	s15 =	rddreg [dreg:$0x6]  }
0x98: {  	[spmem:s13], [sflag:s14] =	dma.local @!p1 [hbm:s15], $0x3E80  }
0x99: {  	s13 =	simm.s32 @!p1 $0x7  }
0x9a: {  	_ =	swait.ge @!p1 [sflag:s13], $0x3E80  }
0x9b: {  	[sflag:s13] =	ssyncset.done @!p1 $0x0  }
0x9c: {  	[sflag:s13] =	ssyncadd.s32 @!p1 $0xFFFFC180  }
0x9d: {  	[bflag:$0x0] =	sbarrier.arrive $0xFFFF  }
0x9e: {  	s13 =	simm.s32 $0x0;
	s15 =	rddreg [dreg:$0x7]  }
0x9f: {  	[tilespmem:s13], [sflag:$0x1] =	stream.linear.gather [hbm4b:s15+s13], $0x80, $0x38;
	[tilespmem:$0x1BC80] =	vst v63  }
0xa0: {  	s16 =	rddreg [dreg:$0x8]  }
0xa1: {  	[tilespmem:s23], [sflag:$0x1] =	stream.linear.gather [hbm4b:s16+s13], $0x80, $0x38;
	[tilespmem:$0x1BC80] =	vst v63  }
0xa2: {  	s17 =	rddreg [dreg:$0x9]  }
0xa3: {  	[tilespmem:s24], [sflag:$0x2] =	stream.linear.gather [hbm4b:s17+s13], $0x80, $0x38;
	[tilespmem:$0x1BC80] =	vst v63  }
0xa4: {  	s18 =	rddreg [dreg:$0xa]  }
0xa5: {  	[tilespmem:s25], [sflag:$0x2] =	stream.linear.gather [hbm4b:s18+s13], $0x80, $0x38;
	[tilespmem:$0x1BC80] =	vst v63  }
0xa6: {  	s15 =	rddreg [dreg:$0xb]  }
0xa7: {  	[tilespmem:s26], [sflag:$0x3] =	stream.linear.gather [hbm4b:s15+s13], $0x80, $0x38;
	[tilespmem:$0x1BC80] =	vst v63  }
0xa8: {  	s16 =	rddreg [dreg:$0xc]  }
0xa9: {  	[tilespmem:s28], [sflag:$0x3] =	stream.linear.gather [hbm4b:s16+s13], $0x80, $0x38;
	[tilespmem:$0x1BC80] =	vst v63  }
0xaa: {  	s17 =	rddreg [dreg:$0xd]  }
0xab: {  	[tilespmem:s29], [sflag:$0x4] =	stream.linear.gather [hbm4b:s17+s13], $0x80, $0x38;
	[tilespmem:$0x1BC80] =	vst v63  }
0xac: {  	s18 =	rddreg [dreg:$0xe]  }
0xad: {  	[tilespmem:s30], [sflag:$0x4] =	stream.linear.gather [hbm4b:s18+s13], $0x80, $0x38;
	[tilespmem:$0x1BC80] =	vst v63  }
0xae: {  	_ =	swait.ge [sflag:s31], $0x80  }
0xaf: {  	[sflag:s31] =	ssyncset.done $0x0  }
0xb0: {  	[sflag:s31] =	ssyncadd.s32 $0xFFFFFF80  }
0xb1: {  	_ =	swait.ge [sflag:s31], $0x80  }
0xb2: {  	[sflag:s31] =	ssyncset.done $0x0  }
0xb3: {  	[sflag:s31] =	ssyncadd.s32 $0xFFFFFF80  }
0xb4: {  	[tilespmem:s0], [sflag:$0x5] =	stream.indirect.gather [hbm4b:s3+s23], $0x80, s13, s23, $0xb8;
	[tilespmem:$0x1BC80] =	vst v63  }
0xb5: {  	_ =	swait.ge [sflag:s6], $0x80  }
0xb6: {  	[sflag:s6] =	ssyncset.done $0x0  }
0xb7: {  	[sflag:s6] =	ssyncadd.s32 $0xFFFFFF80  }
0xb8: {  	_ =	swait.ge [sflag:s6], $0x80  }
0xb9: {  	[sflag:s6] =	ssyncset.done $0x0  }
0xba: {  	[sflag:s6] =	ssyncadd.s32 $0xFFFFFF80  }
0xbb: {  	[tilespmem:s7], [sflag:$0x6] =	stream.indirect.gather [hbm4b:s3+s23], $0x80, s24, s23, $0xb8;
	[tilespmem:$0x1BC80] =	vst v63  }
.LBB2_3:
0xbc: {  	_ =	swait.ge [sflag:s10], $0x4000  }
0xbd: {  	[sflag:s10] =	ssyncset.done $0x0  }
0xbe: {  	[sflag:s10] =	ssyncadd.s32 $0xFFFFC000  }
0xbf: {  	[spmem:s1] =	stream.indirect.scatter.add.f32 [tilespmem:s0], [sflag:$0x7], $0x80, s23, s23, $0xb8;
	[tilespmem:$0x1BC80] =	vst v63  }
0xc0: {  	p3 =	seq.s32 s13, $0x4C0;
	_ =	swait.ge [sflag:s19], $0x4000  }
0xc1: {  	s14 =	sadd.s32 @!p3 s13, s22;
	[sflag:s19] =	ssyncset.done $0x0  }
0xc2: {  	s16 =	simm.s32 @!p3 $0x0;
	s15 =	sadd.s32 @!p3 $0x40, s14;
	[sflag:s19] =	ssyncadd.s32 $0xFFFFC000  }
0xc3: {  	[tilespmem:s16], [sflag:$0x1] =	stream.linear.gather @!p3 [hbm4b:s15+s16], $0x80, $0x38;
	[tilespmem:$0x1BC80] =	vst v63  }
0xc4: {  	s15 =	sadd.s32 @!p3 s13, s21  }
0xc5: {  	s18 =	simm.s32 @!p3 $0x80;
	s17 =	sadd.s32 @!p3 $0x40, s15  }
0xc6: {  	[tilespmem:s18], [sflag:$0x1] =	stream.linear.gather @!p3 [hbm4b:s17+s16], $0x80, $0x38;
	[tilespmem:$0x1BC80] =	vst v63  }
0xc7: {  	_ =	swait.ge [sflag:s8], $0x80  }
0xc8: {  	[sflag:s8] =	ssyncset.done $0x0  }
0xc9: {  	[sflag:s8] =	ssyncadd.s32 $0xFFFFFF80  }
0xca: {  	_ =	swait.ge [sflag:s8], $0x80  }
0xcb: {  	[sflag:s8] =	ssyncset.done $0x0  }
0xcc: {  	[sflag:s8] =	ssyncadd.s32 $0xFFFFFF80  }
0xcd: {  	[tilespmem:s0], [sflag:$0x5] =	stream.indirect.gather [hbm4b:s3+s23], $0x80, s26, s23, $0xb8;
	[tilespmem:$0x1BC80] =	vst v63  }
0xce: {  	_ =	swait.ge [sflag:s4], $0x4000  }
0xcf: {  	[sflag:s4] =	ssyncset.done $0x0  }
0xd0: {  	[sflag:s4] =	ssyncadd.s32 $0xFFFFC000  }
0xd1: {  	[spmem:s1] =	stream.indirect.scatter.add.f32 [tilespmem:s7], [sflag:$0x7], $0x80, s25, s23, $0xb8;
	[tilespmem:$0x1BC80] =	vst v63  }
0xd2: {  	_ =	swait.ge [sflag:s19], $0x4000  }
0xd3: {  	[sflag:s19] =	ssyncset.done $0x0  }
0xd4: {  	s14 =	sadd.s32 @!p3 $0x50, s14;
	s17 =	simm.s32 @!p3 $0x100;
	[sflag:s19] =	ssyncadd.s32 $0xFFFFC000  }
0xd5: {  	[tilespmem:s17], [sflag:$0x2] =	stream.linear.gather @!p3 [hbm4b:s14+s16], $0x80, $0x38;
	[tilespmem:$0x1BC80] =	vst v63  }
0xd6: {  	s14 =	sadd.s32 @!p3 $0x50, s15;
	s15 =	simm.s32 @!p3 $0x180  }
0xd7: {  	[tilespmem:s15], [sflag:$0x2] =	stream.linear.gather @!p3 [hbm4b:s14+s16], $0x80, $0x38;
	[tilespmem:$0x1BC80] =	vst v63  }
0xd8: {  	_ =	swait.ge [sflag:s11], $0x80  }
0xd9: {  	[sflag:s11] =	ssyncset.done $0x0  }
0xda: {  	[sflag:s11] =	ssyncadd.s32 $0xFFFFFF80  }
0xdb: {  	_ =	swait.ge [sflag:s11], $0x80  }
0xdc: {  	[sflag:s11] =	ssyncset.done $0x0  }
0xdd: {  	[sflag:s11] =	ssyncadd.s32 $0xFFFFFF80  }
0xde: {  	[tilespmem:s7], [sflag:$0x6] =	stream.indirect.gather [hbm4b:s3+s23], $0x80, s29, s23, $0xb8;
	[tilespmem:$0x1BC80] =	vst v63  }
0xdf: {  	_ =	swait.ge [sflag:s10], $0x4000  }
0xe0: {  	[sflag:s10] =	ssyncset.done $0x0  }
.Ltmp5:
0xe1: {  	[sflag:s10] =	ssyncadd.s32 $0xFFFFC000;
	(pc) =	sbr.rel @p3 .LBB2_5-.Ltmp5, $4  }
0xe2: {  	[spmem:s1] =	stream.indirect.scatter.add.f32 [tilespmem:s0], [sflag:$0x7], $0x80, s28, s23, $0xb8;
	[tilespmem:$0x1BC80] =	vst v63  }
0xe3: {  	_ =	swait.ge [sflag:s19], $0x4000  }
0xe4: {  	[sflag:s19] =	ssyncset.done $0x0  }
0xe5: {  	[sflag:s19] =	ssyncadd.s32 $0xFFFFC000  }
0xe6: {  	s14 =	sadd.s32 s13, s22  }
0xe7: {  	s17 =	sadd.s32 s13, s21;
	s15 =	sadd.s32 $0x60, s14  }
0xe8: {  	[tilespmem:s26], [sflag:$0x3] =	stream.linear.gather [hbm4b:s15+s2], $0x80, $0x38;
	[tilespmem:$0x1BC80] =	vst v63  }
0xe9: {  	s16 =	sadd.s32 $0x60, s17  }
0xea: {  	[tilespmem:s28], [sflag:$0x3] =	stream.linear.gather [hbm4b:s16+s2], $0x80, $0x38;
	[tilespmem:$0x1BC80] =	vst v63  }
0xeb: {  	_ =	swait.ge [sflag:s31], $0x80  }
0xec: {  	[sflag:s31] =	ssyncset.done $0x0  }
0xed: {  	[sflag:s31] =	ssyncadd.s32 $0xFFFFFF80  }
0xee: {  	_ =	swait.ge [sflag:s31], $0x80  }
0xef: {  	[sflag:s31] =	ssyncset.done $0x0  }
0xf0: {  	[sflag:s31] =	ssyncadd.s32 $0xFFFFFF80  }
0xf1: {  	[tilespmem:s0], [sflag:$0x5] =	stream.indirect.gather [hbm4b:s3+s23], $0x80, s2, s23, $0xb8;
	[tilespmem:$0x1BC80] =	vst v63  }
0xf2: {  	_ =	swait.ge [sflag:s4], $0x4000  }
0xf3: {  	[sflag:s4] =	ssyncset.done $0x0  }
0xf4: {  	[sflag:s4] =	ssyncadd.s32 $0xFFFFC000  }
0xf5: {  	[spmem:s1] =	stream.indirect.scatter.add.f32 [tilespmem:s7], [sflag:$0x7], $0x80, s30, s23, $0xb8;
	[tilespmem:$0x1BC80] =	vst v63  }
0xf6: {  	_ =	swait.ge [sflag:s19], $0x4000  }
0xf7: {  	[sflag:s19] =	ssyncset.done $0x0  }
0xf8: {  	s14 =	sadd.s32 $0x70, s14;
	[sflag:s19] =	ssyncadd.s32 $0xFFFFC000  }
0xf9: {  	[tilespmem:s29], [sflag:$0x4] =	stream.linear.gather [hbm4b:s14+s2], $0x80, $0x38;
	[tilespmem:$0x1BC80] =	vst v63  }
0xfa: {  	s18 =	sadd.s32 $0x70, s17  }
0xfb: {  	[tilespmem:s30], [sflag:$0x4] =	stream.linear.gather [hbm4b:s18+s2], $0x80, $0x38;
	[tilespmem:$0x1BC80] =	vst v63  }
0xfc: {  	_ =	swait.ge [sflag:s6], $0x80  }
0xfd: {  	[sflag:s6] =	ssyncset.done $0x0  }
.Ltmp6:
0xfe: {  	[sflag:s6] =	ssyncadd.s32 $0xFFFFFF80;
	(pc) =	sbr.rel .LBB2_3-.Ltmp6, $4  }
0xff: {  	_ =	swait.ge [sflag:s6], $0x80  }
0x100: {  	[sflag:s6] =	ssyncset.done $0x0  }
0x101: {  	s13 =	sadd.s32 $0x40, s13;
	[sflag:s6] =	ssyncadd.s32 $0xFFFFFF80  }
0x102: {  	[tilespmem:s7], [sflag:$0x6] =	stream.indirect.gather [hbm4b:s3+s23], $0x80, s24, s23, $0xb8;
	[tilespmem:$0x1BC80] =	vst v63  }
.LBB2_9:
0x103: {  	_ =	swait.ge [sflag:s4], $0x4000  }
0x104: {  	[sflag:s4] =	ssyncset.done $0x0  }
0x105: {  	[sflag:s4] =	ssyncadd.s32 $0xFFFFC000  }
0x106: {  	[spmem:s1] =	stream.indirect.scatter.add.f32 [tilespmem:s7], [sflag:$0x7], $0x80, s30, s23, $0xb8;
	[tilespmem:$0x1BC80] =	vst v63  }
.Ltmp7:
0x107: {  	_ =	swait.ge [sflag:s19], $0x4000;
	(pc) =	sbr.rel @p1 .LBB2_11-.Ltmp7, $4  }
.Ltmp8:
0x108: {  	[sflag:s19] =	ssyncset.done $0x0;
	(pc) =	sbr.rel @!p1 .LBB2_10-.Ltmp8, $4  }
0x109: {  	[sflag:s19] =	ssyncadd.s32 $0xFFFFC000  }
0x10a: {  	[bflag:$0x0] =	sbarrier.arrive $0xFFFF  }
0x10b: {  	s13 =	rddreg [dreg:$0x4]  }
0x10c: {  	_ = 	snop  }
.LBB2_5:
0x10d: {  	_ =	swait.ge [sflag:s4], $0x4000  }
0x10e: {  	[sflag:s4] =	ssyncset.done $0x0  }
0x10f: {  	[sflag:s4] =	ssyncadd.s32 $0xFFFFC000  }
0x110: {  	[spmem:s1] =	stream.indirect.scatter.add.f32 [tilespmem:s7], [sflag:$0x7], $0x80, s30, s23, $0xb8;
	[tilespmem:$0x1BC80] =	vst v63  }
.Ltmp9:
0x111: {  	_ =	swait.ge [sflag:s19], $0x4000;
	(pc) =	sbr.rel @p2 .LBB2_10-.Ltmp9, $4  }
.Ltmp10:
0x112: {  	[sflag:s19] =	ssyncset.done $0x0;
	(pc) =	sbr.rel @!p2 .LBB2_11-.Ltmp10, $4  }
0x113: {  	[sflag:s19] =	ssyncadd.s32 $0xFFFFC000  }
0x114: {  	[bflag:$0x0] =	sbarrier.arrive $0xFFFF  }
0x115: {  	s13 =	rddreg [dreg:$0x3]  }
0x116: {  	_ = 	snop  }
.LBB2_12:
0x117: {  	_ =	sfence.sel $0x180000  }
0x118: {  	[bflag:$0x0] =	sbarrier.arrive $0xFFFF  }
0x119: {  	_ =	strace $0x9000004D  }
0x11a: {  	s0 =	stileid.u32;
	[bflag:$0x2] =	sbarrier.arrive $0xFFFF  }
0x11b: {  	p0 =	sne.s32 s0, $0x0;
	s0 =	rddreg [dreg:$0x2]  }
0x11c: {  	s0 =	sadd.s32 @!p0 $0x100000, s0  }
0x11d: {  	[sflag:s0] =	ssyncadd.tile.s32 @!p0 $0x1;
	_ =	shalt  }
.Lfunc_end2:
_tile_overlayer_lowered:
.L_overlay_start_2:
0x11e: {  	(tag) =	ssettag $0x2  }
0x11f: {  	s0 =	rddreg [dreg:$0x0];
	s2 =	stileid.u32  }
0x120: {  	s1 =	rddreg [dreg:$0x1];
	p0 =	sne.s32 s2, $0x0  }
0x121: {  	s3 =	rddreg [dreg:$0x2];
	[bflag:$0x3] =	sbarrier.arrive $0xFFFF;
	s2 =	simm.s32 @!p0 $0x1C07  }
0x122: {  	[timem:s3], [sflag:s2] =	dma.local @!p0 [hbm:s0], s1  }
0x123: {  	s0 =	simm.s32 @!p0 $0x7  }
0x124: {  	_ =	swait.ge @!p0 [sflag:s0], s1  }
0x125: {  	s1 =	ssub.s32 @!p0 $0x0, s1;
	[sflag:s0] =	ssyncset.done @!p0 $0x0  }
0x126: {  	[sflag:s0] =	ssyncadd.s32 @!p0 s1  }
0x127: {  	[bflag:$0x3] =	sbarrier.arrive $0xFFFF  }
0x128: {  	_ =	shalt  }

// kernel: kernel.8.cloned.1.call-start
scs
__scs_entry_jumppad:
0x0: {  	(pc) =	sbr.rel $0x88, $3  }
0x1: {  	(tag) =	ssettag $0x0;
	lr =	simm.s32 $0x1  }
0x2: {  	[smem:$0x3F9B] =	sst lr;
	_ =	strace $0xD0000000  }
0x3: {  	_ = 	snop  }
0x4: {  	_ = 	snop  }
0x5: {  	_ = 	snop  }
0x6: {  	_ = 	snop  }
0x7: {  	_ = 	snop  }
__scs_overlays_trampoline_lowered:
0x8: {  	[smem:$0x3FAA] =	sst s0  }
0x9: {  	[smem:$0x3FAB] =	sst s1  }
0xa: {  	[smem:$0x3FAC] =	sst s2  }
0xb: {  	[smem:$0x3FAD] =	sst s3  }
0xc: {  	[smem:$0x3FAE] =	sst s4  }
0xd: {  	[smem:$0x3FAF] =	sst s5  }
0xe: {  	[smem:$0x3FB0] =	sst s6  }
0xf: {  	[smem:$0x3FB1] =	sst s7  }
0x10: {  	[smem:$0x3FB2] =	sst s8  }
0x11: {  	[smem:$0x3FB3] =	sst s9;
	s0 =	simm.s32 @!p0 $0x0  }
0x12: {  	s1 =	sld [smem:$0x3F99];
	s0 =	simm.s32 @p0 $0x1  }
0x13: {  	[smem:$0x3FB4] =	sst s0;
	s0 =	simm.s32 @!p1 $0x0  }
0x14: {  	s2 =	sld [smem:$0x3F98];
	s0 =	simm.s32 @p1 $0x1  }
0x15: {  	[smem:$0x3FB5] =	sst s0;
	s0 =	simm.s32 @!p2 $0x0  }
0x16: {  	s3 =	sld [smem:$0x3FDB];
	s0 =	simm.s32 @p2 $0x1  }
0x17: {  	s4 =	simm.s32 $0x1BF5;
	[smem:$0x3FB7] =	sst s0  }
0x18: {  	s0 =	sld [smem:$0x3F9A];
	_ =	swait.ge [sflag:s4], $0x0  }
0x19: {  	s7 =	sld [smem:$0x3F9B]  }
0x1a: {  	s8 =	sadd.s32 $0xFFFFE003, lr  }
0x1b: {  	s9 =	sadd.s32 $0xFFFFFEF7, lr;
	s5 =	simm.s32 $0xFFFFFFFF;
	p2 =	slt.u32 s8, $0xFFFFF086  }
0x1c: {  	p1 =	slt.u32 s9, $0xF7A;
	s5 =	simm.s32 @!p2 $0x0  }
0x1d: {  	s5 =	simm.s32 @p1 $0x1;
	p0 =	seq.s32 s7, s2  }
0x1e: {  	s7 =	smul.u32 @!p0 $0xF7A, s2;
	p2 =	seq.s32 @!p0 s5, $0x0  }
0x1f: {  	s9 =	smul.u32 $0xF7A, s1;
	s8 =	simm.s32 @!p0 $0x1BF5;
	p2 =	por !p2, p0  }
0x20: {  	[sflag:s8] =	ssyncset.s32 @!p0 $0xFFFFF086;
	s6 =	sadd.s32 @!p0 s3, s7;
	s7 =	simm.s32 @!p0 $0x108  }
0x21: {  	s3 =	sadd.s32 s3, s9;
	s6 =	sadd.s32 @!p0 $0x88, s6;
	s7 =	simm.s32 @p2 $0x1082  }
0x22: {  	[simem:s7], [sflag:s8] =	dma.local @!p0 [hbm:s6], $0xF7A  }
0x23: {  	s9 =	sor.u32 $0xD0000000, s2;
	s6 =	simm.s32 $0x108;
	_ =	swait.ge @!p0 [sflag:s8], $0x0  }
0x24: {  	s3 =	sadd.s32 $0x88, s3;
	s6 =	simm.s32 @!p1 $0x1082;
	[sflag:s4] =	ssyncset.s32 $0xFFFFF086  }
0x25: {  	[simem:s6], [sflag:s4] =	dma.local [hbm:s3], $0xF7A  }
0x26: {  	[smem:$0x3F9B] =	sst s1;
	(tag) =	ssettag s2;
	_ =	strace s9  }
0x27: {  	s1 =	sld [smem:$0x3FAB]  }
0x28: {  	s2 =	sld [smem:$0x3FAC]  }
0x29: {  	s4 =	sld [smem:$0x3FAE]  }
0x2a: {  	p0 =	seq.s32 s5, $0x0;
	s5 =	sld [smem:$0x3FAF]  }
0x2b: {  	s6 =	sld [smem:$0x3FB0]  }
0x2c: {  	s7 =	sld [smem:$0x3FB1]  }
0x2d: {  	s3 =	simm.s32 $0x108;
	s8 =	sld [smem:$0x3FB2]  }
0x2e: {  	s3 =	simm.s32 @!p0 $0x1082;
	s9 =	sld [smem:$0x3FB3]  }
0x2f: {  	lr =	sadd.s32 s0, s3;
	s0 =	sld [smem:$0x3FAA]  }
0x30: {  	s3 =	sld [smem:$0x3FAD]  }
0x31: {  	[smem:$0x3FB6] =	sst s10  }
0x32: {  	s10 =	sld [smem:$0x3FB4];
	_ =	sdelay $0x3  }
0x33: {  	p0 =	seq.s32 s10, $0x1;
	s10 =	sld [smem:$0x3FB6];
	_ =	sdelay $0x3  }
0x34: {  	[smem:$0x3FB6] =	sst s10  }
0x35: {  	s10 =	sld [smem:$0x3FB5];
	_ =	sdelay $0x3  }
0x36: {  	p1 =	seq.s32 s10, $0x1;
	s10 =	sld [smem:$0x3FB6];
	_ =	sdelay $0x3  }
0x37: {  	[smem:$0x3FB6] =	sst s10  }
0x38: {  	s10 =	sld [smem:$0x3FB7]  }
0x39: {  	_ = 	snop;
	(pc) =	sbr.ind lr, $3  }
0x3a: {  	_ = 	snop  }
0x3b: {  	_ = 	snop  }
0x3c: {  	p2 =	seq.s32 s10, $0x1;
	s10 =	sld [smem:$0x3FB6]  }
0x3d: {  	_ =	shalt  }
0x3e: {  	_ =	shalt  }
0x3f: {  	_ =	shalt  }
0x40: {  	_ =	shalt  }
0x41: {  	_ =	shalt  }
0x42: {  	_ =	shalt  }
0x43: {  	_ =	shalt  }
0x44: {  	_ =	shalt  }
0x45: {  	_ =	shalt  }
0x46: {  	_ =	shalt  }
0x47: {  	_ =	shalt  }
0x48: {  	_ =	shalt  }
0x49: {  	_ =	shalt  }
0x4a: {  	_ =	shalt  }
0x4b: {  	_ =	shalt  }
0x4c: {  	_ =	shalt  }
0x4d: {  	_ =	shalt  }
0x4e: {  	_ =	shalt  }
0x4f: {  	_ =	shalt  }
0x50: {  	_ =	shalt  }
0x51: {  	_ =	shalt  }
0x52: {  	_ =	shalt  }
0x53: {  	_ =	shalt  }
0x54: {  	_ =	shalt  }
0x55: {  	_ =	shalt  }
0x56: {  	_ =	shalt  }
0x57: {  	_ =	shalt  }
0x58: {  	_ =	shalt  }
0x59: {  	_ =	shalt  }
0x5a: {  	_ =	shalt  }
0x5b: {  	_ =	shalt  }
0x5c: {  	_ =	shalt  }
0x5d: {  	_ =	shalt  }
0x5e: {  	_ =	shalt  }
0x5f: {  	_ =	shalt  }
0x60: {  	_ =	shalt  }
0x61: {  	_ =	shalt  }
0x62: {  	_ =	shalt  }
0x63: {  	_ =	shalt  }
0x64: {  	_ =	shalt  }
0x65: {  	_ =	shalt  }
0x66: {  	_ =	shalt  }
0x67: {  	_ =	shalt  }
0x68: {  	_ =	shalt  }
0x69: {  	_ =	shalt  }
0x6a: {  	_ =	shalt  }
0x6b: {  	_ =	shalt  }
0x6c: {  	_ =	shalt  }
0x6d: {  	_ =	shalt  }
0x6e: {  	_ =	shalt  }
0x6f: {  	_ =	shalt  }
0x70: {  	_ =	shalt  }
0x71: {  	_ =	shalt  }
0x72: {  	_ =	shalt  }
0x73: {  	_ =	shalt  }
0x74: {  	_ =	shalt  }
0x75: {  	_ =	shalt  }
0x76: {  	_ =	shalt  }
0x77: {  	_ =	shalt  }
0x78: {  	_ =	shalt  }
0x79: {  	_ =	shalt  }
0x7a: {  	_ =	shalt  }
0x7b: {  	_ =	shalt  }
0x7c: {  	_ =	shalt  }
0x7d: {  	_ =	shalt  }
0x7e: {  	_ =	shalt  }
0x7f: {  	_ =	shalt  }
0x80: {  	_ =	shalt  }
0x81: {  	_ =	shalt  }
0x82: {  	_ =	shalt  }
0x83: {  	_ =	shalt  }
0x84: {  	_ =	shalt  }
0x85: {  	_ =	shalt  }
0x86: {  	_ =	shalt  }
0x87: {  	_ =	shalt  }
.Lfunc_end0:
.L_simem_size_0:
called_computation_lowered:
.L_overlay_start_0:
0x88: {  	s2 =	sld [smem:$0x3FD9]  }
0x89: {  	s3 =	sld [smem:$0x3FFE];
	_ =	sdelay $0x1  }
0x8a: {  	s1 =	srdreg.scid  }
0x8b: {  	s0 =	sand.u32 $0x1, s1  }
0x8c: {  	s17 =	sshll.u32 s0, $0xA;
	s2 =	sadd.s32 s3, s2  }
0x8d: {  	s2 =	sadd.s32 s2, s17  }
0x8e: {  	[smem:$0x3FC2] =	sst s2  }
0x8f: {  	_ = 	snop  }
0x90: {  	s2 =	sld [smem:$0x3FD0];
	(tm) =	ssettm $0x1  }
0x91: {  	s18 =	sld [smem:$0x3FFB];
	_ =	sdelay $0x3  }
0x92: {  	_ =	strace s18  }
0x93: {  	s3 =	sld [smem:$0x3FFC];
	_ =	sdelay $0x3  }
0x94: {  	_ =	strace s3  }
0x95: {  	s3 =	sld [smem:$0x3FFD];
	_ =	sdelay $0x3  }
0x96: {  	_ =	strace s3  }
0x97: {  	_ =	strace $0x8FFFFFFF  }
0x98: {  	s19 =	sld [smem:$0x3FDB];
	_ =	sdelay $0x1  }
0x99: {  	s4 =	simm.s32 $_scs_section_size  }
0x9a: {  	s5 =	simm.s32 $_size__tile_overlayer_lowered;
	s6 =	simm.s32 $_tile_overlayer_lowered  }
0x9b: {  	s22 =	simm.s32 $0x1BFF;
	s21 =	sshll.u32 s6, $0x1;
	s3 =	sadd.s32 s4, s19  }
0x9c: {  	s7 =	simm.s32 $0x0;
	s20 =	sshll.u32 s5, $0x1;
	s5 =	sadd.s32 s21, s3  }
0x9d: {  	[timem:s7], [sflag:s22] =	dma.local [hbm:s5], s20  }
0x9e: {  	_ =	swait.ge [sflag:s22], s20  }
0x9f: {  	s4 =	ssub.s32 $0x0, s20;
	[sflag:s22] =	ssyncset.done $0x0  }
0xa0: {  	[sflag:s22] =	ssyncadd.s32 s4;
	_ =	sdelay $0x1  }
0xa1: {  	s23 =	simm.s32 $0x1B8B  }
0xa2: {  	_ =	swait.ge [sflag:s23], $0x1  }
0xa3: {  	[sflag:s23] =	ssyncset.done $0x0  }
0xa4: {  	s25 =	simm.s32 $0x1B8E;
	s24 =	sld [smem:$0x3FFE];
	[sflag:s23] =	ssyncadd.s32 $0xFFFFFFFF  }
0xa5: {  	s26 =	simm.s32 $execute0_lowered;
	[smem:$0x3FD2] =	sst s25  }
0xa6: {  	s5 =	sshll.u32 s26, $0x1;
	_ =	strace $0x80000046;
	[dreg:$0x1] =	wrdreg $0xFFFFFFFF  }
0xa7: {  	s28 =	simm.s32 $_size_execute0_lowered;
	s3 =	sadd.s32 s3, s5;
	[dreg:$0x0] =	wrdreg $0x0  }
0xa8: {  	s5 =	sshll.u32 s28, $0x1;
	[dreg:$0x2] =	wrdreg s3  }
0xa9: {  	[dreg:$0x3] =	wrdreg s5  }
0xaa: {  	[dreg:$0x4] =	wrdreg $0xC0  }
0xab: {  	_ =	task [dreg:s7], $0x5FFFF  }
0xac: {  	[dreg:$0x1] =	wrdreg $0xFFFFFFFF  }
0xad: {  	[dreg:$0x0] =	wrdreg $0x60  }
0xae: {  	[dreg:$0x2] =	wrdreg s24  }
0xaf: {  	[dreg:$0x3] =	wrdreg s2  }
0xb0: {  	[dreg:$0x4] =	wrdreg $0x9  }
0xb1: {  	_ =	task.clear_ibuf [dreg:s7], $0x5FFFF;
	_ =	strace $0x90000046  }
0xb2: {  	s29 =	simm.s32 $0x9;
	_ =	strace $0x80000048  }
0xb3: {  	_ =	swait.ge [sflag:s29], $0x1  }
0xb4: {  	[sflag:s29] =	ssyncadd.s32 $0xFFFFFFFF  }
0xb5: {  	_ =	strace $0x90000048  }
0xb6: {  	_ =	sfence  }
0xb7: {  	s30 =	sld [smem:$0x0];
	_ =	sdelay $0x2  }
0xb8: {  	s31 =	sshll.u32 s1, $0xD;
	s1 =	sshrl.u32 s1, $0x2  }
0xb9: {  	s3 =	sand.u32 $0x4000, s31;
	s1 =	sadd.s32 s1, s30  }
0xba: {  	s0 =	sor.u32 s3, s0;
	s1 =	sshll.u32 s1, $0x11  }
0xbb: {  	s0 =	sor.u32 s1, s0  }
0xbc: {  	s0 =	sadd.s32 $0x8F2B, s0  }
0xbd: {  	[sflag:s0] =	ssyncadd.remote.s32 $0x1  }
0xbe: {  	_ =	sfence.sel $0xFFFF  }
0xbf: {  	[dreg:$0x0] =	wrdreg $0xFFFFFFFF;
	(pc) =	sbr.abs _section_cstart, $3  }
0xc0: {  	[dreg:$0x1] =	wrdreg $0xFFFFFFFF  }
0xc1: {  	_ =	task.clear_ibuf [dreg:s7], $0x2FFFF;
	_ =	strace $0x9FFFFFFF  }
0xc2: {  	(tm) =	ssettm $0x7FFFFFFF  }
0xc3: {  	_ =	shalt  }
tec
execute0_lowered:
.L_overlay_start_1:
0x0: {  	(tag) =	ssettag $0x1  }
0x1: {  	s0 =	srdreg.scid  }
0x2: {  	s5 =	rddreg [dreg:$0x0];
	s4 =	sand.u32 $0x1, s0  }
0x3: {  	s2 =	rddreg [dreg:$0x1];
	s0 =	stileid.u32;
	s1 =	sshll.u32 s4, $0x4  }
0x4: {  	s3 =	simm.s32 $0x0;
	s9 =	simm.s32 $0x0;
	s6 =	sor.u32 s0, s1  }
0x5: {  	[smem:$0x7FF] =	sst s3;
	s4 =	ssub.s32 $0x2, s4;
	s7 =	smul.u32 $0x271, s6  }
0x6: {  	s1 =	rddreg [dreg:$0x2];
	s8 =	sshrl.u32 s4, $0x1;
	s6 =	smul.u32 $0x500, s6  }
0x7: {  	_ =	strace $0x80000047;
	s31 =	ssub.s32 s4, s8;
	s8 =	simm.s32 $0x1  }
0x8: {  	s7 =	sadd.s32 s7, s5;
	s5 =	sadd.s32 s6, s5;
	s6 =	smax.u32 s31, $0x1  }
0x9: {  	v0 =	vlaneseq.u32;
	s4 =	sadd.s32 $0x3400, s7;
	s5 =	sadd.s32 $0xD400, s5;
	s7 =	simm.s32 $0x1400  }
.LBB2_1:
0xa: {  	[tilespmem:s7], [sflag:$0x1] =	stream.linear.gather [hbm4b:s2+s3], $0x2800, $0x38;
	[tilespmem:$0x3C00] =	vst v63  }
0xb: {  	_ =	swait.ge [sflag:s8], $0x2800  }
0xc: {  	[sflag:s8] =	ssyncset.done $0x0  }
0xd: {  	[sflag:s8] =	ssyncadd.s32 $0xFFFFD800  }
0xe: {  	[tilespmem:s3], [sflag:$0x1] =	stream.linear.gather [hbm4b:s4+s3], $0x1398, $0x38;
	[tilespmem:$0x3C00] =	vst v63  }
0xf: {  	_ =	swait.ge [sflag:s8], $0x1398  }
0x10: {  	[sflag:s8] =	ssyncset.done $0x0  }
0x11: {  	[sflag:s8] =	ssyncadd.s32 $0xFFFFEC68  }
0x12: {  	s10 =	simm.s32 $0x1388;
	s11 =	simm.s32 $0x1378;
	s12 =	simm.s32 $0x0;
	v1 =	vld [tilespmem:s3+$0x0]  }
.LBB2_2:
0x13: {  	p0 =	sne.s32 s11, $0x8  }
0x14: {  	s13 =	smin.u32 s10, $0x10;
	s10 =	smov.u32 s11  }
0x15: {  	v2 =	vmov s13  }
0x16: {  	vm0 =	vgt.u32 v2, v0  }
0x17: {  	(xrf1) =	vunique.msk.u32 vm0, v1;
	_ =	sdelay $0xd  }
0x18: {  	_, v2, vm0 =	vpop (xrf1);
	_ =	sdelay $0x2  }
.Ltmp0:
0x19: {  	(pc) =	sbr.rel @p0 .LBB2_2-.Ltmp0, $3  }
0x1a: {  	v2 =	vcvt.s32.f32 v2;
	_ =	sdelay $0x1  }
0x1b: {  	s12 =	sadd.s32 $0x10, s12;
	[tilespmem:v1+s7+$0x0] =	vst.idx.add.f32.msk vm0, v2  }
0x1c: {  	s11 =	sadd.s32 $0xFFFFFFF0, s11;
	v1 =	vld [tilespmem:s12+$0x0]  }
0x1d: {  	_ = 	snop  }
0x1e: {  	s10 =	smin.u32 s10, $0x10  }
0x1f: {  	v2 =	vmov s10  }
0x20: {  	vm0 =	vgt.u32 v2, v0  }
0x21: {  	(xrf1) =	vunique.msk.u32 vm0, v1;
	_ =	sdelay $0xd  }
0x22: {  	_, v2, vm0 =	vpop (xrf1);
	_ =	sdelay $0x3  }
0x23: {  	s9 =	sadd.s32 $0x1, s9;
	v2 =	vcvt.s32.f32 v2  }
0x24: {  	p0 =	sne.s32 s9, s6  }
.Ltmp1:
0x25: {  	[tilespmem:v1+s7+$0x0] =	vst.idx.add.f32.msk vm0, v2;
	(pc) =	sbr.rel @p0 .LBB2_1-.Ltmp1, $4  }
0x26: {  	[hbm4b:s5+s3] =	stream.linear.scatter [tilespmem:s7], [sflag:$0x1], $0x2800, $0x38;
	[tilespmem:$0x3C00] =	vst v63  }
0x27: {  	_ =	swait.ge [sflag:s8], $0x2800  }
0x28: {  	[sflag:s8] =	ssyncset.done $0x0  }
0x29: {  	[sflag:s8] =	ssyncadd.s32 $0xFFFFD800  }
0x2a: {  	_ =	sfence.sel $0x180000  }
0x2b: {  	[bflag:$0x0] =	sbarrier.arrive $0xFFFF  }
0x2c: {  	p0 =	sne.s32 s0, $0x0;
	_ =	strace $0x90000047  }
0x2d: {  	s0 =	sadd.s32 @!p0 $0x100000, s1;
	[bflag:$0x2] =	sbarrier.arrive $0xFFFF  }
0x2e: {  	[sflag:s0] =	ssyncadd.tile.s32 @!p0 $0x1;
	_ =	shalt  }
.Lfunc_end2:
_tile_overlayer_lowered:
.L_overlay_start_2:
0x2f: {  	(tag) =	ssettag $0x2  }
0x30: {  	s0 =	rddreg [dreg:$0x0];
	s2 =	stileid.u32  }
0x31: {  	s1 =	rddreg [dreg:$0x1];
	p0 =	sne.s32 s2, $0x0  }
0x32: {  	s3 =	rddreg [dreg:$0x2];
	[bflag:$0x3] =	sbarrier.arrive $0xFFFF;
	s2 =	simm.s32 @!p0 $0x1C01  }
0x33: {  	[timem:s3], [sflag:s2] =	dma.local @!p0 [hbm:s0], s1  }
0x34: {  	s0 =	simm.s32 @!p0 $0x1  }
0x35: {  	_ =	swait.ge @!p0 [sflag:s0], s1  }
0x36: {  	s1 =	ssub.s32 @!p0 $0x0, s1;
	[sflag:s0] =	ssyncset.done @!p0 $0x0  }
0x37: {  	[sflag:s0] =	ssyncadd.s32 @!p0 s1  }
0x38: {  	[bflag:$0x3] =	sbarrier.arrive $0xFFFF  }
0x39: {  	_ =	shalt  }

</sc_bundles>
